<compile_context>
chip_gen: v7x
topology: tpu7x:2x2x1
jax: 0.10.2.dev20260603
libtpu: 0.0.44.dev20260713+nightly
codegen_flags: <defaults>
</compile_context>

<pallas_src>
import functools

import jax
import jax.numpy as jnp
from jax import lax
from jax.experimental import pallas as pl
from jax.experimental.pallas import tpu as pltpu
from jax.experimental.pallas import tpu_sc as plsc

B, L = 4096, 200
CHAR_D, SEG_D, POS_D, BICHAR_D = 64, 16, 32, 64
D_TOT = CHAR_D + SEG_D + POS_D + BICHAR_D
N = B * L

NC, NS = 2, 16
NW = NC * NS
TOK_PER_W = N // NW
CHUNK = 128
SUP = 2
STAGE_TOK = SUP * CHUNK
NSTAGE = TOK_PER_W // STAGE_TOK

_mesh = plsc.VectorSubcoreMesh(core_axis_name="c", subcore_axis_name="s")

_COLS = (
    (0, CHAR_D),
    (CHAR_D, SEG_D),
    (CHAR_D + SEG_D, POS_D),
    (CHAR_D + SEG_D + POS_D, BICHAR_D),
)
_DIMS = (CHAR_D, SEG_D, POS_D, BICHAR_D)


@functools.partial(
    pl.kernel,
    mesh=_mesh,
    out_type=jax.ShapeDtypeStruct((N, D_TOT), jnp.float32),
    scratch_types=[
        [pltpu.VMEM((SUP, CHUNK), jnp.int32) for _ in range(4)],
        [pltpu.VMEM((SUP, CHUNK), jnp.int32) for _ in range(4)],
        [pltpu.VMEM((STAGE_TOK, d), jnp.float32) for d in _DIMS],
        [pltpu.VMEM((STAGE_TOK, d), jnp.float32) for d in _DIMS],
        pltpu.VMEM((8, SEG_D), jnp.float32),
        pltpu.VMEM((512, POS_D), jnp.float32),
        pltpu.SemaphoreType.DMA,
        pltpu.SemaphoreType.DMA,
        pltpu.SemaphoreType.DMA,
        pltpu.SemaphoreType.DMA,
        pltpu.SemaphoreType.DMA,
        pltpu.SemaphoreType.DMA,
    ],
    compiler_params=pltpu.CompilerParams(use_tc_tiling_on_sc=False,
                                         needs_layout_passes=False),
)
def _mix_embed(ic_hbm, is_hbm, ip_hbm, ib_hbm,
               char_hbm, seg_hbm, pos_hbm, bichar_hbm, out_hbm,
               idx0, idx1, bufs0, bufs1, seg_t, pos_t,
               is0, is1, gs0, gs1, ws0, ws1):
    idx_v = (idx0, idx1)
    tab_v = (bufs0, bufs1)
    isem = (is0, is1)
    gsem = (gs0, gs1)
    wsem = (ws0, ws1)
    idx_hbm = (ic_hbm, is_hbm, ip_hbm, ib_hbm)
    tables = (char_hbm, None, None, bichar_hbm)
    wid = lax.axis_index("s") * NC + lax.axis_index("c")
    first_stage = wid * NSTAGE

    pltpu.sync_copy(seg_hbm, seg_t)
    pltpu.sync_copy(pos_hbm, pos_t)
    lane = jnp.arange(16, dtype=jnp.int32)

    def idx_copies(s, b, fn):
        row = (first_stage + s) * SUP
        return [fn(idx_hbm[t].at[pl.ds(row, SUP)], idx_v[b][t], isem[b])
                for t in range(4)]

    def gather_copies(b, fn):
        out = []
        for c in range(SUP):
            tok = c * CHUNK
            for t in (0, 3):
                out.append(fn(
                    tables[t].at[idx_v[b][t].at[c]],
                    tab_v[b][t].at[pl.ds(tok, CHUNK)],
                    gsem[b],
                ))
        return out

    def seg_pos_fill(b):
        seg_buf, pos_buf = tab_v[b][1], tab_v[b][2]
        for c in range(SUP):
            def grp_body(g, carry):
                j0 = g * 16
                vseg = idx_v[b][1][c, pl.ds(j0, 16)]
                vpos = idx_v[b][2][c, pl.ds(j0, 16)]
                trow = (c * CHUNK + j0) + lane
                for col in range(SEG_D):
                    colv = jnp.full((16,), col, dtype=jnp.int32)
                    plsc.store_scatter(seg_buf, [trow, colv],
                                       plsc.load_gather(seg_t, [vseg, colv]))
                for col in range(POS_D):
                    colv = jnp.full((16,), col, dtype=jnp.int32)
                    plsc.store_scatter(pos_buf, [trow, colv],
                                       plsc.load_gather(pos_t, [vpos, colv]))
                return carry
            lax.fori_loop(0, CHUNK // 16, grp_body, 0)

    def write_copies(s, b, fn):
        base = (first_stage + s) * STAGE_TOK
        return [
            fn(tab_v[b][t], out_hbm.at[pl.ds(base, STAGE_TOK), pl.ds(col, width)], wsem[b])
            for t, (col, width) in enumerate(_COLS)
        ]

    idx_copies(0, 0, pltpu.async_copy)

    def body(ss, carry):
        for b in (0, 1):
            s = ss * 2 + b
            nb = 1 - b
            for w in idx_copies(s, b, pltpu.make_async_copy):
                w.wait()
            @pl.when(s >= 2)
            def _():
                for w in write_copies(s - 2, b, pltpu.make_async_copy):
                    w.wait()
            gather_copies(b, pltpu.async_copy)
            @pl.when(s + 1 < NSTAGE)
            def _():
                idx_copies(s + 1, nb, pltpu.async_copy)
            seg_pos_fill(b)
            for w in gather_copies(b, pltpu.make_async_copy):
                w.wait()
            write_copies(s, b, pltpu.async_copy)
        return carry

    lax.fori_loop(0, NSTAGE // 2, body, 0)
    for w in write_copies(NSTAGE - 2, 0, pltpu.make_async_copy):
        w.wait()
    for w in write_copies(NSTAGE - 1, 1, pltpu.make_async_copy):
        w.wait()


def kernel(pad_chars, pad_bichars, pad_segs, pad_poss, char_table, bichar_table, seg_table, pos_table):
    def flat(a):
        return a.astype(jnp.int32).reshape(N // CHUNK, CHUNK)

    out = _mix_embed(flat(pad_chars), flat(pad_segs), flat(pad_poss), flat(pad_bichars),
                     char_table, seg_table, pos_table, bichar_table)
    return out.reshape(B, L, D_TOT)

# --- scband reference (transcript-rebuilt; emitter-appended) ---
"""Pipeline reference for scband-mix-embedding-35862976922035 (READ-ONLY COPY).

The authoritative reference and input builder live on the scoring server;
editing this copy changes nothing except your own understanding.
"""

import jax, jax.numpy as jnp
import numpy as np

B = 4096
L = 200
CHAR_V, CHAR_D = 100000, 64
BICHAR_V, BICHAR_D = 1000000, 64
SEG_V, SEG_D = 8, 16
POS_V, POS_D = 512, 32


def setup_inputs(seed: int = 0) -> dict:
    key = jax.random.key(seed)
    k1, k2, k3, k4, k5, k6, k7, k8 = jax.random.split(key, 8)
    pad_chars = jax.random.randint(k1, (B, L), 0, CHAR_V, dtype=jnp.int64 if jax.config.jax_enable_x64 else jnp.int32)
    pad_bichars = jax.random.randint(k2, (B, L), 0, BICHAR_V, dtype=jnp.int64 if jax.config.jax_enable_x64 else jnp.int32)
    pad_segs = jax.random.randint(k3, (B, L), 0, SEG_V, dtype=jnp.int64 if jax.config.jax_enable_x64 else jnp.int32)
    pad_poss = jax.random.randint(k4, (B, L), 0, POS_V, dtype=jnp.int64 if jax.config.jax_enable_x64 else jnp.int32)
    char_table = jax.random.normal(k5, (CHAR_V, CHAR_D), dtype=jnp.float32)
    bichar_table = jax.random.normal(k6, (BICHAR_V, BICHAR_D), dtype=jnp.float32)
    seg_table = jax.random.normal(k7, (SEG_V, SEG_D), dtype=jnp.float32)
    pos_table = jax.random.normal(k8, (POS_V, POS_D), dtype=jnp.float32)
    return {
        "pad_chars": pad_chars,
        "pad_bichars": pad_bichars,
        "pad_segs": pad_segs,
        "pad_poss": pad_poss,
        "char_table": char_table,
        "bichar_table": bichar_table,
        "seg_table": seg_table,
        "pos_table": pos_table,
    }


def reference(pad_chars, pad_bichars, pad_segs, pad_poss, char_table, bichar_table, seg_table, pos_table):
    # MixEmbedding.forward: cat order is [char, seg, pos, bichar] along dim=2
    char_emb = jnp.take(char_table, pad_chars, axis=0)
    seg_emb = jnp.take(seg_table, pad_segs, axis=0)
    pos_emb = jnp.take(pos_table, pad_poss, axis=0)
    bichar_emb = jnp.take(bichar_table, pad_bichars, axis=0)
    final_embs = jnp.concatenate([char_emb, seg_emb, pos_emb, bichar_emb], axis=2)
    return final_embs

if __name__ == "__main__":
    import jax
    _d = setup_inputs()
    print(jax.jit(kernel)(*tuple(_d.values())))

</pallas_src>

<mosaic_0001>
#map = affine_map<(d0, d1) -> (0, 0)>
module attributes {stable_mosaic.version = 14 : i64} {
  func.func @_mix_embed(%arg0: i32, %arg1: i32, %arg2: memref<6400x128xi32, #tpu.memory_space<hbm>>, %arg3: memref<6400x128xi32, #tpu.memory_space<hbm>>, %arg4: memref<6400x128xi32, #tpu.memory_space<hbm>>, %arg5: memref<6400x128xi32, #tpu.memory_space<hbm>>, %arg6: memref<100000x64xf32, #tpu.memory_space<hbm>>, %arg7: memref<8x16xf32, #tpu.memory_space<hbm>>, %arg8: memref<512x32xf32, #tpu.memory_space<hbm>>, %arg9: memref<1000000x64xf32, #tpu.memory_space<hbm>>, %arg10: memref<819200x176xf32, #tpu.memory_space<hbm>>, %arg11: memref<2x128xi32, #tpu.memory_space<vmem>>, %arg12: memref<2x128xi32, #tpu.memory_space<vmem>>, %arg13: memref<2x128xi32, #tpu.memory_space<vmem>>, %arg14: memref<2x128xi32, #tpu.memory_space<vmem>>, %arg15: memref<2x128xi32, #tpu.memory_space<vmem>>, %arg16: memref<2x128xi32, #tpu.memory_space<vmem>>, %arg17: memref<2x128xi32, #tpu.memory_space<vmem>>, %arg18: memref<2x128xi32, #tpu.memory_space<vmem>>, %arg19: memref<256x64xf32, #tpu.memory_space<vmem>>, %arg20: memref<256x16xf32, #tpu.memory_space<vmem>>, %arg21: memref<256x32xf32, #tpu.memory_space<vmem>>, %arg22: memref<256x64xf32, #tpu.memory_space<vmem>>, %arg23: memref<256x64xf32, #tpu.memory_space<vmem>>, %arg24: memref<256x16xf32, #tpu.memory_space<vmem>>, %arg25: memref<256x32xf32, #tpu.memory_space<vmem>>, %arg26: memref<256x64xf32, #tpu.memory_space<vmem>>, %arg27: memref<8x16xf32, #tpu.memory_space<vmem>>, %arg28: memref<512x32xf32, #tpu.memory_space<vmem>>, %arg29: memref<!tpu.dma_semaphore, #tpu.memory_space<semaphore_mem>>, %arg30: memref<!tpu.dma_semaphore, #tpu.memory_space<semaphore_mem>>, %arg31: memref<!tpu.dma_semaphore, #tpu.memory_space<semaphore_mem>>, %arg32: memref<!tpu.dma_semaphore, #tpu.memory_space<semaphore_mem>>, %arg33: memref<!tpu.dma_semaphore, #tpu.memory_space<semaphore_mem>>, %arg34: memref<!tpu.dma_semaphore, #tpu.memory_space<semaphore_mem>>) attributes {dimension_semantics = [#tpu.dimension_semantics<core_parallel>, #tpu.dimension_semantics<subcore_parallel>], iteration_bounds = array<i64: 2, 16>, scalar_prefetch = 0 : i64, scratch_operands = 24 : i64, tpu.core_type = #tpu.core_type<sc_vector_subcore>, window_params = [{transform_indices = #map}, {transform_indices = #map}, {transform_indices = #map}, {transform_indices = #map}, {transform_indices = #map}, {transform_indices = #map}, {transform_indices = #map}, {transform_indices = #map}, {transform_indices = #map}]} {
    %mul3A = arith.constant 2 : i32
    %mul3A_0 = arith.muli %arg1, %mul3A : i32
    %add3A = arith.addi %mul3A_0, %arg0 : i32
    %mul3A_1 = arith.constant 100 : i32
    %mul3A_2 = arith.muli %add3A, %mul3A_1 : i32
    "tpu.region"() ({
      %run_scoped3A = tpu.sem_alloc : memref<!tpu.dma_semaphore, #tpu.memory_space<semaphore_mem>>
      tpu.enqueue_dma source(%arg7 : memref<8x16xf32, #tpu.memory_space<hbm>>) target(%arg27 : memref<8x16xf32, #tpu.memory_space<vmem>>) target_semaphore(%run_scoped3A : memref<!tpu.dma_semaphore, #tpu.memory_space<semaphore_mem>>)
      tpu.wait_dma2 semaphore(%run_scoped3A : memref<!tpu.dma_semaphore, #tpu.memory_space<semaphore_mem>>) src(%arg7 : memref<8x16xf32, #tpu.memory_space<hbm>>) dst(%arg27 : memref<8x16xf32, #tpu.memory_space<vmem>>)
      tpu.yield
    }) : () -> ()
    "tpu.region"() ({
      %run_scoped3A = tpu.sem_alloc : memref<!tpu.dma_semaphore, #tpu.memory_space<semaphore_mem>>
      tpu.enqueue_dma source(%arg8 : memref<512x32xf32, #tpu.memory_space<hbm>>) target(%arg28 : memref<512x32xf32, #tpu.memory_space<vmem>>) target_semaphore(%run_scoped3A : memref<!tpu.dma_semaphore, #tpu.memory_space<semaphore_mem>>)
      tpu.wait_dma2 semaphore(%run_scoped3A : memref<!tpu.dma_semaphore, #tpu.memory_space<semaphore_mem>>) src(%arg8 : memref<512x32xf32, #tpu.memory_space<hbm>>) dst(%arg28 : memref<512x32xf32, #tpu.memory_space<vmem>>)
      tpu.yield
    }) : () -> ()
    %iota3A = tpu.iota {dimensions = array<i32: 0>} : vector<16xi32>
    %add3A_3 = arith.constant 0 : i32
    %add3A_4 = arith.addi %mul3A_2, %add3A_3 : i32
    %mul3A_5 = arith.constant 2 : i32
    %mul3A_6 = arith.muli %add3A_4, %mul3A_5 : i32
    %dma_start3A = arith.constant 0 : i32
    %dma_start3A_7 = tpu.memref_slice %arg2[%mul3A_6, %dma_start3A] : memref<6400x128xi32, #tpu.memory_space<hbm>> -> memref<2x128xi32, #tpu.memory_space<hbm>>
    %dma_start3A_8 = arith.constant 0 : i32
    %dma_start3A_9 = tpu.memref_slice %arg2[%mul3A_6, %dma_start3A_8] : memref<6400x128xi32, #tpu.memory_space<hbm>> -> memref<2x128xi32, #tpu.memory_space<hbm>>
    tpu.enqueue_dma source(%dma_start3A_9 : memref<2x128xi32, #tpu.memory_space<hbm>>) target(%arg11 : memref<2x128xi32, #tpu.memory_space<vmem>>) target_semaphore(%arg29 : memref<!tpu.dma_semaphore, #tpu.memory_space<semaphore_mem>>)
    %dma_start3A_10 = arith.constant 0 : i32
    %dma_start3A_11 = tpu.memref_slice %arg3[%mul3A_6, %dma_start3A_10] : memref<6400x128xi32, #tpu.memory_space<hbm>> -> memref<2x128xi32, #tpu.memory_space<hbm>>
    %dma_start3A_12 = arith.constant 0 : i32
    %dma_start3A_13 = tpu.memref_slice %arg3[%mul3A_6, %dma_start3A_12] : memref<6400x128xi32, #tpu.memory_space<hbm>> -> memref<2x128xi32, #tpu.memory_space<hbm>>
    tpu.enqueue_dma source(%dma_start3A_13 : memref<2x128xi32, #tpu.memory_space<hbm>>) target(%arg12 : memref<2x128xi32, #tpu.memory_space<vmem>>) target_semaphore(%arg29 : memref<!tpu.dma_semaphore, #tpu.memory_space<semaphore_mem>>)
    %dma_start3A_14 = arith.constant 0 : i32
    %dma_start3A_15 = tpu.memref_slice %arg4[%mul3A_6, %dma_start3A_14] : memref<6400x128xi32, #tpu.memory_space<hbm>> -> memref<2x128xi32, #tpu.memory_space<hbm>>
    %dma_start3A_16 = arith.constant 0 : i32
    %dma_start3A_17 = tpu.memref_slice %arg4[%mul3A_6, %dma_start3A_16] : memref<6400x128xi32, #tpu.memory_space<hbm>> -> memref<2x128xi32, #tpu.memory_space<hbm>>
    tpu.enqueue_dma source(%dma_start3A_17 : memref<2x128xi32, #tpu.memory_space<hbm>>) target(%arg13 : memref<2x128xi32, #tpu.memory_space<vmem>>) target_semaphore(%arg29 : memref<!tpu.dma_semaphore, #tpu.memory_space<semaphore_mem>>)
    %dma_start3A_18 = arith.constant 0 : i32
    %dma_start3A_19 = tpu.memref_slice %arg5[%mul3A_6, %dma_start3A_18] : memref<6400x128xi32, #tpu.memory_space<hbm>> -> memref<2x128xi32, #tpu.memory_space<hbm>>
    %dma_start3A_20 = arith.constant 0 : i32
    %dma_start3A_21 = tpu.memref_slice %arg5[%mul3A_6, %dma_start3A_20] : memref<6400x128xi32, #tpu.memory_space<hbm>> -> memref<2x128xi32, #tpu.memory_space<hbm>>
    tpu.enqueue_dma source(%dma_start3A_21 : memref<2x128xi32, #tpu.memory_space<hbm>>) target(%arg14 : memref<2x128xi32, #tpu.memory_space<vmem>>) target_semaphore(%arg29 : memref<!tpu.dma_semaphore, #tpu.memory_space<semaphore_mem>>)
    %scan3A = arith.constant 0 : i32
    %scan3A_22 = arith.constant 0 : i32
    %scan3A_23 = arith.constant 50 : i32
    %scan3A_24 = arith.addi %scan3A_22, %scan3A_23 : i32
    %scan3A_25 = arith.constant 1 : i32
    scf.for %scan3A_66 = %scan3A_22 to %scan3A_24 step %scan3A_25  : i32 {
      %mul3A_67 = arith.constant 2 : i32
      %mul3A_68 = arith.muli %scan3A_66, %mul3A_67 : i32
      %add3A_69 = arith.constant 0 : i32
      %add3A_70 = arith.addi %mul3A_68, %add3A_69 : i32
      %add3A_71 = arith.addi %mul3A_2, %add3A_70 : i32
      %mul3A_72 = arith.constant 2 : i32
      %mul3A_73 = arith.muli %add3A_71, %mul3A_72 : i32
      %dma_wait3A_74 = arith.constant 0 : i32
      %dma_wait3A_75 = tpu.memref_slice %arg2[%mul3A_73, %dma_wait3A_74] : memref<6400x128xi32, #tpu.memory_space<hbm>> -> memref<2x128xi32, #tpu.memory_space<hbm>>
      %dma_wait3A_76 = arith.constant 0 : i32
      %dma_wait3A_77 = tpu.memref_slice %arg2[%mul3A_73, %dma_wait3A_76] : memref<6400x128xi32, #tpu.memory_space<hbm>> -> memref<2x128xi32, #tpu.memory_space<hbm>>
      tpu.wait_dma2 semaphore(%arg29 : memref<!tpu.dma_semaphore, #tpu.memory_space<semaphore_mem>>) src(%dma_wait3A_77 : memref<2x128xi32, #tpu.memory_space<hbm>>) dst(%arg11 : memref<2x128xi32, #tpu.memory_space<vmem>>)
      %dma_wait3A_78 = arith.constant 0 : i32
      %dma_wait3A_79 = tpu.memref_slice %arg3[%mul3A_73, %dma_wait3A_78] : memref<6400x128xi32, #tpu.memory_space<hbm>> -> memref<2x128xi32, #tpu.memory_space<hbm>>
      %dma_wait3A_80 = arith.constant 0 : i32
      %dma_wait3A_81 = tpu.memref_slice %arg3[%mul3A_73, %dma_wait3A_80] : memref<6400x128xi32, #tpu.memory_space<hbm>> -> memref<2x128xi32, #tpu.memory_space<hbm>>
      tpu.wait_dma2 semaphore(%arg29 : memref<!tpu.dma_semaphore, #tpu.memory_space<semaphore_mem>>) src(%dma_wait3A_81 : memref<2x128xi32, #tpu.memory_space<hbm>>) dst(%arg12 : memref<2x128xi32, #tpu.memory_space<vmem>>)
      %dma_wait3A_82 = arith.constant 0 : i32
      %dma_wait3A_83 = tpu.memref_slice %arg4[%mul3A_73, %dma_wait3A_82] : memref<6400x128xi32, #tpu.memory_space<hbm>> -> memref<2x128xi32, #tpu.memory_space<hbm>>
      %dma_wait3A_84 = arith.constant 0 : i32
      %dma_wait3A_85 = tpu.memref_slice %arg4[%mul3A_73, %dma_wait3A_84] : memref<6400x128xi32, #tpu.memory_space<hbm>> -> memref<2x128xi32, #tpu.memory_space<hbm>>
      tpu.wait_dma2 semaphore(%arg29 : memref<!tpu.dma_semaphore, #tpu.memory_space<semaphore_mem>>) src(%dma_wait3A_85 : memref<2x128xi32, #tpu.memory_space<hbm>>) dst(%arg13 : memref<2x128xi32, #tpu.memory_space<vmem>>)
      %dma_wait3A_86 = arith.constant 0 : i32
      %dma_wait3A_87 = tpu.memref_slice %arg5[%mul3A_73, %dma_wait3A_86] : memref<6400x128xi32, #tpu.memory_space<hbm>> -> memref<2x128xi32, #tpu.memory_space<hbm>>
      %dma_wait3A_88 = arith.constant 0 : i32
      %dma_wait3A_89 = tpu.memref_slice %arg5[%mul3A_73, %dma_wait3A_88] : memref<6400x128xi32, #tpu.memory_space<hbm>> -> memref<2x128xi32, #tpu.memory_space<hbm>>
      tpu.wait_dma2 semaphore(%arg29 : memref<!tpu.dma_semaphore, #tpu.memory_space<semaphore_mem>>) src(%dma_wait3A_89 : memref<2x128xi32, #tpu.memory_space<hbm>>) dst(%arg14 : memref<2x128xi32, #tpu.memory_space<vmem>>)
      %ge3A = arith.constant 2 : i32
      %ge3A_90 = arith.cmpi sge, %add3A_70, %ge3A : i32
      %convert_element_type3A = arith.extui %ge3A_90 : i1 to i32
      %cond3A = arith.constant 0 : i32
      %cond3A_91 = arith.cmpi ne, %convert_element_type3A, %cond3A : i32
      scf.if %cond3A_91 {
        %sub3A = arith.constant 2 : i32
        %sub3A_355 = arith.subi %add3A_70, %sub3A : i32
        %add3A_356 = arith.addi %mul3A_2, %sub3A_355 : i32
        %mul3A_357 = arith.constant 256 : i32
        %mul3A_358 = arith.muli %add3A_356, %mul3A_357 : i32
        %dma_wait3A_359 = arith.constant 0 : i32
        %dma_wait3A_360 = tpu.memref_slice %arg10[%mul3A_358, %dma_wait3A_359] : memref<819200x176xf32, #tpu.memory_space<hbm>> -> memref<256x64xf32, #tpu.memory_space<hbm>>
        %dma_wait3A_361 = arith.constant 0 : i32
        %dma_wait3A_362 = tpu.memref_slice %arg10[%mul3A_358, %dma_wait3A_361] : memref<819200x176xf32, #tpu.memory_space<hbm>> -> memref<256x64xf32, #tpu.memory_space<hbm>>
        tpu.wait_dma2 semaphore(%arg33 : memref<!tpu.dma_semaphore, #tpu.memory_space<semaphore_mem>>) src(%arg19 : memref<256x64xf32, #tpu.memory_space<vmem>>) dst(%dma_wait3A_362 : memref<256x64xf32, #tpu.memory_space<hbm>>)
        %dma_wait3A_363 = arith.constant 64 : i32
        %dma_wait3A_364 = tpu.memref_slice %arg10[%mul3A_358, %dma_wait3A_363] : memref<819200x176xf32, #tpu.memory_space<hbm>> -> memref<256x16xf32, #tpu.memory_space<hbm>>
        %dma_wait3A_365 = arith.constant 64 : i32
        %dma_wait3A_366 = tpu.memref_slice %arg10[%mul3A_358, %dma_wait3A_365] : memref<819200x176xf32, #tpu.memory_space<hbm>> -> memref<256x16xf32, #tpu.memory_space<hbm>>
        tpu.wait_dma2 semaphore(%arg33 : memref<!tpu.dma_semaphore, #tpu.memory_space<semaphore_mem>>) src(%arg20 : memref<256x16xf32, #tpu.memory_space<vmem>>) dst(%dma_wait3A_366 : memref<256x16xf32, #tpu.memory_space<hbm>>)
        %dma_wait3A_367 = arith.constant 80 : i32
        %dma_wait3A_368 = tpu.memref_slice %arg10[%mul3A_358, %dma_wait3A_367] : memref<819200x176xf32, #tpu.memory_space<hbm>> -> memref<256x32xf32, #tpu.memory_space<hbm>>
        %dma_wait3A_369 = arith.constant 80 : i32
        %dma_wait3A_370 = tpu.memref_slice %arg10[%mul3A_358, %dma_wait3A_369] : memref<819200x176xf32, #tpu.memory_space<hbm>> -> memref<256x32xf32, #tpu.memory_space<hbm>>
        tpu.wait_dma2 semaphore(%arg33 : memref<!tpu.dma_semaphore, #tpu.memory_space<semaphore_mem>>) src(%arg21 : memref<256x32xf32, #tpu.memory_space<vmem>>) dst(%dma_wait3A_370 : memref<256x32xf32, #tpu.memory_space<hbm>>)
        %dma_wait3A_371 = arith.constant 112 : i32
        %dma_wait3A_372 = tpu.memref_slice %arg10[%mul3A_358, %dma_wait3A_371] : memref<819200x176xf32, #tpu.memory_space<hbm>> -> memref<256x64xf32, #tpu.memory_space<hbm>>
        %dma_wait3A_373 = arith.constant 112 : i32
        %dma_wait3A_374 = tpu.memref_slice %arg10[%mul3A_358, %dma_wait3A_373] : memref<819200x176xf32, #tpu.memory_space<hbm>> -> memref<256x64xf32, #tpu.memory_space<hbm>>
        tpu.wait_dma2 semaphore(%arg33 : memref<!tpu.dma_semaphore, #tpu.memory_space<semaphore_mem>>) src(%arg22 : memref<256x64xf32, #tpu.memory_space<vmem>>) dst(%dma_wait3A_374 : memref<256x64xf32, #tpu.memory_space<hbm>>)
      } else {
      }
      %dma_start3A_92 = arith.constant 0 : i32
      %dma_start3A_93 = arith.constant 0 : i32
      %dma_start3A_94 = arith.constant 0 : i32
      %dma_start3A_95 = tpu.memref_slice %arg19[%dma_start3A_93, %dma_start3A_94] : memref<256x64xf32, #tpu.memory_space<vmem>> -> memref<128x64xf32, #tpu.memory_space<vmem>>
      %dma_start3A_96 = arith.constant 0 : i32
      %dma_start3A_97 = tpu.memref_slice %arg11[%dma_start3A_92, %dma_start3A_96] : memref<2x128xi32, #tpu.memory_space<vmem>> -> memref<1x128xi32, #tpu.memory_space<vmem>>
      %dma_start3A_98 = tpu.memref_squeeze %dma_start3A_97 : memref<1x128xi32, #tpu.memory_space<vmem>> -> memref<128xi32, #tpu.memory_space<vmem>>
      %dma_start3A_99 = arith.constant 0 : i32
      %dma_start3A_100 = arith.constant 0 : i32
      %dma_start3A_101 = tpu.memref_slice %arg6[%dma_start3A_99, %dma_start3A_100] : memref<100000x64xf32, #tpu.memory_space<hbm>> -> memref<100000x64xf32, #tpu.memory_space<hbm>>
      tpu.enqueue_indirect_dma source(%dma_start3A_101 : memref<100000x64xf32, #tpu.memory_space<hbm>>) target(%dma_start3A_95 : memref<128x64xf32, #tpu.memory_space<vmem>>) offsets(%dma_start3A_98 : memref<128xi32, #tpu.memory_space<vmem>>) semaphore(%arg31 : memref<!tpu.dma_semaphore, #tpu.memory_space<semaphore_mem>>)
      %dma_start3A_102 = arith.constant 0 : i32
      %dma_start3A_103 = arith.constant 0 : i32
      %dma_start3A_104 = arith.constant 0 : i32
      %dma_start3A_105 = tpu.memref_slice %arg22[%dma_start3A_103, %dma_start3A_104] : memref<256x64xf32, #tpu.memory_space<vmem>> -> memref<128x64xf32, #tpu.memory_space<vmem>>
      %dma_start3A_106 = arith.constant 0 : i32
      %dma_start3A_107 = tpu.memref_slice %arg14[%dma_start3A_102, %dma_start3A_106] : memref<2x128xi32, #tpu.memory_space<vmem>> -> memref<1x128xi32, #tpu.memory_space<vmem>>
      %dma_start3A_108 = tpu.memref_squeeze %dma_start3A_107 : memref<1x128xi32, #tpu.memory_space<vmem>> -> memref<128xi32, #tpu.memory_space<vmem>>
      %dma_start3A_109 = arith.constant 0 : i32
      %dma_start3A_110 = arith.constant 0 : i32
      %dma_start3A_111 = tpu.memref_slice %arg9[%dma_start3A_109, %dma_start3A_110] : memref<1000000x64xf32, #tpu.memory_space<hbm>> -> memref<1000000x64xf32, #tpu.memory_space<hbm>>
      tpu.enqueue_indirect_dma source(%dma_start3A_111 : memref<1000000x64xf32, #tpu.memory_space<hbm>>) target(%dma_start3A_105 : memref<128x64xf32, #tpu.memory_space<vmem>>) offsets(%dma_start3A_108 : memref<128xi32, #tpu.memory_space<vmem>>) semaphore(%arg31 : memref<!tpu.dma_semaphore, #tpu.memory_space<semaphore_mem>>)
      %dma_start3A_112 = arith.constant 1 : i32
      %dma_start3A_113 = arith.constant 128 : i32
      %dma_start3A_114 = arith.constant 0 : i32
      %dma_start3A_115 = tpu.memref_slice %arg19[%dma_start3A_113, %dma_start3A_114] : memref<256x64xf32, #tpu.memory_space<vmem>> -> memref<128x64xf32, #tpu.memory_space<vmem>>
      %dma_start3A_116 = arith.constant 0 : i32
      %dma_start3A_117 = tpu.memref_slice %arg11[%dma_start3A_112, %dma_start3A_116] : memref<2x128xi32, #tpu.memory_space<vmem>> -> memref<1x128xi32, #tpu.memory_space<vmem>>
      %dma_start3A_118 = tpu.memref_squeeze %dma_start3A_117 : memref<1x128xi32, #tpu.memory_space<vmem>> -> memref<128xi32, #tpu.memory_space<vmem>>
      %dma_start3A_119 = arith.constant 0 : i32
      %dma_start3A_120 = arith.constant 0 : i32
      %dma_start3A_121 = tpu.memref_slice %arg6[%dma_start3A_119, %dma_start3A_120] : memref<100000x64xf32, #tpu.memory_space<hbm>> -> memref<100000x64xf32, #tpu.memory_space<hbm>>
      tpu.enqueue_indirect_dma source(%dma_start3A_121 : memref<100000x64xf32, #tpu.memory_space<hbm>>) target(%dma_start3A_115 : memref<128x64xf32, #tpu.memory_space<vmem>>) offsets(%dma_start3A_118 : memref<128xi32, #tpu.memory_space<vmem>>) semaphore(%arg31 : memref<!tpu.dma_semaphore, #tpu.memory_space<semaphore_mem>>)
      %dma_start3A_122 = arith.constant 1 : i32
      %dma_start3A_123 = arith.constant 128 : i32
      %dma_start3A_124 = arith.constant 0 : i32
      %dma_start3A_125 = tpu.memref_slice %arg22[%dma_start3A_123, %dma_start3A_124] : memref<256x64xf32, #tpu.memory_space<vmem>> -> memref<128x64xf32, #tpu.memory_space<vmem>>
      %dma_start3A_126 = arith.constant 0 : i32
      %dma_start3A_127 = tpu.memref_slice %arg14[%dma_start3A_122, %dma_start3A_126] : memref<2x128xi32, #tpu.memory_space<vmem>> -> memref<1x128xi32, #tpu.memory_space<vmem>>
      %dma_start3A_128 = tpu.memref_squeeze %dma_start3A_127 : memref<1x128xi32, #tpu.memory_space<vmem>> -> memref<128xi32, #tpu.memory_space<vmem>>
      %dma_start3A_129 = arith.constant 0 : i32
      %dma_start3A_130 = arith.constant 0 : i32
      %dma_start3A_131 = tpu.memref_slice %arg9[%dma_start3A_129, %dma_start3A_130] : memref<1000000x64xf32, #tpu.memory_space<hbm>> -> memref<1000000x64xf32, #tpu.memory_space<hbm>>
      tpu.enqueue_indirect_dma source(%dma_start3A_131 : memref<1000000x64xf32, #tpu.memory_space<hbm>>) target(%dma_start3A_125 : memref<128x64xf32, #tpu.memory_space<vmem>>) offsets(%dma_start3A_128 : memref<128xi32, #tpu.memory_space<vmem>>) semaphore(%arg31 : memref<!tpu.dma_semaphore, #tpu.memory_space<semaphore_mem>>)
      %add3A_132 = arith.constant 1 : i32
      %add3A_133 = arith.addi %add3A_70, %add3A_132 : i32
      %lt3A = arith.constant 100 : i32
      %lt3A_134 = arith.cmpi slt, %add3A_133, %lt3A : i32
      %convert_element_type3A_135 = arith.extui %lt3A_134 : i1 to i32
      %cond3A_136 = arith.constant 0 : i32
      %cond3A_137 = arith.cmpi ne, %convert_element_type3A_135, %cond3A_136 : i32
      scf.if %cond3A_137 {
        %add3A_355 = arith.constant 1 : i32
        %add3A_356 = arith.addi %add3A_70, %add3A_355 : i32
        %add3A_357 = arith.addi %mul3A_2, %add3A_356 : i32
        %mul3A_358 = arith.constant 2 : i32
        %mul3A_359 = arith.muli %add3A_357, %mul3A_358 : i32
        %dma_start3A_360 = arith.constant 0 : i32
        %dma_start3A_361 = tpu.memref_slice %arg2[%mul3A_359, %dma_start3A_360] : memref<6400x128xi32, #tpu.memory_space<hbm>> -> memref<2x128xi32, #tpu.memory_space<hbm>>
        %dma_start3A_362 = arith.constant 0 : i32
        %dma_start3A_363 = tpu.memref_slice %arg2[%mul3A_359, %dma_start3A_362] : memref<6400x128xi32, #tpu.memory_space<hbm>> -> memref<2x128xi32, #tpu.memory_space<hbm>>
        tpu.enqueue_dma source(%dma_start3A_363 : memref<2x128xi32, #tpu.memory_space<hbm>>) target(%arg15 : memref<2x128xi32, #tpu.memory_space<vmem>>) target_semaphore(%arg30 : memref<!tpu.dma_semaphore, #tpu.memory_space<semaphore_mem>>)
        %dma_start3A_364 = arith.constant 0 : i32
        %dma_start3A_365 = tpu.memref_slice %arg3[%mul3A_359, %dma_start3A_364] : memref<6400x128xi32, #tpu.memory_space<hbm>> -> memref<2x128xi32, #tpu.memory_space<hbm>>
        %dma_start3A_366 = arith.constant 0 : i32
        %dma_start3A_367 = tpu.memref_slice %arg3[%mul3A_359, %dma_start3A_366] : memref<6400x128xi32, #tpu.memory_space<hbm>> -> memref<2x128xi32, #tpu.memory_space<hbm>>
        tpu.enqueue_dma source(%dma_start3A_367 : memref<2x128xi32, #tpu.memory_space<hbm>>) target(%arg16 : memref<2x128xi32, #tpu.memory_space<vmem>>) target_semaphore(%arg30 : memref<!tpu.dma_semaphore, #tpu.memory_space<semaphore_mem>>)
        %dma_start3A_368 = arith.constant 0 : i32
        %dma_start3A_369 = tpu.memref_slice %arg4[%mul3A_359, %dma_start3A_368] : memref<6400x128xi32, #tpu.memory_space<hbm>> -> memref<2x128xi32, #tpu.memory_space<hbm>>
        %dma_start3A_370 = arith.constant 0 : i32
        %dma_start3A_371 = tpu.memref_slice %arg4[%mul3A_359, %dma_start3A_370] : memref<6400x128xi32, #tpu.memory_space<hbm>> -> memref<2x128xi32, #tpu.memory_space<hbm>>
        tpu.enqueue_dma source(%dma_start3A_371 : memref<2x128xi32, #tpu.memory_space<hbm>>) target(%arg17 : memref<2x128xi32, #tpu.memory_space<vmem>>) target_semaphore(%arg30 : memref<!tpu.dma_semaphore, #tpu.memory_space<semaphore_mem>>)
        %dma_start3A_372 = arith.constant 0 : i32
        %dma_start3A_373 = tpu.memref_slice %arg5[%mul3A_359, %dma_start3A_372] : memref<6400x128xi32, #tpu.memory_space<hbm>> -> memref<2x128xi32, #tpu.memory_space<hbm>>
        %dma_start3A_374 = arith.constant 0 : i32
        %dma_start3A_375 = tpu.memref_slice %arg5[%mul3A_359, %dma_start3A_374] : memref<6400x128xi32, #tpu.memory_space<hbm>> -> memref<2x128xi32, #tpu.memory_space<hbm>>
        tpu.enqueue_dma source(%dma_start3A_375 : memref<2x128xi32, #tpu.memory_space<hbm>>) target(%arg18 : memref<2x128xi32, #tpu.memory_space<vmem>>) target_semaphore(%arg30 : memref<!tpu.dma_semaphore, #tpu.memory_space<semaphore_mem>>)
      } else {
      }
      %scan3A_138 = arith.constant 0 : i32
      %scan3A_139 = arith.constant 0 : i32
      %scan3A_140 = arith.constant 8 : i32
      %scan3A_141 = arith.addi %scan3A_139, %scan3A_140 : i32
      %scan3A_142 = arith.constant 1 : i32
      scf.for %scan3A_355 = %scan3A_139 to %scan3A_141 step %scan3A_142  : i32 {
        %mul3A_356 = arith.constant 16 : i32
        %mul3A_357 = arith.muli %scan3A_355, %mul3A_356 : i32
        %get3A = arith.constant 0 : i32
        %get3A_358 = arith.index_cast %get3A : i32 to index
        %get3A_359 = arith.index_cast %mul3A_357 : i32 to index
        %get3A_360 = tpu.vector_load %arg12[%get3A_358, %get3A_359] {strides = array<i32>} : memref<2x128xi32, #tpu.memory_space<vmem>>, vector<16xi32>,
        %get3A_361 = arith.constant 0 : i32
        %get3A_362 = arith.index_cast %get3A_361 : i32 to index
        %get3A_363 = arith.index_cast %mul3A_357 : i32 to index
        %get3A_364 = tpu.vector_load %arg13[%get3A_362, %get3A_363] {strides = array<i32>} : memref<2x128xi32, #tpu.memory_space<vmem>>, vector<16xi32>,
        %add3A_365 = arith.constant 0 : i32
        %add3A_366 = arith.addi %add3A_365, %mul3A_357 : i32
        %add3A_367 = vector.broadcast %add3A_366 : i32 to vector<16xi32>
        %add3A_368 = arith.addi %add3A_367, %iota3A : vector<16xi32>
        %broadcast_in_dim3A = arith.constant 0 : i32
        %broadcast_in_dim3A_369 = vector.broadcast %broadcast_in_dim3A : i32 to vector<16xi32>
        %gather3A = tpu.vector_load_idx %arg27[%get3A_360, %broadcast_in_dim3A_369] : memref<8x16xf32, #tpu.memory_space<vmem>>[vector<16xi32>, vector<16xi32>], vector<16xf32>,
        tpu.vector_store_idx %arg20[%add3A_368, %broadcast_in_dim3A_369], %gather3A : memref<256x16xf32, #tpu.memory_space<vmem>>[vector<16xi32>, vector<16xi32>], vector<16xf32>,
        %broadcast_in_dim3A_370 = arith.constant 1 : i32
        %broadcast_in_dim3A_371 = vector.broadcast %broadcast_in_dim3A_370 : i32 to vector<16xi32>
        %gather3A_372 = tpu.vector_load_idx %arg27[%get3A_360, %broadcast_in_dim3A_371] : memref<8x16xf32, #tpu.memory_space<vmem>>[vector<16xi32>, vector<16xi32>], vector<16xf32>,
        tpu.vector_store_idx %arg20[%add3A_368, %broadcast_in_dim3A_371], %gather3A_372 : memref<256x16xf32, #tpu.memory_space<vmem>>[vector<16xi32>, vector<16xi32>], vector<16xf32>,
        %broadcast_in_dim3A_373 = arith.constant 2 : i32
        %broadcast_in_dim3A_374 = vector.broadcast %broadcast_in_dim3A_373 : i32 to vector<16xi32>
        %gather3A_375 = tpu.vector_load_idx %arg27[%get3A_360, %broadcast_in_dim3A_374] : memref<8x16xf32, #tpu.memory_space<vmem>>[vector<16xi32>, vector<16xi32>], vector<16xf32>,
        tpu.vector_store_idx %arg20[%add3A_368, %broadcast_in_dim3A_374], %gather3A_375 : memref<256x16xf32, #tpu.memory_space<vmem>>[vector<16xi32>, vector<16xi32>], vector<16xf32>,
        %broadcast_in_dim3A_376 = arith.constant 3 : i32
        %broadcast_in_dim3A_377 = vector.broadcast %broadcast_in_dim3A_376 : i32 to vector<16xi32>
        %gather3A_378 = tpu.vector_load_idx %arg27[%get3A_360, %broadcast_in_dim3A_377] : memref<8x16xf32, #tpu.memory_space<vmem>>[vector<16xi32>, vector<16xi32>], vector<16xf32>,
        tpu.vector_store_idx %arg20[%add3A_368, %broadcast_in_dim3A_377], %gather3A_378 : memref<256x16xf32, #tpu.memory_space<vmem>>[vector<16xi32>, vector<16xi32>], vector<16xf32>,
        %broadcast_in_dim3A_379 = arith.constant 4 : i32
        %broadcast_in_dim3A_380 = vector.broadcast %broadcast_in_dim3A_379 : i32 to vector<16xi32>
        %gather3A_381 = tpu.vector_load_idx %arg27[%get3A_360, %broadcast_in_dim3A_380] : memref<8x16xf32, #tpu.memory_space<vmem>>[vector<16xi32>, vector<16xi32>], vector<16xf32>,
        tpu.vector_store_idx %arg20[%add3A_368, %broadcast_in_dim3A_380], %gather3A_381 : memref<256x16xf32, #tpu.memory_space<vmem>>[vector<16xi32>, vector<16xi32>], vector<16xf32>,
        %broadcast_in_dim3A_382 = arith.constant 5 : i32
        %broadcast_in_dim3A_383 = vector.broadcast %broadcast_in_dim3A_382 : i32 to vector<16xi32>
        %gather3A_384 = tpu.vector_load_idx %arg27[%get3A_360, %broadcast_in_dim3A_383] : memref<8x16xf32, #tpu.memory_space<vmem>>[vector<16xi32>, vector<16xi32>], vector<16xf32>,
        tpu.vector_store_idx %arg20[%add3A_368, %broadcast_in_dim3A_383], %gather3A_384 : memref<256x16xf32, #tpu.memory_space<vmem>>[vector<16xi32>, vector<16xi32>], vector<16xf32>,
        %broadcast_in_dim3A_385 = arith.constant 6 : i32
        %broadcast_in_dim3A_386 = vector.broadcast %broadcast_in_dim3A_385 : i32 to vector<16xi32>
        %gather3A_387 = tpu.vector_load_idx %arg27[%get3A_360, %broadcast_in_dim3A_386] : memref<8x16xf32, #tpu.memory_space<vmem>>[vector<16xi32>, vector<16xi32>], vector<16xf32>,
        tpu.vector_store_idx %arg20[%add3A_368, %broadcast_in_dim3A_386], %gather3A_387 : memref<256x16xf32, #tpu.memory_space<vmem>>[vector<16xi32>, vector<16xi32>], vector<16xf32>,
        %broadcast_in_dim3A_388 = arith.constant 7 : i32
        %broadcast_in_dim3A_389 = vector.broadcast %broadcast_in_dim3A_388 : i32 to vector<16xi32>
        %gather3A_390 = tpu.vector_load_idx %arg27[%get3A_360, %broadcast_in_dim3A_389] : memref<8x16xf32, #tpu.memory_space<vmem>>[vector<16xi32>, vector<16xi32>], vector<16xf32>,
        tpu.vector_store_idx %arg20[%add3A_368, %broadcast_in_dim3A_389], %gather3A_390 : memref<256x16xf32, #tpu.memory_space<vmem>>[vector<16xi32>, vector<16xi32>], vector<16xf32>,
        %broadcast_in_dim3A_391 = arith.constant 8 : i32
        %broadcast_in_dim3A_392 = vector.broadcast %broadcast_in_dim3A_391 : i32 to vector<16xi32>
        %gather3A_393 = tpu.vector_load_idx %arg27[%get3A_360, %broadcast_in_dim3A_392] : memref<8x16xf32, #tpu.memory_space<vmem>>[vector<16xi32>, vector<16xi32>], vector<16xf32>,
        tpu.vector_store_idx %arg20[%add3A_368, %broadcast_in_dim3A_392], %gather3A_393 : memref<256x16xf32, #tpu.memory_space<vmem>>[vector<16xi32>, vector<16xi32>], vector<16xf32>,
        %broadcast_in_dim3A_394 = arith.constant 9 : i32
        %broadcast_in_dim3A_395 = vector.broadcast %broadcast_in_dim3A_394 : i32 to vector<16xi32>
        %gather3A_396 = tpu.vector_load_idx %arg27[%get3A_360, %broadcast_in_dim3A_395] : memref<8x16xf32, #tpu.memory_space<vmem>>[vector<16xi32>, vector<16xi32>], vector<16xf32>,
        tpu.vector_store_idx %arg20[%add3A_368, %broadcast_in_dim3A_395], %gather3A_396 : memref<256x16xf32, #tpu.memory_space<vmem>>[vector<16xi32>, vector<16xi32>], vector<16xf32>,
        %broadcast_in_dim3A_397 = arith.constant 10 : i32
        %broadcast_in_dim3A_398 = vector.broadcast %broadcast_in_dim3A_397 : i32 to vector<16xi32>
        %gather3A_399 = tpu.vector_load_idx %arg27[%get3A_360, %broadcast_in_dim3A_398] : memref<8x16xf32, #tpu.memory_space<vmem>>[vector<16xi32>, vector<16xi32>], vector<16xf32>,
        tpu.vector_store_idx %arg20[%add3A_368, %broadcast_in_dim3A_398], %gather3A_399 : memref<256x16xf32, #tpu.memory_space<vmem>>[vector<16xi32>, vector<16xi32>], vector<16xf32>,
        %broadcast_in_dim3A_400 = arith.constant 11 : i32
        %broadcast_in_dim3A_401 = vector.broadcast %broadcast_in_dim3A_400 : i32 to vector<16xi32>
        %gather3A_402 = tpu.vector_load_idx %arg27[%get3A_360, %broadcast_in_dim3A_401] : memref<8x16xf32, #tpu.memory_space<vmem>>[vector<16xi32>, vector<16xi32>], vector<16xf32>,
        tpu.vector_store_idx %arg20[%add3A_368, %broadcast_in_dim3A_401], %gather3A_402 : memref<256x16xf32, #tpu.memory_space<vmem>>[vector<16xi32>, vector<16xi32>], vector<16xf32>,
        %broadcast_in_dim3A_403 = arith.constant 12 : i32
        %broadcast_in_dim3A_404 = vector.broadcast %broadcast_in_dim3A_403 : i32 to vector<16xi32>
        %gather3A_405 = tpu.vector_load_idx %arg27[%get3A_360, %broadcast_in_dim3A_404] : memref<8x16xf32, #tpu.memory_space<vmem>>[vector<16xi32>, vector<16xi32>], vector<16xf32>,
        tpu.vector_store_idx %arg20[%add3A_368, %broadcast_in_dim3A_404], %gather3A_405 : memref<256x16xf32, #tpu.memory_space<vmem>>[vector<16xi32>, vector<16xi32>], vector<16xf32>,
        %broadcast_in_dim3A_406 = arith.constant 13 : i32
        %broadcast_in_dim3A_407 = vector.broadcast %broadcast_in_dim3A_406 : i32 to vector<16xi32>
        %gather3A_408 = tpu.vector_load_idx %arg27[%get3A_360, %broadcast_in_dim3A_407] : memref<8x16xf32, #tpu.memory_space<vmem>>[vector<16xi32>, vector<16xi32>], vector<16xf32>,
        tpu.vector_store_idx %arg20[%add3A_368, %broadcast_in_dim3A_407], %gather3A_408 : memref<256x16xf32, #tpu.memory_space<vmem>>[vector<16xi32>, vector<16xi32>], vector<16xf32>,
        %broadcast_in_dim3A_409 = arith.constant 14 : i32
        %broadcast_in_dim3A_410 = vector.broadcast %broadcast_in_dim3A_409 : i32 to vector<16xi32>
        %gather3A_411 = tpu.vector_load_idx %arg27[%get3A_360, %broadcast_in_dim3A_410] : memref<8x16xf32, #tpu.memory_space<vmem>>[vector<16xi32>, vector<16xi32>], vector<16xf32>,
        tpu.vector_store_idx %arg20[%add3A_368, %broadcast_in_dim3A_410], %gather3A_411 : memref<256x16xf32, #tpu.memory_space<vmem>>[vector<16xi32>, vector<16xi32>], vector<16xf32>,
        %broadcast_in_dim3A_412 = arith.constant 15 : i32
        %broadcast_in_dim3A_413 = vector.broadcast %broadcast_in_dim3A_412 : i32 to vector<16xi32>
        %gather3A_414 = tpu.vector_load_idx %arg27[%get3A_360, %broadcast_in_dim3A_413] : memref<8x16xf32, #tpu.memory_space<vmem>>[vector<16xi32>, vector<16xi32>], vector<16xf32>,
        tpu.vector_store_idx %arg20[%add3A_368, %broadcast_in_dim3A_413], %gather3A_414 : memref<256x16xf32, #tpu.memory_space<vmem>>[vector<16xi32>, vector<16xi32>], vector<16xf32>,
        %broadcast_in_dim3A_415 = arith.constant 0 : i32
        %broadcast_in_dim3A_416 = vector.broadcast %broadcast_in_dim3A_415 : i32 to vector<16xi32>
        %gather3A_417 = tpu.vector_load_idx %arg28[%get3A_364, %broadcast_in_dim3A_416] : memref<512x32xf32, #tpu.memory_space<vmem>>[vector<16xi32>, vector<16xi32>], vector<16xf32>,
        tpu.vector_store_idx %arg21[%add3A_368, %broadcast_in_dim3A_416], %gather3A_417 : memref<256x32xf32, #tpu.memory_space<vmem>>[vector<16xi32>, vector<16xi32>], vector<16xf32>,
        %broadcast_in_dim3A_418 = arith.constant 1 : i32
        %broadcast_in_dim3A_419 = vector.broadcast %broadcast_in_dim3A_418 : i32 to vector<16xi32>
        %gather3A_420 = tpu.vector_load_idx %arg28[%get3A_364, %broadcast_in_dim3A_419] : memref<512x32xf32, #tpu.memory_space<vmem>>[vector<16xi32>, vector<16xi32>], vector<16xf32>,
        tpu.vector_store_idx %arg21[%add3A_368, %broadcast_in_dim3A_419], %gather3A_420 : memref<256x32xf32, #tpu.memory_space<vmem>>[vector<16xi32>, vector<16xi32>], vector<16xf32>,
        %broadcast_in_dim3A_421 = arith.constant 2 : i32
        %broadcast_in_dim3A_422 = vector.broadcast %broadcast_in_dim3A_421 : i32 to vector<16xi32>
        %gather3A_423 = tpu.vector_load_idx %arg28[%get3A_364, %broadcast_in_dim3A_422] : memref<512x32xf32, #tpu.memory_space<vmem>>[vector<16xi32>, vector<16xi32>], vector<16xf32>,
        tpu.vector_store_idx %arg21[%add3A_368, %broadcast_in_dim3A_422], %gather3A_423 : memref<256x32xf32, #tpu.memory_space<vmem>>[vector<16xi32>, vector<16xi32>], vector<16xf32>,
        %broadcast_in_dim3A_424 = arith.constant 3 : i32
        %broadcast_in_dim3A_425 = vector.broadcast %broadcast_in_dim3A_424 : i32 to vector<16xi32>
        %gather3A_426 = tpu.vector_load_idx %arg28[%get3A_364, %broadcast_in_dim3A_425] : memref<512x32xf32, #tpu.memory_space<vmem>>[vector<16xi32>, vector<16xi32>], vector<16xf32>,
        tpu.vector_store_idx %arg21[%add3A_368, %broadcast_in_dim3A_425], %gather3A_426 : memref<256x32xf32, #tpu.memory_space<vmem>>[vector<16xi32>, vector<16xi32>], vector<16xf32>,
        %broadcast_in_dim3A_427 = arith.constant 4 : i32
        %broadcast_in_dim3A_428 = vector.broadcast %broadcast_in_dim3A_427 : i32 to vector<16xi32>
        %gather3A_429 = tpu.vector_load_idx %arg28[%get3A_364, %broadcast_in_dim3A_428] : memref<512x32xf32, #tpu.memory_space<vmem>>[vector<16xi32>, vector<16xi32>], vector<16xf32>,
        tpu.vector_store_idx %arg21[%add3A_368, %broadcast_in_dim3A_428], %gather3A_429 : memref<256x32xf32, #tpu.memory_space<vmem>>[vector<16xi32>, vector<16xi32>], vector<16xf32>,
        %broadcast_in_dim3A_430 = arith.constant 5 : i32
        %broadcast_in_dim3A_431 = vector.broadcast %broadcast_in_dim3A_430 : i32 to vector<16xi32>
        %gather3A_432 = tpu.vector_load_idx %arg28[%get3A_364, %broadcast_in_dim3A_431] : memref<512x32xf32, #tpu.memory_space<vmem>>[vector<16xi32>, vector<16xi32>], vector<16xf32>,
        tpu.vector_store_idx %arg21[%add3A_368, %broadcast_in_dim3A_431], %gather3A_432 : memref<256x32xf32, #tpu.memory_space<vmem>>[vector<16xi32>, vector<16xi32>], vector<16xf32>,
        %broadcast_in_dim3A_433 = arith.constant 6 : i32
        %broadcast_in_dim3A_434 = vector.broadcast %broadcast_in_dim3A_433 : i32 to vector<16xi32>
        %gather3A_435 = tpu.vector_load_idx %arg28[%get3A_364, %broadcast_in_dim3A_434] : memref<512x32xf32, #tpu.memory_space<vmem>>[vector<16xi32>, vector<16xi32>], vector<16xf32>,
        tpu.vector_store_idx %arg21[%add3A_368, %broadcast_in_dim3A_434], %gather3A_435 : memref<256x32xf32, #tpu.memory_space<vmem>>[vector<16xi32>, vector<16xi32>], vector<16xf32>,
        %broadcast_in_dim3A_436 = arith.constant 7 : i32
        %broadcast_in_dim3A_437 = vector.broadcast %broadcast_in_dim3A_436 : i32 to vector<16xi32>
        %gather3A_438 = tpu.vector_load_idx %arg28[%get3A_364, %broadcast_in_dim3A_437] : memref<512x32xf32, #tpu.memory_space<vmem>>[vector<16xi32>, vector<16xi32>], vector<16xf32>,
        tpu.vector_store_idx %arg21[%add3A_368, %broadcast_in_dim3A_437], %gather3A_438 : memref<256x32xf32, #tpu.memory_space<vmem>>[vector<16xi32>, vector<16xi32>], vector<16xf32>,
        %broadcast_in_dim3A_439 = arith.constant 8 : i32
        %broadcast_in_dim3A_440 = vector.broadcast %broadcast_in_dim3A_439 : i32 to vector<16xi32>
        %gather3A_441 = tpu.vector_load_idx %arg28[%get3A_364, %broadcast_in_dim3A_440] : memref<512x32xf32, #tpu.memory_space<vmem>>[vector<16xi32>, vector<16xi32>], vector<16xf32>,
        tpu.vector_store_idx %arg21[%add3A_368, %broadcast_in_dim3A_440], %gather3A_441 : memref<256x32xf32, #tpu.memory_space<vmem>>[vector<16xi32>, vector<16xi32>], vector<16xf32>,
        %broadcast_in_dim3A_442 = arith.constant 9 : i32
        %broadcast_in_dim3A_443 = vector.broadcast %broadcast_in_dim3A_442 : i32 to vector<16xi32>
        %gather3A_444 = tpu.vector_load_idx %arg28[%get3A_364, %broadcast_in_dim3A_443] : memref<512x32xf32, #tpu.memory_space<vmem>>[vector<16xi32>, vector<16xi32>], vector<16xf32>,
        tpu.vector_store_idx %arg21[%add3A_368, %broadcast_in_dim3A_443], %gather3A_444 : memref<256x32xf32, #tpu.memory_space<vmem>>[vector<16xi32>, vector<16xi32>], vector<16xf32>,
        %broadcast_in_dim3A_445 = arith.constant 10 : i32
        %broadcast_in_dim3A_446 = vector.broadcast %broadcast_in_dim3A_445 : i32 to vector<16xi32>
        %gather3A_447 = tpu.vector_load_idx %arg28[%get3A_364, %broadcast_in_dim3A_446] : memref<512x32xf32, #tpu.memory_space<vmem>>[vector<16xi32>, vector<16xi32>], vector<16xf32>,
        tpu.vector_store_idx %arg21[%add3A_368, %broadcast_in_dim3A_446], %gather3A_447 : memref<256x32xf32, #tpu.memory_space<vmem>>[vector<16xi32>, vector<16xi32>], vector<16xf32>,
        %broadcast_in_dim3A_448 = arith.constant 11 : i32
        %broadcast_in_dim3A_449 = vector.broadcast %broadcast_in_dim3A_448 : i32 to vector<16xi32>
        %gather3A_450 = tpu.vector_load_idx %arg28[%get3A_364, %broadcast_in_dim3A_449] : memref<512x32xf32, #tpu.memory_space<vmem>>[vector<16xi32>, vector<16xi32>], vector<16xf32>,
        tpu.vector_store_idx %arg21[%add3A_368, %broadcast_in_dim3A_449], %gather3A_450 : memref<256x32xf32, #tpu.memory_space<vmem>>[vector<16xi32>, vector<16xi32>], vector<16xf32>,
        %broadcast_in_dim3A_451 = arith.constant 12 : i32
        %broadcast_in_dim3A_452 = vector.broadcast %broadcast_in_dim3A_451 : i32 to vector<16xi32>
        %gather3A_453 = tpu.vector_load_idx %arg28[%get3A_364, %broadcast_in_dim3A_452] : memref<512x32xf32, #tpu.memory_space<vmem>>[vector<16xi32>, vector<16xi32>], vector<16xf32>,
        tpu.vector_store_idx %arg21[%add3A_368, %broadcast_in_dim3A_452], %gather3A_453 : memref<256x32xf32, #tpu.memory_space<vmem>>[vector<16xi32>, vector<16xi32>], vector<16xf32>,
        %broadcast_in_dim3A_454 = arith.constant 13 : i32
        %broadcast_in_dim3A_455 = vector.broadcast %broadcast_in_dim3A_454 : i32 to vector<16xi32>
        %gather3A_456 = tpu.vector_load_idx %arg28[%get3A_364, %broadcast_in_dim3A_455] : memref<512x32xf32, #tpu.memory_space<vmem>>[vector<16xi32>, vector<16xi32>], vector<16xf32>,
        tpu.vector_store_idx %arg21[%add3A_368, %broadcast_in_dim3A_455], %gather3A_456 : memref<256x32xf32, #tpu.memory_space<vmem>>[vector<16xi32>, vector<16xi32>], vector<16xf32>,
        %broadcast_in_dim3A_457 = arith.constant 14 : i32
        %broadcast_in_dim3A_458 = vector.broadcast %broadcast_in_dim3A_457 : i32 to vector<16xi32>
        %gather3A_459 = tpu.vector_load_idx %arg28[%get3A_364, %broadcast_in_dim3A_458] : memref<512x32xf32, #tpu.memory_space<vmem>>[vector<16xi32>, vector<16xi32>], vector<16xf32>,
        tpu.vector_store_idx %arg21[%add3A_368, %broadcast_in_dim3A_458], %gather3A_459 : memref<256x32xf32, #tpu.memory_space<vmem>>[vector<16xi32>, vector<16xi32>], vector<16xf32>,
        %broadcast_in_dim3A_460 = arith.constant 15 : i32
        %broadcast_in_dim3A_461 = vector.broadcast %broadcast_in_dim3A_460 : i32 to vector<16xi32>
        %gather3A_462 = tpu.vector_load_idx %arg28[%get3A_364, %broadcast_in_dim3A_461] : memref<512x32xf32, #tpu.memory_space<vmem>>[vector<16xi32>, vector<16xi32>], vector<16xf32>,
        tpu.vector_store_idx %arg21[%add3A_368, %broadcast_in_dim3A_461], %gather3A_462 : memref<256x32xf32, #tpu.memory_space<vmem>>[vector<16xi32>, vector<16xi32>], vector<16xf32>,
        %broadcast_in_dim3A_463 = arith.constant 16 : i32
        %broadcast_in_dim3A_464 = vector.broadcast %broadcast_in_dim3A_463 : i32 to vector<16xi32>
        %gather3A_465 = tpu.vector_load_idx %arg28[%get3A_364, %broadcast_in_dim3A_464] : memref<512x32xf32, #tpu.memory_space<vmem>>[vector<16xi32>, vector<16xi32>], vector<16xf32>,
        tpu.vector_store_idx %arg21[%add3A_368, %broadcast_in_dim3A_464], %gather3A_465 : memref<256x32xf32, #tpu.memory_space<vmem>>[vector<16xi32>, vector<16xi32>], vector<16xf32>,
        %broadcast_in_dim3A_466 = arith.constant 17 : i32
        %broadcast_in_dim3A_467 = vector.broadcast %broadcast_in_dim3A_466 : i32 to vector<16xi32>
        %gather3A_468 = tpu.vector_load_idx %arg28[%get3A_364, %broadcast_in_dim3A_467] : memref<512x32xf32, #tpu.memory_space<vmem>>[vector<16xi32>, vector<16xi32>], vector<16xf32>,
        tpu.vector_store_idx %arg21[%add3A_368, %broadcast_in_dim3A_467], %gather3A_468 : memref<256x32xf32, #tpu.memory_space<vmem>>[vector<16xi32>, vector<16xi32>], vector<16xf32>,
        %broadcast_in_dim3A_469 = arith.constant 18 : i32
        %broadcast_in_dim3A_470 = vector.broadcast %broadcast_in_dim3A_469 : i32 to vector<16xi32>
        %gather3A_471 = tpu.vector_load_idx %arg28[%get3A_364, %broadcast_in_dim3A_470] : memref<512x32xf32, #tpu.memory_space<vmem>>[vector<16xi32>, vector<16xi32>], vector<16xf32>,
        tpu.vector_store_idx %arg21[%add3A_368, %broadcast_in_dim3A_470], %gather3A_471 : memref<256x32xf32, #tpu.memory_space<vmem>>[vector<16xi32>, vector<16xi32>], vector<16xf32>,
        %broadcast_in_dim3A_472 = arith.constant 19 : i32
        %broadcast_in_dim3A_473 = vector.broadcast %broadcast_in_dim3A_472 : i32 to vector<16xi32>
        %gather3A_474 = tpu.vector_load_idx %arg28[%get3A_364, %broadcast_in_dim3A_473] : memref<512x32xf32, #tpu.memory_space<vmem>>[vector<16xi32>, vector<16xi32>], vector<16xf32>,
        tpu.vector_store_idx %arg21[%add3A_368, %broadcast_in_dim3A_473], %gather3A_474 : memref<256x32xf32, #tpu.memory_space<vmem>>[vector<16xi32>, vector<16xi32>], vector<16xf32>,
        %broadcast_in_dim3A_475 = arith.constant 20 : i32
        %broadcast_in_dim3A_476 = vector.broadcast %broadcast_in_dim3A_475 : i32 to vector<16xi32>
        %gather3A_477 = tpu.vector_load_idx %arg28[%get3A_364, %broadcast_in_dim3A_476] : memref<512x32xf32, #tpu.memory_space<vmem>>[vector<16xi32>, vector<16xi32>], vector<16xf32>,
        tpu.vector_store_idx %arg21[%add3A_368, %broadcast_in_dim3A_476], %gather3A_477 : memref<256x32xf32, #tpu.memory_space<vmem>>[vector<16xi32>, vector<16xi32>], vector<16xf32>,
        %broadcast_in_dim3A_478 = arith.constant 21 : i32
        %broadcast_in_dim3A_479 = vector.broadcast %broadcast_in_dim3A_478 : i32 to vector<16xi32>
        %gather3A_480 = tpu.vector_load_idx %arg28[%get3A_364, %broadcast_in_dim3A_479] : memref<512x32xf32, #tpu.memory_space<vmem>>[vector<16xi32>, vector<16xi32>], vector<16xf32>,
        tpu.vector_store_idx %arg21[%add3A_368, %broadcast_in_dim3A_479], %gather3A_480 : memref<256x32xf32, #tpu.memory_space<vmem>>[vector<16xi32>, vector<16xi32>], vector<16xf32>,
        %broadcast_in_dim3A_481 = arith.constant 22 : i32
        %broadcast_in_dim3A_482 = vector.broadcast %broadcast_in_dim3A_481 : i32 to vector<16xi32>
        %gather3A_483 = tpu.vector_load_idx %arg28[%get3A_364, %broadcast_in_dim3A_482] : memref<512x32xf32, #tpu.memory_space<vmem>>[vector<16xi32>, vector<16xi32>], vector<16xf32>,
        tpu.vector_store_idx %arg21[%add3A_368, %broadcast_in_dim3A_482], %gather3A_483 : memref<256x32xf32, #tpu.memory_space<vmem>>[vector<16xi32>, vector<16xi32>], vector<16xf32>,
        %broadcast_in_dim3A_484 = arith.constant 23 : i32
        %broadcast_in_dim3A_485 = vector.broadcast %broadcast_in_dim3A_484 : i32 to vector<16xi32>
        %gather3A_486 = tpu.vector_load_idx %arg28[%get3A_364, %broadcast_in_dim3A_485] : memref<512x32xf32, #tpu.memory_space<vmem>>[vector<16xi32>, vector<16xi32>], vector<16xf32>,
        tpu.vector_store_idx %arg21[%add3A_368, %broadcast_in_dim3A_485], %gather3A_486 : memref<256x32xf32, #tpu.memory_space<vmem>>[vector<16xi32>, vector<16xi32>], vector<16xf32>,
        %broadcast_in_dim3A_487 = arith.constant 24 : i32
        %broadcast_in_dim3A_488 = vector.broadcast %broadcast_in_dim3A_487 : i32 to vector<16xi32>
        %gather3A_489 = tpu.vector_load_idx %arg28[%get3A_364, %broadcast_in_dim3A_488] : memref<512x32xf32, #tpu.memory_space<vmem>>[vector<16xi32>, vector<16xi32>], vector<16xf32>,
        tpu.vector_store_idx %arg21[%add3A_368, %broadcast_in_dim3A_488], %gather3A_489 : memref<256x32xf32, #tpu.memory_space<vmem>>[vector<16xi32>, vector<16xi32>], vector<16xf32>,
        %broadcast_in_dim3A_490 = arith.constant 25 : i32
        %broadcast_in_dim3A_491 = vector.broadcast %broadcast_in_dim3A_490 : i32 to vector<16xi32>
        %gather3A_492 = tpu.vector_load_idx %arg28[%get3A_364, %broadcast_in_dim3A_491] : memref<512x32xf32, #tpu.memory_space<vmem>>[vector<16xi32>, vector<16xi32>], vector<16xf32>,
        tpu.vector_store_idx %arg21[%add3A_368, %broadcast_in_dim3A_491], %gather3A_492 : memref<256x32xf32, #tpu.memory_space<vmem>>[vector<16xi32>, vector<16xi32>], vector<16xf32>,
        %broadcast_in_dim3A_493 = arith.constant 26 : i32
        %broadcast_in_dim3A_494 = vector.broadcast %broadcast_in_dim3A_493 : i32 to vector<16xi32>
        %gather3A_495 = tpu.vector_load_idx %arg28[%get3A_364, %broadcast_in_dim3A_494] : memref<512x32xf32, #tpu.memory_space<vmem>>[vector<16xi32>, vector<16xi32>], vector<16xf32>,
        tpu.vector_store_idx %arg21[%add3A_368, %broadcast_in_dim3A_494], %gather3A_495 : memref<256x32xf32, #tpu.memory_space<vmem>>[vector<16xi32>, vector<16xi32>], vector<16xf32>,
        %broadcast_in_dim3A_496 = arith.constant 27 : i32
        %broadcast_in_dim3A_497 = vector.broadcast %broadcast_in_dim3A_496 : i32 to vector<16xi32>
        %gather3A_498 = tpu.vector_load_idx %arg28[%get3A_364, %broadcast_in_dim3A_497] : memref<512x32xf32, #tpu.memory_space<vmem>>[vector<16xi32>, vector<16xi32>], vector<16xf32>,
        tpu.vector_store_idx %arg21[%add3A_368, %broadcast_in_dim3A_497], %gather3A_498 : memref<256x32xf32, #tpu.memory_space<vmem>>[vector<16xi32>, vector<16xi32>], vector<16xf32>,
        %broadcast_in_dim3A_499 = arith.constant 28 : i32
        %broadcast_in_dim3A_500 = vector.broadcast %broadcast_in_dim3A_499 : i32 to vector<16xi32>
        %gather3A_501 = tpu.vector_load_idx %arg28[%get3A_364, %broadcast_in_dim3A_500] : memref<512x32xf32, #tpu.memory_space<vmem>>[vector<16xi32>, vector<16xi32>], vector<16xf32>,
        tpu.vector_store_idx %arg21[%add3A_368, %broadcast_in_dim3A_500], %gather3A_501 : memref<256x32xf32, #tpu.memory_space<vmem>>[vector<16xi32>, vector<16xi32>], vector<16xf32>,
        %broadcast_in_dim3A_502 = arith.constant 29 : i32
        %broadcast_in_dim3A_503 = vector.broadcast %broadcast_in_dim3A_502 : i32 to vector<16xi32>
        %gather3A_504 = tpu.vector_load_idx %arg28[%get3A_364, %broadcast_in_dim3A_503] : memref<512x32xf32, #tpu.memory_space<vmem>>[vector<16xi32>, vector<16xi32>], vector<16xf32>,
        tpu.vector_store_idx %arg21[%add3A_368, %broadcast_in_dim3A_503], %gather3A_504 : memref<256x32xf32, #tpu.memory_space<vmem>>[vector<16xi32>, vector<16xi32>], vector<16xf32>,
        %broadcast_in_dim3A_505 = arith.constant 30 : i32
        %broadcast_in_dim3A_506 = vector.broadcast %broadcast_in_dim3A_505 : i32 to vector<16xi32>
        %gather3A_507 = tpu.vector_load_idx %arg28[%get3A_364, %broadcast_in_dim3A_506] : memref<512x32xf32, #tpu.memory_space<vmem>>[vector<16xi32>, vector<16xi32>], vector<16xf32>,
        tpu.vector_store_idx %arg21[%add3A_368, %broadcast_in_dim3A_506], %gather3A_507 : memref<256x32xf32, #tpu.memory_space<vmem>>[vector<16xi32>, vector<16xi32>], vector<16xf32>,
        %broadcast_in_dim3A_508 = arith.constant 31 : i32
        %broadcast_in_dim3A_509 = vector.broadcast %broadcast_in_dim3A_508 : i32 to vector<16xi32>
        %gather3A_510 = tpu.vector_load_idx %arg28[%get3A_364, %broadcast_in_dim3A_509] : memref<512x32xf32, #tpu.memory_space<vmem>>[vector<16xi32>, vector<16xi32>], vector<16xf32>,
        tpu.vector_store_idx %arg21[%add3A_368, %broadcast_in_dim3A_509], %gather3A_510 : memref<256x32xf32, #tpu.memory_space<vmem>>[vector<16xi32>, vector<16xi32>], vector<16xf32>,
      }
      %scan3A_143 = arith.constant 8 : i32
      %scan3A_144 = arith.constant 0 : i32
      %scan3A_145 = arith.constant 0 : i32
      %scan3A_146 = arith.constant 8 : i32
      %scan3A_147 = arith.addi %scan3A_145, %scan3A_146 : i32
      %scan3A_148 = arith.constant 1 : i32
      scf.for %scan3A_355 = %scan3A_145 to %scan3A_147 step %scan3A_148  : i32 {
        %mul3A_356 = arith.constant 16 : i32
        %mul3A_357 = arith.muli %scan3A_355, %mul3A_356 : i32
        %get3A = arith.constant 1 : i32
        %get3A_358 = arith.index_cast %get3A : i32 to index
        %get3A_359 = arith.index_cast %mul3A_357 : i32 to index
        %get3A_360 = tpu.vector_load %arg12[%get3A_358, %get3A_359] {strides = array<i32>} : memref<2x128xi32, #tpu.memory_space<vmem>>, vector<16xi32>,
        %get3A_361 = arith.constant 1 : i32
        %get3A_362 = arith.index_cast %get3A_361 : i32 to index
        %get3A_363 = arith.index_cast %mul3A_357 : i32 to index
        %get3A_364 = tpu.vector_load %arg13[%get3A_362, %get3A_363] {strides = array<i32>} : memref<2x128xi32, #tpu.memory_space<vmem>>, vector<16xi32>,
        %add3A_365 = arith.constant 128 : i32
        %add3A_366 = arith.addi %add3A_365, %mul3A_357 : i32
        %add3A_367 = vector.broadcast %add3A_366 : i32 to vector<16xi32>
        %add3A_368 = arith.addi %add3A_367, %iota3A : vector<16xi32>
        %broadcast_in_dim3A = arith.constant 0 : i32
        %broadcast_in_dim3A_369 = vector.broadcast %broadcast_in_dim3A : i32 to vector<16xi32>
        %gather3A = tpu.vector_load_idx %arg27[%get3A_360, %broadcast_in_dim3A_369] : memref<8x16xf32, #tpu.memory_space<vmem>>[vector<16xi32>, vector<16xi32>], vector<16xf32>,
        tpu.vector_store_idx %arg20[%add3A_368, %broadcast_in_dim3A_369], %gather3A : memref<256x16xf32, #tpu.memory_space<vmem>>[vector<16xi32>, vector<16xi32>], vector<16xf32>,
        %broadcast_in_dim3A_370 = arith.constant 1 : i32
        %broadcast_in_dim3A_371 = vector.broadcast %broadcast_in_dim3A_370 : i32 to vector<16xi32>
        %gather3A_372 = tpu.vector_load_idx %arg27[%get3A_360, %broadcast_in_dim3A_371] : memref<8x16xf32, #tpu.memory_space<vmem>>[vector<16xi32>, vector<16xi32>], vector<16xf32>,
        tpu.vector_store_idx %arg20[%add3A_368, %broadcast_in_dim3A_371], %gather3A_372 : memref<256x16xf32, #tpu.memory_space<vmem>>[vector<16xi32>, vector<16xi32>], vector<16xf32>,
        %broadcast_in_dim3A_373 = arith.constant 2 : i32
        %broadcast_in_dim3A_374 = vector.broadcast %broadcast_in_dim3A_373 : i32 to vector<16xi32>
        %gather3A_375 = tpu.vector_load_idx %arg27[%get3A_360, %broadcast_in_dim3A_374] : memref<8x16xf32, #tpu.memory_space<vmem>>[vector<16xi32>, vector<16xi32>], vector<16xf32>,
        tpu.vector_store_idx %arg20[%add3A_368, %broadcast_in_dim3A_374], %gather3A_375 : memref<256x16xf32, #tpu.memory_space<vmem>>[vector<16xi32>, vector<16xi32>], vector<16xf32>,
        %broadcast_in_dim3A_376 = arith.constant 3 : i32
        %broadcast_in_dim3A_377 = vector.broadcast %broadcast_in_dim3A_376 : i32 to vector<16xi32>
        %gather3A_378 = tpu.vector_load_idx %arg27[%get3A_360, %broadcast_in_dim3A_377] : memref<8x16xf32, #tpu.memory_space<vmem>>[vector<16xi32>, vector<16xi32>], vector<16xf32>,
        tpu.vector_store_idx %arg20[%add3A_368, %broadcast_in_dim3A_377], %gather3A_378 : memref<256x16xf32, #tpu.memory_space<vmem>>[vector<16xi32>, vector<16xi32>], vector<16xf32>,
        %broadcast_in_dim3A_379 = arith.constant 4 : i32
        %broadcast_in_dim3A_380 = vector.broadcast %broadcast_in_dim3A_379 : i32 to vector<16xi32>
        %gather3A_381 = tpu.vector_load_idx %arg27[%get3A_360, %broadcast_in_dim3A_380] : memref<8x16xf32, #tpu.memory_space<vmem>>[vector<16xi32>, vector<16xi32>], vector<16xf32>,
        tpu.vector_store_idx %arg20[%add3A_368, %broadcast_in_dim3A_380], %gather3A_381 : memref<256x16xf32, #tpu.memory_space<vmem>>[vector<16xi32>, vector<16xi32>], vector<16xf32>,
        %broadcast_in_dim3A_382 = arith.constant 5 : i32
        %broadcast_in_dim3A_383 = vector.broadcast %broadcast_in_dim3A_382 : i32 to vector<16xi32>
        %gather3A_384 = tpu.vector_load_idx %arg27[%get3A_360, %broadcast_in_dim3A_383] : memref<8x16xf32, #tpu.memory_space<vmem>>[vector<16xi32>, vector<16xi32>], vector<16xf32>,
        tpu.vector_store_idx %arg20[%add3A_368, %broadcast_in_dim3A_383], %gather3A_384 : memref<256x16xf32, #tpu.memory_space<vmem>>[vector<16xi32>, vector<16xi32>], vector<16xf32>,
        %broadcast_in_dim3A_385 = arith.constant 6 : i32
        %broadcast_in_dim3A_386 = vector.broadcast %broadcast_in_dim3A_385 : i32 to vector<16xi32>
        %gather3A_387 = tpu.vector_load_idx %arg27[%get3A_360, %broadcast_in_dim3A_386] : memref<8x16xf32, #tpu.memory_space<vmem>>[vector<16xi32>, vector<16xi32>], vector<16xf32>,
        tpu.vector_store_idx %arg20[%add3A_368, %broadcast_in_dim3A_386], %gather3A_387 : memref<256x16xf32, #tpu.memory_space<vmem>>[vector<16xi32>, vector<16xi32>], vector<16xf32>,
        %broadcast_in_dim3A_388 = arith.constant 7 : i32
        %broadcast_in_dim3A_389 = vector.broadcast %broadcast_in_dim3A_388 : i32 to vector<16xi32>
        %gather3A_390 = tpu.vector_load_idx %arg27[%get3A_360, %broadcast_in_dim3A_389] : memref<8x16xf32, #tpu.memory_space<vmem>>[vector<16xi32>, vector<16xi32>], vector<16xf32>,
        tpu.vector_store_idx %arg20[%add3A_368, %broadcast_in_dim3A_389], %gather3A_390 : memref<256x16xf32, #tpu.memory_space<vmem>>[vector<16xi32>, vector<16xi32>], vector<16xf32>,
        %broadcast_in_dim3A_391 = arith.constant 8 : i32
        %broadcast_in_dim3A_392 = vector.broadcast %broadcast_in_dim3A_391 : i32 to vector<16xi32>
        %gather3A_393 = tpu.vector_load_idx %arg27[%get3A_360, %broadcast_in_dim3A_392] : memref<8x16xf32, #tpu.memory_space<vmem>>[vector<16xi32>, vector<16xi32>], vector<16xf32>,
        tpu.vector_store_idx %arg20[%add3A_368, %broadcast_in_dim3A_392], %gather3A_393 : memref<256x16xf32, #tpu.memory_space<vmem>>[vector<16xi32>, vector<16xi32>], vector<16xf32>,
        %broadcast_in_dim3A_394 = arith.constant 9 : i32
        %broadcast_in_dim3A_395 = vector.broadcast %broadcast_in_dim3A_394 : i32 to vector<16xi32>
        %gather3A_396 = tpu.vector_load_idx %arg27[%get3A_360, %broadcast_in_dim3A_395] : memref<8x16xf32, #tpu.memory_space<vmem>>[vector<16xi32>, vector<16xi32>], vector<16xf32>,
        tpu.vector_store_idx %arg20[%add3A_368, %broadcast_in_dim3A_395], %gather3A_396 : memref<256x16xf32, #tpu.memory_space<vmem>>[vector<16xi32>, vector<16xi32>], vector<16xf32>,
        %broadcast_in_dim3A_397 = arith.constant 10 : i32
        %broadcast_in_dim3A_398 = vector.broadcast %broadcast_in_dim3A_397 : i32 to vector<16xi32>
        %gather3A_399 = tpu.vector_load_idx %arg27[%get3A_360, %broadcast_in_dim3A_398] : memref<8x16xf32, #tpu.memory_space<vmem>>[vector<16xi32>, vector<16xi32>], vector<16xf32>,
        tpu.vector_store_idx %arg20[%add3A_368, %broadcast_in_dim3A_398], %gather3A_399 : memref<256x16xf32, #tpu.memory_space<vmem>>[vector<16xi32>, vector<16xi32>], vector<16xf32>,
        %broadcast_in_dim3A_400 = arith.constant 11 : i32
        %broadcast_in_dim3A_401 = vector.broadcast %broadcast_in_dim3A_400 : i32 to vector<16xi32>
        %gather3A_402 = tpu.vector_load_idx %arg27[%get3A_360, %broadcast_in_dim3A_401] : memref<8x16xf32, #tpu.memory_space<vmem>>[vector<16xi32>, vector<16xi32>], vector<16xf32>,
        tpu.vector_store_idx %arg20[%add3A_368, %broadcast_in_dim3A_401], %gather3A_402 : memref<256x16xf32, #tpu.memory_space<vmem>>[vector<16xi32>, vector<16xi32>], vector<16xf32>,
        %broadcast_in_dim3A_403 = arith.constant 12 : i32
        %broadcast_in_dim3A_404 = vector.broadcast %broadcast_in_dim3A_403 : i32 to vector<16xi32>
        %gather3A_405 = tpu.vector_load_idx %arg27[%get3A_360, %broadcast_in_dim3A_404] : memref<8x16xf32, #tpu.memory_space<vmem>>[vector<16xi32>, vector<16xi32>], vector<16xf32>,
        tpu.vector_store_idx %arg20[%add3A_368, %broadcast_in_dim3A_404], %gather3A_405 : memref<256x16xf32, #tpu.memory_space<vmem>>[vector<16xi32>, vector<16xi32>], vector<16xf32>,
        %broadcast_in_dim3A_406 = arith.constant 13 : i32
        %broadcast_in_dim3A_407 = vector.broadcast %broadcast_in_dim3A_406 : i32 to vector<16xi32>
        %gather3A_408 = tpu.vector_load_idx %arg27[%get3A_360, %broadcast_in_dim3A_407] : memref<8x16xf32, #tpu.memory_space<vmem>>[vector<16xi32>, vector<16xi32>], vector<16xf32>,
        tpu.vector_store_idx %arg20[%add3A_368, %broadcast_in_dim3A_407], %gather3A_408 : memref<256x16xf32, #tpu.memory_space<vmem>>[vector<16xi32>, vector<16xi32>], vector<16xf32>,
        %broadcast_in_dim3A_409 = arith.constant 14 : i32
        %broadcast_in_dim3A_410 = vector.broadcast %broadcast_in_dim3A_409 : i32 to vector<16xi32>
        %gather3A_411 = tpu.vector_load_idx %arg27[%get3A_360, %broadcast_in_dim3A_410] : memref<8x16xf32, #tpu.memory_space<vmem>>[vector<16xi32>, vector<16xi32>], vector<16xf32>,
        tpu.vector_store_idx %arg20[%add3A_368, %broadcast_in_dim3A_410], %gather3A_411 : memref<256x16xf32, #tpu.memory_space<vmem>>[vector<16xi32>, vector<16xi32>], vector<16xf32>,
        %broadcast_in_dim3A_412 = arith.constant 15 : i32
        %broadcast_in_dim3A_413 = vector.broadcast %broadcast_in_dim3A_412 : i32 to vector<16xi32>
        %gather3A_414 = tpu.vector_load_idx %arg27[%get3A_360, %broadcast_in_dim3A_413] : memref<8x16xf32, #tpu.memory_space<vmem>>[vector<16xi32>, vector<16xi32>], vector<16xf32>,
        tpu.vector_store_idx %arg20[%add3A_368, %broadcast_in_dim3A_413], %gather3A_414 : memref<256x16xf32, #tpu.memory_space<vmem>>[vector<16xi32>, vector<16xi32>], vector<16xf32>,
        %broadcast_in_dim3A_415 = arith.constant 0 : i32
        %broadcast_in_dim3A_416 = vector.broadcast %broadcast_in_dim3A_415 : i32 to vector<16xi32>
        %gather3A_417 = tpu.vector_load_idx %arg28[%get3A_364, %broadcast_in_dim3A_416] : memref<512x32xf32, #tpu.memory_space<vmem>>[vector<16xi32>, vector<16xi32>], vector<16xf32>,
        tpu.vector_store_idx %arg21[%add3A_368, %broadcast_in_dim3A_416], %gather3A_417 : memref<256x32xf32, #tpu.memory_space<vmem>>[vector<16xi32>, vector<16xi32>], vector<16xf32>,
        %broadcast_in_dim3A_418 = arith.constant 1 : i32
        %broadcast_in_dim3A_419 = vector.broadcast %broadcast_in_dim3A_418 : i32 to vector<16xi32>
        %gather3A_420 = tpu.vector_load_idx %arg28[%get3A_364, %broadcast_in_dim3A_419] : memref<512x32xf32, #tpu.memory_space<vmem>>[vector<16xi32>, vector<16xi32>], vector<16xf32>,
        tpu.vector_store_idx %arg21[%add3A_368, %broadcast_in_dim3A_419], %gather3A_420 : memref<256x32xf32, #tpu.memory_space<vmem>>[vector<16xi32>, vector<16xi32>], vector<16xf32>,
        %broadcast_in_dim3A_421 = arith.constant 2 : i32
        %broadcast_in_dim3A_422 = vector.broadcast %broadcast_in_dim3A_421 : i32 to vector<16xi32>
        %gather3A_423 = tpu.vector_load_idx %arg28[%get3A_364, %broadcast_in_dim3A_422] : memref<512x32xf32, #tpu.memory_space<vmem>>[vector<16xi32>, vector<16xi32>], vector<16xf32>,
        tpu.vector_store_idx %arg21[%add3A_368, %broadcast_in_dim3A_422], %gather3A_423 : memref<256x32xf32, #tpu.memory_space<vmem>>[vector<16xi32>, vector<16xi32>], vector<16xf32>,
        %broadcast_in_dim3A_424 = arith.constant 3 : i32
        %broadcast_in_dim3A_425 = vector.broadcast %broadcast_in_dim3A_424 : i32 to vector<16xi32>
        %gather3A_426 = tpu.vector_load_idx %arg28[%get3A_364, %broadcast_in_dim3A_425] : memref<512x32xf32, #tpu.memory_space<vmem>>[vector<16xi32>, vector<16xi32>], vector<16xf32>,
        tpu.vector_store_idx %arg21[%add3A_368, %broadcast_in_dim3A_425], %gather3A_426 : memref<256x32xf32, #tpu.memory_space<vmem>>[vector<16xi32>, vector<16xi32>], vector<16xf32>,
        %broadcast_in_dim3A_427 = arith.constant 4 : i32
        %broadcast_in_dim3A_428 = vector.broadcast %broadcast_in_dim3A_427 : i32 to vector<16xi32>
        %gather3A_429 = tpu.vector_load_idx %arg28[%get3A_364, %broadcast_in_dim3A_428] : memref<512x32xf32, #tpu.memory_space<vmem>>[vector<16xi32>, vector<16xi32>], vector<16xf32>,
        tpu.vector_store_idx %arg21[%add3A_368, %broadcast_in_dim3A_428], %gather3A_429 : memref<256x32xf32, #tpu.memory_space<vmem>>[vector<16xi32>, vector<16xi32>], vector<16xf32>,
        %broadcast_in_dim3A_430 = arith.constant 5 : i32
        %broadcast_in_dim3A_431 = vector.broadcast %broadcast_in_dim3A_430 : i32 to vector<16xi32>
        %gather3A_432 = tpu.vector_load_idx %arg28[%get3A_364, %broadcast_in_dim3A_431] : memref<512x32xf32, #tpu.memory_space<vmem>>[vector<16xi32>, vector<16xi32>], vector<16xf32>,
        tpu.vector_store_idx %arg21[%add3A_368, %broadcast_in_dim3A_431], %gather3A_432 : memref<256x32xf32, #tpu.memory_space<vmem>>[vector<16xi32>, vector<16xi32>], vector<16xf32>,
        %broadcast_in_dim3A_433 = arith.constant 6 : i32
        %broadcast_in_dim3A_434 = vector.broadcast %broadcast_in_dim3A_433 : i32 to vector<16xi32>
        %gather3A_435 = tpu.vector_load_idx %arg28[%get3A_364, %broadcast_in_dim3A_434] : memref<512x32xf32, #tpu.memory_space<vmem>>[vector<16xi32>, vector<16xi32>], vector<16xf32>,
        tpu.vector_store_idx %arg21[%add3A_368, %broadcast_in_dim3A_434], %gather3A_435 : memref<256x32xf32, #tpu.memory_space<vmem>>[vector<16xi32>, vector<16xi32>], vector<16xf32>,
        %broadcast_in_dim3A_436 = arith.constant 7 : i32
        %broadcast_in_dim3A_437 = vector.broadcast %broadcast_in_dim3A_436 : i32 to vector<16xi32>
        %gather3A_438 = tpu.vector_load_idx %arg28[%get3A_364, %broadcast_in_dim3A_437] : memref<512x32xf32, #tpu.memory_space<vmem>>[vector<16xi32>, vector<16xi32>], vector<16xf32>,
        tpu.vector_store_idx %arg21[%add3A_368, %broadcast_in_dim3A_437], %gather3A_438 : memref<256x32xf32, #tpu.memory_space<vmem>>[vector<16xi32>, vector<16xi32>], vector<16xf32>,
        %broadcast_in_dim3A_439 = arith.constant 8 : i32
        %broadcast_in_dim3A_440 = vector.broadcast %broadcast_in_dim3A_439 : i32 to vector<16xi32>
        %gather3A_441 = tpu.vector_load_idx %arg28[%get3A_364, %broadcast_in_dim3A_440] : memref<512x32xf32, #tpu.memory_space<vmem>>[vector<16xi32>, vector<16xi32>], vector<16xf32>,
        tpu.vector_store_idx %arg21[%add3A_368, %broadcast_in_dim3A_440], %gather3A_441 : memref<256x32xf32, #tpu.memory_space<vmem>>[vector<16xi32>, vector<16xi32>], vector<16xf32>,
        %broadcast_in_dim3A_442 = arith.constant 9 : i32
        %broadcast_in_dim3A_443 = vector.broadcast %broadcast_in_dim3A_442 : i32 to vector<16xi32>
        %gather3A_444 = tpu.vector_load_idx %arg28[%get3A_364, %broadcast_in_dim3A_443] : memref<512x32xf32, #tpu.memory_space<vmem>>[vector<16xi32>, vector<16xi32>], vector<16xf32>,
        tpu.vector_store_idx %arg21[%add3A_368, %broadcast_in_dim3A_443], %gather3A_444 : memref<256x32xf32, #tpu.memory_space<vmem>>[vector<16xi32>, vector<16xi32>], vector<16xf32>,
        %broadcast_in_dim3A_445 = arith.constant 10 : i32
        %broadcast_in_dim3A_446 = vector.broadcast %broadcast_in_dim3A_445 : i32 to vector<16xi32>
        %gather3A_447 = tpu.vector_load_idx %arg28[%get3A_364, %broadcast_in_dim3A_446] : memref<512x32xf32, #tpu.memory_space<vmem>>[vector<16xi32>, vector<16xi32>], vector<16xf32>,
        tpu.vector_store_idx %arg21[%add3A_368, %broadcast_in_dim3A_446], %gather3A_447 : memref<256x32xf32, #tpu.memory_space<vmem>>[vector<16xi32>, vector<16xi32>], vector<16xf32>,
        %broadcast_in_dim3A_448 = arith.constant 11 : i32
        %broadcast_in_dim3A_449 = vector.broadcast %broadcast_in_dim3A_448 : i32 to vector<16xi32>
        %gather3A_450 = tpu.vector_load_idx %arg28[%get3A_364, %broadcast_in_dim3A_449] : memref<512x32xf32, #tpu.memory_space<vmem>>[vector<16xi32>, vector<16xi32>], vector<16xf32>,
        tpu.vector_store_idx %arg21[%add3A_368, %broadcast_in_dim3A_449], %gather3A_450 : memref<256x32xf32, #tpu.memory_space<vmem>>[vector<16xi32>, vector<16xi32>], vector<16xf32>,
        %broadcast_in_dim3A_451 = arith.constant 12 : i32
        %broadcast_in_dim3A_452 = vector.broadcast %broadcast_in_dim3A_451 : i32 to vector<16xi32>
        %gather3A_453 = tpu.vector_load_idx %arg28[%get3A_364, %broadcast_in_dim3A_452] : memref<512x32xf32, #tpu.memory_space<vmem>>[vector<16xi32>, vector<16xi32>], vector<16xf32>,
        tpu.vector_store_idx %arg21[%add3A_368, %broadcast_in_dim3A_452], %gather3A_453 : memref<256x32xf32, #tpu.memory_space<vmem>>[vector<16xi32>, vector<16xi32>], vector<16xf32>,
        %broadcast_in_dim3A_454 = arith.constant 13 : i32
        %broadcast_in_dim3A_455 = vector.broadcast %broadcast_in_dim3A_454 : i32 to vector<16xi32>
        %gather3A_456 = tpu.vector_load_idx %arg28[%get3A_364, %broadcast_in_dim3A_455] : memref<512x32xf32, #tpu.memory_space<vmem>>[vector<16xi32>, vector<16xi32>], vector<16xf32>,
        tpu.vector_store_idx %arg21[%add3A_368, %broadcast_in_dim3A_455], %gather3A_456 : memref<256x32xf32, #tpu.memory_space<vmem>>[vector<16xi32>, vector<16xi32>], vector<16xf32>,
        %broadcast_in_dim3A_457 = arith.constant 14 : i32
        %broadcast_in_dim3A_458 = vector.broadcast %broadcast_in_dim3A_457 : i32 to vector<16xi32>
        %gather3A_459 = tpu.vector_load_idx %arg28[%get3A_364, %broadcast_in_dim3A_458] : memref<512x32xf32, #tpu.memory_space<vmem>>[vector<16xi32>, vector<16xi32>], vector<16xf32>,
        tpu.vector_store_idx %arg21[%add3A_368, %broadcast_in_dim3A_458], %gather3A_459 : memref<256x32xf32, #tpu.memory_space<vmem>>[vector<16xi32>, vector<16xi32>], vector<16xf32>,
        %broadcast_in_dim3A_460 = arith.constant 15 : i32
        %broadcast_in_dim3A_461 = vector.broadcast %broadcast_in_dim3A_460 : i32 to vector<16xi32>
        %gather3A_462 = tpu.vector_load_idx %arg28[%get3A_364, %broadcast_in_dim3A_461] : memref<512x32xf32, #tpu.memory_space<vmem>>[vector<16xi32>, vector<16xi32>], vector<16xf32>,
        tpu.vector_store_idx %arg21[%add3A_368, %broadcast_in_dim3A_461], %gather3A_462 : memref<256x32xf32, #tpu.memory_space<vmem>>[vector<16xi32>, vector<16xi32>], vector<16xf32>,
        %broadcast_in_dim3A_463 = arith.constant 16 : i32
        %broadcast_in_dim3A_464 = vector.broadcast %broadcast_in_dim3A_463 : i32 to vector<16xi32>
        %gather3A_465 = tpu.vector_load_idx %arg28[%get3A_364, %broadcast_in_dim3A_464] : memref<512x32xf32, #tpu.memory_space<vmem>>[vector<16xi32>, vector<16xi32>], vector<16xf32>,
        tpu.vector_store_idx %arg21[%add3A_368, %broadcast_in_dim3A_464], %gather3A_465 : memref<256x32xf32, #tpu.memory_space<vmem>>[vector<16xi32>, vector<16xi32>], vector<16xf32>,
        %broadcast_in_dim3A_466 = arith.constant 17 : i32
        %broadcast_in_dim3A_467 = vector.broadcast %broadcast_in_dim3A_466 : i32 to vector<16xi32>
        %gather3A_468 = tpu.vector_load_idx %arg28[%get3A_364, %broadcast_in_dim3A_467] : memref<512x32xf32, #tpu.memory_space<vmem>>[vector<16xi32>, vector<16xi32>], vector<16xf32>,
        tpu.vector_store_idx %arg21[%add3A_368, %broadcast_in_dim3A_467], %gather3A_468 : memref<256x32xf32, #tpu.memory_space<vmem>>[vector<16xi32>, vector<16xi32>], vector<16xf32>,
        %broadcast_in_dim3A_469 = arith.constant 18 : i32
        %broadcast_in_dim3A_470 = vector.broadcast %broadcast_in_dim3A_469 : i32 to vector<16xi32>
        %gather3A_471 = tpu.vector_load_idx %arg28[%get3A_364, %broadcast_in_dim3A_470] : memref<512x32xf32, #tpu.memory_space<vmem>>[vector<16xi32>, vector<16xi32>], vector<16xf32>,
        tpu.vector_store_idx %arg21[%add3A_368, %broadcast_in_dim3A_470], %gather3A_471 : memref<256x32xf32, #tpu.memory_space<vmem>>[vector<16xi32>, vector<16xi32>], vector<16xf32>,
        %broadcast_in_dim3A_472 = arith.constant 19 : i32
        %broadcast_in_dim3A_473 = vector.broadcast %broadcast_in_dim3A_472 : i32 to vector<16xi32>
        %gather3A_474 = tpu.vector_load_idx %arg28[%get3A_364, %broadcast_in_dim3A_473] : memref<512x32xf32, #tpu.memory_space<vmem>>[vector<16xi32>, vector<16xi32>], vector<16xf32>,
        tpu.vector_store_idx %arg21[%add3A_368, %broadcast_in_dim3A_473], %gather3A_474 : memref<256x32xf32, #tpu.memory_space<vmem>>[vector<16xi32>, vector<16xi32>], vector<16xf32>,
        %broadcast_in_dim3A_475 = arith.constant 20 : i32
        %broadcast_in_dim3A_476 = vector.broadcast %broadcast_in_dim3A_475 : i32 to vector<16xi32>
        %gather3A_477 = tpu.vector_load_idx %arg28[%get3A_364, %broadcast_in_dim3A_476] : memref<512x32xf32, #tpu.memory_space<vmem>>[vector<16xi32>, vector<16xi32>], vector<16xf32>,
        tpu.vector_store_idx %arg21[%add3A_368, %broadcast_in_dim3A_476], %gather3A_477 : memref<256x32xf32, #tpu.memory_space<vmem>>[vector<16xi32>, vector<16xi32>], vector<16xf32>,
        %broadcast_in_dim3A_478 = arith.constant 21 : i32
        %broadcast_in_dim3A_479 = vector.broadcast %broadcast_in_dim3A_478 : i32 to vector<16xi32>
        %gather3A_480 = tpu.vector_load_idx %arg28[%get3A_364, %broadcast_in_dim3A_479] : memref<512x32xf32, #tpu.memory_space<vmem>>[vector<16xi32>, vector<16xi32>], vector<16xf32>,
        tpu.vector_store_idx %arg21[%add3A_368, %broadcast_in_dim3A_479], %gather3A_480 : memref<256x32xf32, #tpu.memory_space<vmem>>[vector<16xi32>, vector<16xi32>], vector<16xf32>,
        %broadcast_in_dim3A_481 = arith.constant 22 : i32
        %broadcast_in_dim3A_482 = vector.broadcast %broadcast_in_dim3A_481 : i32 to vector<16xi32>
        %gather3A_483 = tpu.vector_load_idx %arg28[%get3A_364, %broadcast_in_dim3A_482] : memref<512x32xf32, #tpu.memory_space<vmem>>[vector<16xi32>, vector<16xi32>], vector<16xf32>,
        tpu.vector_store_idx %arg21[%add3A_368, %broadcast_in_dim3A_482], %gather3A_483 : memref<256x32xf32, #tpu.memory_space<vmem>>[vector<16xi32>, vector<16xi32>], vector<16xf32>,
        %broadcast_in_dim3A_484 = arith.constant 23 : i32
        %broadcast_in_dim3A_485 = vector.broadcast %broadcast_in_dim3A_484 : i32 to vector<16xi32>
        %gather3A_486 = tpu.vector_load_idx %arg28[%get3A_364, %broadcast_in_dim3A_485] : memref<512x32xf32, #tpu.memory_space<vmem>>[vector<16xi32>, vector<16xi32>], vector<16xf32>,
        tpu.vector_store_idx %arg21[%add3A_368, %broadcast_in_dim3A_485], %gather3A_486 : memref<256x32xf32, #tpu.memory_space<vmem>>[vector<16xi32>, vector<16xi32>], vector<16xf32>,
        %broadcast_in_dim3A_487 = arith.constant 24 : i32
        %broadcast_in_dim3A_488 = vector.broadcast %broadcast_in_dim3A_487 : i32 to vector<16xi32>
        %gather3A_489 = tpu.vector_load_idx %arg28[%get3A_364, %broadcast_in_dim3A_488] : memref<512x32xf32, #tpu.memory_space<vmem>>[vector<16xi32>, vector<16xi32>], vector<16xf32>,
        tpu.vector_store_idx %arg21[%add3A_368, %broadcast_in_dim3A_488], %gather3A_489 : memref<256x32xf32, #tpu.memory_space<vmem>>[vector<16xi32>, vector<16xi32>], vector<16xf32>,
        %broadcast_in_dim3A_490 = arith.constant 25 : i32
        %broadcast_in_dim3A_491 = vector.broadcast %broadcast_in_dim3A_490 : i32 to vector<16xi32>
        %gather3A_492 = tpu.vector_load_idx %arg28[%get3A_364, %broadcast_in_dim3A_491] : memref<512x32xf32, #tpu.memory_space<vmem>>[vector<16xi32>, vector<16xi32>], vector<16xf32>,
        tpu.vector_store_idx %arg21[%add3A_368, %broadcast_in_dim3A_491], %gather3A_492 : memref<256x32xf32, #tpu.memory_space<vmem>>[vector<16xi32>, vector<16xi32>], vector<16xf32>,
        %broadcast_in_dim3A_493 = arith.constant 26 : i32
        %broadcast_in_dim3A_494 = vector.broadcast %broadcast_in_dim3A_493 : i32 to vector<16xi32>
        %gather3A_495 = tpu.vector_load_idx %arg28[%get3A_364, %broadcast_in_dim3A_494] : memref<512x32xf32, #tpu.memory_space<vmem>>[vector<16xi32>, vector<16xi32>], vector<16xf32>,
        tpu.vector_store_idx %arg21[%add3A_368, %broadcast_in_dim3A_494], %gather3A_495 : memref<256x32xf32, #tpu.memory_space<vmem>>[vector<16xi32>, vector<16xi32>], vector<16xf32>,
        %broadcast_in_dim3A_496 = arith.constant 27 : i32
        %broadcast_in_dim3A_497 = vector.broadcast %broadcast_in_dim3A_496 : i32 to vector<16xi32>
        %gather3A_498 = tpu.vector_load_idx %arg28[%get3A_364, %broadcast_in_dim3A_497] : memref<512x32xf32, #tpu.memory_space<vmem>>[vector<16xi32>, vector<16xi32>], vector<16xf32>,
        tpu.vector_store_idx %arg21[%add3A_368, %broadcast_in_dim3A_497], %gather3A_498 : memref<256x32xf32, #tpu.memory_space<vmem>>[vector<16xi32>, vector<16xi32>], vector<16xf32>,
        %broadcast_in_dim3A_499 = arith.constant 28 : i32
        %broadcast_in_dim3A_500 = vector.broadcast %broadcast_in_dim3A_499 : i32 to vector<16xi32>
        %gather3A_501 = tpu.vector_load_idx %arg28[%get3A_364, %broadcast_in_dim3A_500] : memref<512x32xf32, #tpu.memory_space<vmem>>[vector<16xi32>, vector<16xi32>], vector<16xf32>,
        tpu.vector_store_idx %arg21[%add3A_368, %broadcast_in_dim3A_500], %gather3A_501 : memref<256x32xf32, #tpu.memory_space<vmem>>[vector<16xi32>, vector<16xi32>], vector<16xf32>,
        %broadcast_in_dim3A_502 = arith.constant 29 : i32
        %broadcast_in_dim3A_503 = vector.broadcast %broadcast_in_dim3A_502 : i32 to vector<16xi32>
        %gather3A_504 = tpu.vector_load_idx %arg28[%get3A_364, %broadcast_in_dim3A_503] : memref<512x32xf32, #tpu.memory_space<vmem>>[vector<16xi32>, vector<16xi32>], vector<16xf32>,
        tpu.vector_store_idx %arg21[%add3A_368, %broadcast_in_dim3A_503], %gather3A_504 : memref<256x32xf32, #tpu.memory_space<vmem>>[vector<16xi32>, vector<16xi32>], vector<16xf32>,
        %broadcast_in_dim3A_505 = arith.constant 30 : i32
        %broadcast_in_dim3A_506 = vector.broadcast %broadcast_in_dim3A_505 : i32 to vector<16xi32>
        %gather3A_507 = tpu.vector_load_idx %arg28[%get3A_364, %broadcast_in_dim3A_506] : memref<512x32xf32, #tpu.memory_space<vmem>>[vector<16xi32>, vector<16xi32>], vector<16xf32>,
        tpu.vector_store_idx %arg21[%add3A_368, %broadcast_in_dim3A_506], %gather3A_507 : memref<256x32xf32, #tpu.memory_space<vmem>>[vector<16xi32>, vector<16xi32>], vector<16xf32>,
        %broadcast_in_dim3A_508 = arith.constant 31 : i32
        %broadcast_in_dim3A_509 = vector.broadcast %broadcast_in_dim3A_508 : i32 to vector<16xi32>
        %gather3A_510 = tpu.vector_load_idx %arg28[%get3A_364, %broadcast_in_dim3A_509] : memref<512x32xf32, #tpu.memory_space<vmem>>[vector<16xi32>, vector<16xi32>], vector<16xf32>,
        tpu.vector_store_idx %arg21[%add3A_368, %broadcast_in_dim3A_509], %gather3A_510 : memref<256x32xf32, #tpu.memory_space<vmem>>[vector<16xi32>, vector<16xi32>], vector<16xf32>,
      }
      %scan3A_149 = arith.constant 8 : i32
      %dma_wait3A_150 = arith.constant 0 : i32
      %dma_wait3A_151 = arith.constant 0 : i32
      %dma_wait3A_152 = arith.constant 0 : i32
      %dma_wait3A_153 = tpu.memref_slice %arg19[%dma_wait3A_151, %dma_wait3A_152] : memref<256x64xf32, #tpu.memory_space<vmem>> -> memref<128x64xf32, #tpu.memory_space<vmem>>
      %dma_wait3A_154 = arith.constant 0 : i32
      %dma_wait3A_155 = tpu.memref_slice %arg11[%dma_wait3A_150, %dma_wait3A_154] : memref<2x128xi32, #tpu.memory_space<vmem>> -> memref<1x128xi32, #tpu.memory_space<vmem>>
      %dma_wait3A_156 = tpu.memref_squeeze %dma_wait3A_155 : memref<1x128xi32, #tpu.memory_space<vmem>> -> memref<128xi32, #tpu.memory_space<vmem>>
      %dma_wait3A_157 = arith.constant 0 : i32
      %dma_wait3A_158 = arith.constant 0 : i32
      %dma_wait3A_159 = tpu.memref_slice %arg6[%dma_wait3A_157, %dma_wait3A_158] : memref<100000x64xf32, #tpu.memory_space<hbm>> -> memref<100000x64xf32, #tpu.memory_space<hbm>>
      tpu.wait_indirect_dma semaphore(%arg31 : memref<!tpu.dma_semaphore, #tpu.memory_space<semaphore_mem>>) src(%dma_wait3A_159 : memref<100000x64xf32, #tpu.memory_space<hbm>>) dst(%dma_wait3A_153 : memref<128x64xf32, #tpu.memory_space<vmem>>)
      %dma_wait3A_160 = arith.constant 0 : i32
      %dma_wait3A_161 = arith.constant 0 : i32
      %dma_wait3A_162 = arith.constant 0 : i32
      %dma_wait3A_163 = tpu.memref_slice %arg22[%dma_wait3A_161, %dma_wait3A_162] : memref<256x64xf32, #tpu.memory_space<vmem>> -> memref<128x64xf32, #tpu.memory_space<vmem>>
      %dma_wait3A_164 = arith.constant 0 : i32
      %dma_wait3A_165 = tpu.memref_slice %arg14[%dma_wait3A_160, %dma_wait3A_164] : memref<2x128xi32, #tpu.memory_space<vmem>> -> memref<1x128xi32, #tpu.memory_space<vmem>>
      %dma_wait3A_166 = tpu.memref_squeeze %dma_wait3A_165 : memref<1x128xi32, #tpu.memory_space<vmem>> -> memref<128xi32, #tpu.memory_space<vmem>>
      %dma_wait3A_167 = arith.constant 0 : i32
      %dma_wait3A_168 = arith.constant 0 : i32
      %dma_wait3A_169 = tpu.memref_slice %arg9[%dma_wait3A_167, %dma_wait3A_168] : memref<1000000x64xf32, #tpu.memory_space<hbm>> -> memref<1000000x64xf32, #tpu.memory_space<hbm>>
      tpu.wait_indirect_dma semaphore(%arg31 : memref<!tpu.dma_semaphore, #tpu.memory_space<semaphore_mem>>) src(%dma_wait3A_169 : memref<1000000x64xf32, #tpu.memory_space<hbm>>) dst(%dma_wait3A_163 : memref<128x64xf32, #tpu.memory_space<vmem>>)
      %dma_wait3A_170 = arith.constant 1 : i32
      %dma_wait3A_171 = arith.constant 128 : i32
      %dma_wait3A_172 = arith.constant 0 : i32
      %dma_wait3A_173 = tpu.memref_slice %arg19[%dma_wait3A_171, %dma_wait3A_172] : memref<256x64xf32, #tpu.memory_space<vmem>> -> memref<128x64xf32, #tpu.memory_space<vmem>>
      %dma_wait3A_174 = arith.constant 0 : i32
      %dma_wait3A_175 = tpu.memref_slice %arg11[%dma_wait3A_170, %dma_wait3A_174] : memref<2x128xi32, #tpu.memory_space<vmem>> -> memref<1x128xi32, #tpu.memory_space<vmem>>
      %dma_wait3A_176 = tpu.memref_squeeze %dma_wait3A_175 : memref<1x128xi32, #tpu.memory_space<vmem>> -> memref<128xi32, #tpu.memory_space<vmem>>
      %dma_wait3A_177 = arith.constant 0 : i32
      %dma_wait3A_178 = arith.constant 0 : i32
      %dma_wait3A_179 = tpu.memref_slice %arg6[%dma_wait3A_177, %dma_wait3A_178] : memref<100000x64xf32, #tpu.memory_space<hbm>> -> memref<100000x64xf32, #tpu.memory_space<hbm>>
      tpu.wait_indirect_dma semaphore(%arg31 : memref<!tpu.dma_semaphore, #tpu.memory_space<semaphore_mem>>) src(%dma_wait3A_179 : memref<100000x64xf32, #tpu.memory_space<hbm>>) dst(%dma_wait3A_173 : memref<128x64xf32, #tpu.memory_space<vmem>>)
      %dma_wait3A_180 = arith.constant 1 : i32
      %dma_wait3A_181 = arith.constant 128 : i32
      %dma_wait3A_182 = arith.constant 0 : i32
      %dma_wait3A_183 = tpu.memref_slice %arg22[%dma_wait3A_181, %dma_wait3A_182] : memref<256x64xf32, #tpu.memory_space<vmem>> -> memref<128x64xf32, #tpu.memory_space<vmem>>
      %dma_wait3A_184 = arith.constant 0 : i32
      %dma_wait3A_185 = tpu.memref_slice %arg14[%dma_wait3A_180, %dma_wait3A_184] : memref<2x128xi32, #tpu.memory_space<vmem>> -> memref<1x128xi32, #tpu.memory_space<vmem>>
      %dma_wait3A_186 = tpu.memref_squeeze %dma_wait3A_185 : memref<1x128xi32, #tpu.memory_space<vmem>> -> memref<128xi32, #tpu.memory_space<vmem>>
      %dma_wait3A_187 = arith.constant 0 : i32
      %dma_wait3A_188 = arith.constant 0 : i32
      %dma_wait3A_189 = tpu.memref_slice %arg9[%dma_wait3A_187, %dma_wait3A_188] : memref<1000000x64xf32, #tpu.memory_space<hbm>> -> memref<1000000x64xf32, #tpu.memory_space<hbm>>
      tpu.wait_indirect_dma semaphore(%arg31 : memref<!tpu.dma_semaphore, #tpu.memory_space<semaphore_mem>>) src(%dma_wait3A_189 : memref<1000000x64xf32, #tpu.memory_space<hbm>>) dst(%dma_wait3A_183 : memref<128x64xf32, #tpu.memory_space<vmem>>)
      %add3A_190 = arith.addi %mul3A_2, %add3A_70 : i32
      %mul3A_191 = arith.constant 256 : i32
      %mul3A_192 = arith.muli %add3A_190, %mul3A_191 : i32
      %dma_start3A_193 = arith.constant 0 : i32
      %dma_start3A_194 = tpu.memref_slice %arg10[%mul3A_192, %dma_start3A_193] : memref<819200x176xf32, #tpu.memory_space<hbm>> -> memref<256x64xf32, #tpu.memory_space<hbm>>
      %dma_start3A_195 = arith.constant 0 : i32
      %dma_start3A_196 = tpu.memref_slice %arg10[%mul3A_192, %dma_start3A_195] : memref<819200x176xf32, #tpu.memory_space<hbm>> -> memref<256x64xf32, #tpu.memory_space<hbm>>
      tpu.enqueue_dma source(%arg19 : memref<256x64xf32, #tpu.memory_space<vmem>>) target(%dma_start3A_196 : memref<256x64xf32, #tpu.memory_space<hbm>>) target_semaphore(%arg33 : memref<!tpu.dma_semaphore, #tpu.memory_space<semaphore_mem>>)
      %dma_start3A_197 = arith.constant 64 : i32
      %dma_start3A_198 = tpu.memref_slice %arg10[%mul3A_192, %dma_start3A_197] : memref<819200x176xf32, #tpu.memory_space<hbm>> -> memref<256x16xf32, #tpu.memory_space<hbm>>
      %dma_start3A_199 = arith.constant 64 : i32
      %dma_start3A_200 = tpu.memref_slice %arg10[%mul3A_192, %dma_start3A_199] : memref<819200x176xf32, #tpu.memory_space<hbm>> -> memref<256x16xf32, #tpu.memory_space<hbm>>
      tpu.enqueue_dma source(%arg20 : memref<256x16xf32, #tpu.memory_space<vmem>>) target(%dma_start3A_200 : memref<256x16xf32, #tpu.memory_space<hbm>>) target_semaphore(%arg33 : memref<!tpu.dma_semaphore, #tpu.memory_space<semaphore_mem>>)
      %dma_start3A_201 = arith.constant 80 : i32
      %dma_start3A_202 = tpu.memref_slice %arg10[%mul3A_192, %dma_start3A_201] : memref<819200x176xf32, #tpu.memory_space<hbm>> -> memref<256x32xf32, #tpu.memory_space<hbm>>
      %dma_start3A_203 = arith.constant 80 : i32
      %dma_start3A_204 = tpu.memref_slice %arg10[%mul3A_192, %dma_start3A_203] : memref<819200x176xf32, #tpu.memory_space<hbm>> -> memref<256x32xf32, #tpu.memory_space<hbm>>
      tpu.enqueue_dma source(%arg21 : memref<256x32xf32, #tpu.memory_space<vmem>>) target(%dma_start3A_204 : memref<256x32xf32, #tpu.memory_space<hbm>>) target_semaphore(%arg33 : memref<!tpu.dma_semaphore, #tpu.memory_space<semaphore_mem>>)
      %dma_start3A_205 = arith.constant 112 : i32
      %dma_start3A_206 = tpu.memref_slice %arg10[%mul3A_192, %dma_start3A_205] : memref<819200x176xf32, #tpu.memory_space<hbm>> -> memref<256x64xf32, #tpu.memory_space<hbm>>
      %dma_start3A_207 = arith.constant 112 : i32
      %dma_start3A_208 = tpu.memref_slice %arg10[%mul3A_192, %dma_start3A_207] : memref<819200x176xf32, #tpu.memory_space<hbm>> -> memref<256x64xf32, #tpu.memory_space<hbm>>
      tpu.enqueue_dma source(%arg22 : memref<256x64xf32, #tpu.memory_space<vmem>>) target(%dma_start3A_208 : memref<256x64xf32, #tpu.memory_space<hbm>>) target_semaphore(%arg33 : memref<!tpu.dma_semaphore, #tpu.memory_space<semaphore_mem>>)
      %mul3A_209 = arith.constant 2 : i32
      %mul3A_210 = arith.muli %scan3A_66, %mul3A_209 : i32
      %add3A_211 = arith.constant 1 : i32
      %add3A_212 = arith.addi %mul3A_210, %add3A_211 : i32
      %add3A_213 = arith.addi %mul3A_2, %add3A_212 : i32
      %mul3A_214 = arith.constant 2 : i32
      %mul3A_215 = arith.muli %add3A_213, %mul3A_214 : i32
      %dma_wait3A_216 = arith.constant 0 : i32
      %dma_wait3A_217 = tpu.memref_slice %arg2[%mul3A_215, %dma_wait3A_216] : memref<6400x128xi32, #tpu.memory_space<hbm>> -> memref<2x128xi32, #tpu.memory_space<hbm>>
      %dma_wait3A_218 = arith.constant 0 : i32
      %dma_wait3A_219 = tpu.memref_slice %arg2[%mul3A_215, %dma_wait3A_218] : memref<6400x128xi32, #tpu.memory_space<hbm>> -> memref<2x128xi32, #tpu.memory_space<hbm>>
      tpu.wait_dma2 semaphore(%arg30 : memref<!tpu.dma_semaphore, #tpu.memory_space<semaphore_mem>>) src(%dma_wait3A_219 : memref<2x128xi32, #tpu.memory_space<hbm>>) dst(%arg15 : memref<2x128xi32, #tpu.memory_space<vmem>>)
      %dma_wait3A_220 = arith.constant 0 : i32
      %dma_wait3A_221 = tpu.memref_slice %arg3[%mul3A_215, %dma_wait3A_220] : memref<6400x128xi32, #tpu.memory_space<hbm>> -> memref<2x128xi32, #tpu.memory_space<hbm>>
      %dma_wait3A_222 = arith.constant 0 : i32
      %dma_wait3A_223 = tpu.memref_slice %arg3[%mul3A_215, %dma_wait3A_222] : memref<6400x128xi32, #tpu.memory_space<hbm>> -> memref<2x128xi32, #tpu.memory_space<hbm>>
      tpu.wait_dma2 semaphore(%arg30 : memref<!tpu.dma_semaphore, #tpu.memory_space<semaphore_mem>>) src(%dma_wait3A_223 : memref<2x128xi32, #tpu.memory_space<hbm>>) dst(%arg16 : memref<2x128xi32, #tpu.memory_space<vmem>>)
      %dma_wait3A_224 = arith.constant 0 : i32
      %dma_wait3A_225 = tpu.memref_slice %arg4[%mul3A_215, %dma_wait3A_224] : memref<6400x128xi32, #tpu.memory_space<hbm>> -> memref<2x128xi32, #tpu.memory_space<hbm>>
      %dma_wait3A_226 = arith.constant 0 : i32
      %dma_wait3A_227 = tpu.memref_slice %arg4[%mul3A_215, %dma_wait3A_226] : memref<6400x128xi32, #tpu.memory_space<hbm>> -> memref<2x128xi32, #tpu.memory_space<hbm>>
      tpu.wait_dma2 semaphore(%arg30 : memref<!tpu.dma_semaphore, #tpu.memory_space<semaphore_mem>>) src(%dma_wait3A_227 : memref<2x128xi32, #tpu.memory_space<hbm>>) dst(%arg17 : memref<2x128xi32, #tpu.memory_space<vmem>>)
      %dma_wait3A_228 = arith.constant 0 : i32
      %dma_wait3A_229 = tpu.memref_slice %arg5[%mul3A_215, %dma_wait3A_228] : memref<6400x128xi32, #tpu.memory_space<hbm>> -> memref<2x128xi32, #tpu.memory_space<hbm>>
      %dma_wait3A_230 = arith.constant 0 : i32
      %dma_wait3A_231 = tpu.memref_slice %arg5[%mul3A_215, %dma_wait3A_230] : memref<6400x128xi32, #tpu.memory_space<hbm>> -> memref<2x128xi32, #tpu.memory_space<hbm>>
      tpu.wait_dma2 semaphore(%arg30 : memref<!tpu.dma_semaphore, #tpu.memory_space<semaphore_mem>>) src(%dma_wait3A_231 : memref<2x128xi32, #tpu.memory_space<hbm>>) dst(%arg18 : memref<2x128xi32, #tpu.memory_space<vmem>>)
      %ge3A_232 = arith.constant 2 : i32
      %ge3A_233 = arith.cmpi sge, %add3A_212, %ge3A_232 : i32
      %convert_element_type3A_234 = arith.extui %ge3A_233 : i1 to i32
      %cond3A_235 = arith.constant 0 : i32
      %cond3A_236 = arith.cmpi ne, %convert_element_type3A_234, %cond3A_235 : i32
      scf.if %cond3A_236 {
        %sub3A = arith.constant 2 : i32
        %sub3A_355 = arith.subi %add3A_212, %sub3A : i32
        %add3A_356 = arith.addi %mul3A_2, %sub3A_355 : i32
        %mul3A_357 = arith.constant 256 : i32
        %mul3A_358 = arith.muli %add3A_356, %mul3A_357 : i32
        %dma_wait3A_359 = arith.constant 0 : i32
        %dma_wait3A_360 = tpu.memref_slice %arg10[%mul3A_358, %dma_wait3A_359] : memref<819200x176xf32, #tpu.memory_space<hbm>> -> memref<256x64xf32, #tpu.memory_space<hbm>>
        %dma_wait3A_361 = arith.constant 0 : i32
        %dma_wait3A_362 = tpu.memref_slice %arg10[%mul3A_358, %dma_wait3A_361] : memref<819200x176xf32, #tpu.memory_space<hbm>> -> memref<256x64xf32, #tpu.memory_space<hbm>>
        tpu.wait_dma2 semaphore(%arg34 : memref<!tpu.dma_semaphore, #tpu.memory_space<semaphore_mem>>) src(%arg23 : memref<256x64xf32, #tpu.memory_space<vmem>>) dst(%dma_wait3A_362 : memref<256x64xf32, #tpu.memory_space<hbm>>)
        %dma_wait3A_363 = arith.constant 64 : i32
        %dma_wait3A_364 = tpu.memref_slice %arg10[%mul3A_358, %dma_wait3A_363] : memref<819200x176xf32, #tpu.memory_space<hbm>> -> memref<256x16xf32, #tpu.memory_space<hbm>>
        %dma_wait3A_365 = arith.constant 64 : i32
        %dma_wait3A_366 = tpu.memref_slice %arg10[%mul3A_358, %dma_wait3A_365] : memref<819200x176xf32, #tpu.memory_space<hbm>> -> memref<256x16xf32, #tpu.memory_space<hbm>>
        tpu.wait_dma2 semaphore(%arg34 : memref<!tpu.dma_semaphore, #tpu.memory_space<semaphore_mem>>) src(%arg24 : memref<256x16xf32, #tpu.memory_space<vmem>>) dst(%dma_wait3A_366 : memref<256x16xf32, #tpu.memory_space<hbm>>)
        %dma_wait3A_367 = arith.constant 80 : i32
        %dma_wait3A_368 = tpu.memref_slice %arg10[%mul3A_358, %dma_wait3A_367] : memref<819200x176xf32, #tpu.memory_space<hbm>> -> memref<256x32xf32, #tpu.memory_space<hbm>>
        %dma_wait3A_369 = arith.constant 80 : i32
        %dma_wait3A_370 = tpu.memref_slice %arg10[%mul3A_358, %dma_wait3A_369] : memref<819200x176xf32, #tpu.memory_space<hbm>> -> memref<256x32xf32, #tpu.memory_space<hbm>>
        tpu.wait_dma2 semaphore(%arg34 : memref<!tpu.dma_semaphore, #tpu.memory_space<semaphore_mem>>) src(%arg25 : memref<256x32xf32, #tpu.memory_space<vmem>>) dst(%dma_wait3A_370 : memref<256x32xf32, #tpu.memory_space<hbm>>)
        %dma_wait3A_371 = arith.constant 112 : i32
        %dma_wait3A_372 = tpu.memref_slice %arg10[%mul3A_358, %dma_wait3A_371] : memref<819200x176xf32, #tpu.memory_space<hbm>> -> memref<256x64xf32, #tpu.memory_space<hbm>>
        %dma_wait3A_373 = arith.constant 112 : i32
        %dma_wait3A_374 = tpu.memref_slice %arg10[%mul3A_358, %dma_wait3A_373] : memref<819200x176xf32, #tpu.memory_space<hbm>> -> memref<256x64xf32, #tpu.memory_space<hbm>>
        tpu.wait_dma2 semaphore(%arg34 : memref<!tpu.dma_semaphore, #tpu.memory_space<semaphore_mem>>) src(%arg26 : memref<256x64xf32, #tpu.memory_space<vmem>>) dst(%dma_wait3A_374 : memref<256x64xf32, #tpu.memory_space<hbm>>)
      } else {
      }
      %dma_start3A_237 = arith.constant 0 : i32
      %dma_start3A_238 = arith.constant 0 : i32
      %dma_start3A_239 = arith.constant 0 : i32
      %dma_start3A_240 = tpu.memref_slice %arg23[%dma_start3A_238, %dma_start3A_239] : memref<256x64xf32, #tpu.memory_space<vmem>> -> memref<128x64xf32, #tpu.memory_space<vmem>>
      %dma_start3A_241 = arith.constant 0 : i32
      %dma_start3A_242 = tpu.memref_slice %arg15[%dma_start3A_237, %dma_start3A_241] : memref<2x128xi32, #tpu.memory_space<vmem>> -> memref<1x128xi32, #tpu.memory_space<vmem>>
      %dma_start3A_243 = tpu.memref_squeeze %dma_start3A_242 : memref<1x128xi32, #tpu.memory_space<vmem>> -> memref<128xi32, #tpu.memory_space<vmem>>
      %dma_start3A_244 = arith.constant 0 : i32
      %dma_start3A_245 = arith.constant 0 : i32
      %dma_start3A_246 = tpu.memref_slice %arg6[%dma_start3A_244, %dma_start3A_245] : memref<100000x64xf32, #tpu.memory_space<hbm>> -> memref<100000x64xf32, #tpu.memory_space<hbm>>
      tpu.enqueue_indirect_dma source(%dma_start3A_246 : memref<100000x64xf32, #tpu.memory_space<hbm>>) target(%dma_start3A_240 : memref<128x64xf32, #tpu.memory_space<vmem>>) offsets(%dma_start3A_243 : memref<128xi32, #tpu.memory_space<vmem>>) semaphore(%arg32 : memref<!tpu.dma_semaphore, #tpu.memory_space<semaphore_mem>>)
      %dma_start3A_247 = arith.constant 0 : i32
      %dma_start3A_248 = arith.constant 0 : i32
      %dma_start3A_249 = arith.constant 0 : i32
      %dma_start3A_250 = tpu.memref_slice %arg26[%dma_start3A_248, %dma_start3A_249] : memref<256x64xf32, #tpu.memory_space<vmem>> -> memref<128x64xf32, #tpu.memory_space<vmem>>
      %dma_start3A_251 = arith.constant 0 : i32
      %dma_start3A_252 = tpu.memref_slice %arg18[%dma_start3A_247, %dma_start3A_251] : memref<2x128xi32, #tpu.memory_space<vmem>> -> memref<1x128xi32, #tpu.memory_space<vmem>>
      %dma_start3A_253 = tpu.memref_squeeze %dma_start3A_252 : memref<1x128xi32, #tpu.memory_space<vmem>> -> memref<128xi32, #tpu.memory_space<vmem>>
      %dma_start3A_254 = arith.constant 0 : i32
      %dma_start3A_255 = arith.constant 0 : i32
      %dma_start3A_256 = tpu.memref_slice %arg9[%dma_start3A_254, %dma_start3A_255] : memref<1000000x64xf32, #tpu.memory_space<hbm>> -> memref<1000000x64xf32, #tpu.memory_space<hbm>>
      tpu.enqueue_indirect_dma source(%dma_start3A_256 : memref<1000000x64xf32, #tpu.memory_space<hbm>>) target(%dma_start3A_250 : memref<128x64xf32, #tpu.memory_space<vmem>>) offsets(%dma_start3A_253 : memref<128xi32, #tpu.memory_space<vmem>>) semaphore(%arg32 : memref<!tpu.dma_semaphore, #tpu.memory_space<semaphore_mem>>)
      %dma_start3A_257 = arith.constant 1 : i32
      %dma_start3A_258 = arith.constant 128 : i32
      %dma_start3A_259 = arith.constant 0 : i32
      %dma_start3A_260 = tpu.memref_slice %arg23[%dma_start3A_258, %dma_start3A_259] : memref<256x64xf32, #tpu.memory_space<vmem>> -> memref<128x64xf32, #tpu.memory_space<vmem>>
      %dma_start3A_261 = arith.constant 0 : i32
      %dma_start3A_262 = tpu.memref_slice %arg15[%dma_start3A_257, %dma_start3A_261] : memref<2x128xi32, #tpu.memory_space<vmem>> -> memref<1x128xi32, #tpu.memory_space<vmem>>
      %dma_start3A_263 = tpu.memref_squeeze %dma_start3A_262 : memref<1x128xi32, #tpu.memory_space<vmem>> -> memref<128xi32, #tpu.memory_space<vmem>>
      %dma_start3A_264 = arith.constant 0 : i32
      %dma_start3A_265 = arith.constant 0 : i32
      %dma_start3A_266 = tpu.memref_slice %arg6[%dma_start3A_264, %dma_start3A_265] : memref<100000x64xf32, #tpu.memory_space<hbm>> -> memref<100000x64xf32, #tpu.memory_space<hbm>>
      tpu.enqueue_indirect_dma source(%dma_start3A_266 : memref<100000x64xf32, #tpu.memory_space<hbm>>) target(%dma_start3A_260 : memref<128x64xf32, #tpu.memory_space<vmem>>) offsets(%dma_start3A_263 : memref<128xi32, #tpu.memory_space<vmem>>) semaphore(%arg32 : memref<!tpu.dma_semaphore, #tpu.memory_space<semaphore_mem>>)
      %dma_start3A_267 = arith.constant 1 : i32
      %dma_start3A_268 = arith.constant 128 : i32
      %dma_start3A_269 = arith.constant 0 : i32
      %dma_start3A_270 = tpu.memref_slice %arg26[%dma_start3A_268, %dma_start3A_269] : memref<256x64xf32, #tpu.memory_space<vmem>> -> memref<128x64xf32, #tpu.memory_space<vmem>>
      %dma_start3A_271 = arith.constant 0 : i32
      %dma_start3A_272 = tpu.memref_slice %arg18[%dma_start3A_267, %dma_start3A_271] : memref<2x128xi32, #tpu.memory_space<vmem>> -> memref<1x128xi32, #tpu.memory_space<vmem>>
      %dma_start3A_273 = tpu.memref_squeeze %dma_start3A_272 : memref<1x128xi32, #tpu.memory_space<vmem>> -> memref<128xi32, #tpu.memory_space<vmem>>
      %dma_start3A_274 = arith.constant 0 : i32
      %dma_start3A_275 = arith.constant 0 : i32
      %dma_start3A_276 = tpu.memref_slice %arg9[%dma_start3A_274, %dma_start3A_275] : memref<1000000x64xf32, #tpu.memory_space<hbm>> -> memref<1000000x64xf32, #tpu.memory_space<hbm>>
      tpu.enqueue_indirect_dma source(%dma_start3A_276 : memref<1000000x64xf32, #tpu.memory_space<hbm>>) target(%dma_start3A_270 : memref<128x64xf32, #tpu.memory_space<vmem>>) offsets(%dma_start3A_273 : memref<128xi32, #tpu.memory_space<vmem>>) semaphore(%arg32 : memref<!tpu.dma_semaphore, #tpu.memory_space<semaphore_mem>>)
      %add3A_277 = arith.constant 1 : i32
      %add3A_278 = arith.addi %add3A_212, %add3A_277 : i32
      %lt3A_279 = arith.constant 100 : i32
      %lt3A_280 = arith.cmpi slt, %add3A_278, %lt3A_279 : i32
      %convert_element_type3A_281 = arith.extui %lt3A_280 : i1 to i32
      %cond3A_282 = arith.constant 0 : i32
      %cond3A_283 = arith.cmpi ne, %convert_element_type3A_281, %cond3A_282 : i32
      scf.if %cond3A_283 {
        %add3A_355 = arith.constant 1 : i32
        %add3A_356 = arith.addi %add3A_212, %add3A_355 : i32
        %add3A_357 = arith.addi %mul3A_2, %add3A_356 : i32
        %mul3A_358 = arith.constant 2 : i32
        %mul3A_359 = arith.muli %add3A_357, %mul3A_358 : i32
        %dma_start3A_360 = arith.constant 0 : i32
        %dma_start3A_361 = tpu.memref_slice %arg2[%mul3A_359, %dma_start3A_360] : memref<6400x128xi32, #tpu.memory_space<hbm>> -> memref<2x128xi32, #tpu.memory_space<hbm>>
        %dma_start3A_362 = arith.constant 0 : i32
        %dma_start3A_363 = tpu.memref_slice %arg2[%mul3A_359, %dma_start3A_362] : memref<6400x128xi32, #tpu.memory_space<hbm>> -> memref<2x128xi32, #tpu.memory_space<hbm>>
        tpu.enqueue_dma source(%dma_start3A_363 : memref<2x128xi32, #tpu.memory_space<hbm>>) target(%arg11 : memref<2x128xi32, #tpu.memory_space<vmem>>) target_semaphore(%arg29 : memref<!tpu.dma_semaphore, #tpu.memory_space<semaphore_mem>>)
        %dma_start3A_364 = arith.constant 0 : i32
        %dma_start3A_365 = tpu.memref_slice %arg3[%mul3A_359, %dma_start3A_364] : memref<6400x128xi32, #tpu.memory_space<hbm>> -> memref<2x128xi32, #tpu.memory_space<hbm>>
        %dma_start3A_366 = arith.constant 0 : i32
        %dma_start3A_367 = tpu.memref_slice %arg3[%mul3A_359, %dma_start3A_366] : memref<6400x128xi32, #tpu.memory_space<hbm>> -> memref<2x128xi32, #tpu.memory_space<hbm>>
        tpu.enqueue_dma source(%dma_start3A_367 : memref<2x128xi32, #tpu.memory_space<hbm>>) target(%arg12 : memref<2x128xi32, #tpu.memory_space<vmem>>) target_semaphore(%arg29 : memref<!tpu.dma_semaphore, #tpu.memory_space<semaphore_mem>>)
        %dma_start3A_368 = arith.constant 0 : i32
        %dma_start3A_369 = tpu.memref_slice %arg4[%mul3A_359, %dma_start3A_368] : memref<6400x128xi32, #tpu.memory_space<hbm>> -> memref<2x128xi32, #tpu.memory_space<hbm>>
        %dma_start3A_370 = arith.constant 0 : i32
        %dma_start3A_371 = tpu.memref_slice %arg4[%mul3A_359, %dma_start3A_370] : memref<6400x128xi32, #tpu.memory_space<hbm>> -> memref<2x128xi32, #tpu.memory_space<hbm>>
        tpu.enqueue_dma source(%dma_start3A_371 : memref<2x128xi32, #tpu.memory_space<hbm>>) target(%arg13 : memref<2x128xi32, #tpu.memory_space<vmem>>) target_semaphore(%arg29 : memref<!tpu.dma_semaphore, #tpu.memory_space<semaphore_mem>>)
        %dma_start3A_372 = arith.constant 0 : i32
        %dma_start3A_373 = tpu.memref_slice %arg5[%mul3A_359, %dma_start3A_372] : memref<6400x128xi32, #tpu.memory_space<hbm>> -> memref<2x128xi32, #tpu.memory_space<hbm>>
        %dma_start3A_374 = arith.constant 0 : i32
        %dma_start3A_375 = tpu.memref_slice %arg5[%mul3A_359, %dma_start3A_374] : memref<6400x128xi32, #tpu.memory_space<hbm>> -> memref<2x128xi32, #tpu.memory_space<hbm>>
        tpu.enqueue_dma source(%dma_start3A_375 : memref<2x128xi32, #tpu.memory_space<hbm>>) target(%arg14 : memref<2x128xi32, #tpu.memory_space<vmem>>) target_semaphore(%arg29 : memref<!tpu.dma_semaphore, #tpu.memory_space<semaphore_mem>>)
      } else {
      }
      %scan3A_284 = arith.constant 0 : i32
      %scan3A_285 = arith.constant 0 : i32
      %scan3A_286 = arith.constant 8 : i32
      %scan3A_287 = arith.addi %scan3A_285, %scan3A_286 : i32
      %scan3A_288 = arith.constant 1 : i32
      scf.for %scan3A_355 = %scan3A_285 to %scan3A_287 step %scan3A_288  : i32 {
        %mul3A_356 = arith.constant 16 : i32
        %mul3A_357 = arith.muli %scan3A_355, %mul3A_356 : i32
        %get3A = arith.constant 0 : i32
        %get3A_358 = arith.index_cast %get3A : i32 to index
        %get3A_359 = arith.index_cast %mul3A_357 : i32 to index
        %get3A_360 = tpu.vector_load %arg16[%get3A_358, %get3A_359] {strides = array<i32>} : memref<2x128xi32, #tpu.memory_space<vmem>>, vector<16xi32>,
        %get3A_361 = arith.constant 0 : i32
        %get3A_362 = arith.index_cast %get3A_361 : i32 to index
        %get3A_363 = arith.index_cast %mul3A_357 : i32 to index
        %get3A_364 = tpu.vector_load %arg17[%get3A_362, %get3A_363] {strides = array<i32>} : memref<2x128xi32, #tpu.memory_space<vmem>>, vector<16xi32>,
        %add3A_365 = arith.constant 0 : i32
        %add3A_366 = arith.addi %add3A_365, %mul3A_357 : i32
        %add3A_367 = vector.broadcast %add3A_366 : i32 to vector<16xi32>
        %add3A_368 = arith.addi %add3A_367, %iota3A : vector<16xi32>
        %broadcast_in_dim3A = arith.constant 0 : i32
        %broadcast_in_dim3A_369 = vector.broadcast %broadcast_in_dim3A : i32 to vector<16xi32>
        %gather3A = tpu.vector_load_idx %arg27[%get3A_360, %broadcast_in_dim3A_369] : memref<8x16xf32, #tpu.memory_space<vmem>>[vector<16xi32>, vector<16xi32>], vector<16xf32>,
        tpu.vector_store_idx %arg24[%add3A_368, %broadcast_in_dim3A_369], %gather3A : memref<256x16xf32, #tpu.memory_space<vmem>>[vector<16xi32>, vector<16xi32>], vector<16xf32>,
        %broadcast_in_dim3A_370 = arith.constant 1 : i32
        %broadcast_in_dim3A_371 = vector.broadcast %broadcast_in_dim3A_370 : i32 to vector<16xi32>
        %gather3A_372 = tpu.vector_load_idx %arg27[%get3A_360, %broadcast_in_dim3A_371] : memref<8x16xf32, #tpu.memory_space<vmem>>[vector<16xi32>, vector<16xi32>], vector<16xf32>,
        tpu.vector_store_idx %arg24[%add3A_368, %broadcast_in_dim3A_371], %gather3A_372 : memref<256x16xf32, #tpu.memory_space<vmem>>[vector<16xi32>, vector<16xi32>], vector<16xf32>,
        %broadcast_in_dim3A_373 = arith.constant 2 : i32
        %broadcast_in_dim3A_374 = vector.broadcast %broadcast_in_dim3A_373 : i32 to vector<16xi32>
        %gather3A_375 = tpu.vector_load_idx %arg27[%get3A_360, %broadcast_in_dim3A_374] : memref<8x16xf32, #tpu.memory_space<vmem>>[vector<16xi32>, vector<16xi32>], vector<16xf32>,
        tpu.vector_store_idx %arg24[%add3A_368, %broadcast_in_dim3A_374], %gather3A_375 : memref<256x16xf32, #tpu.memory_space<vmem>>[vector<16xi32>, vector<16xi32>], vector<16xf32>,
        %broadcast_in_dim3A_376 = arith.constant 3 : i32
        %broadcast_in_dim3A_377 = vector.broadcast %broadcast_in_dim3A_376 : i32 to vector<16xi32>
        %gather3A_378 = tpu.vector_load_idx %arg27[%get3A_360, %broadcast_in_dim3A_377] : memref<8x16xf32, #tpu.memory_space<vmem>>[vector<16xi32>, vector<16xi32>], vector<16xf32>,
        tpu.vector_store_idx %arg24[%add3A_368, %broadcast_in_dim3A_377], %gather3A_378 : memref<256x16xf32, #tpu.memory_space<vmem>>[vector<16xi32>, vector<16xi32>], vector<16xf32>,
        %broadcast_in_dim3A_379 = arith.constant 4 : i32
        %broadcast_in_dim3A_380 = vector.broadcast %broadcast_in_dim3A_379 : i32 to vector<16xi32>
        %gather3A_381 = tpu.vector_load_idx %arg27[%get3A_360, %broadcast_in_dim3A_380] : memref<8x16xf32, #tpu.memory_space<vmem>>[vector<16xi32>, vector<16xi32>], vector<16xf32>,
        tpu.vector_store_idx %arg24[%add3A_368, %broadcast_in_dim3A_380], %gather3A_381 : memref<256x16xf32, #tpu.memory_space<vmem>>[vector<16xi32>, vector<16xi32>], vector<16xf32>,
        %broadcast_in_dim3A_382 = arith.constant 5 : i32
        %broadcast_in_dim3A_383 = vector.broadcast %broadcast_in_dim3A_382 : i32 to vector<16xi32>
        %gather3A_384 = tpu.vector_load_idx %arg27[%get3A_360, %broadcast_in_dim3A_383] : memref<8x16xf32, #tpu.memory_space<vmem>>[vector<16xi32>, vector<16xi32>], vector<16xf32>,
        tpu.vector_store_idx %arg24[%add3A_368, %broadcast_in_dim3A_383], %gather3A_384 : memref<256x16xf32, #tpu.memory_space<vmem>>[vector<16xi32>, vector<16xi32>], vector<16xf32>,
        %broadcast_in_dim3A_385 = arith.constant 6 : i32
        %broadcast_in_dim3A_386 = vector.broadcast %broadcast_in_dim3A_385 : i32 to vector<16xi32>
        %gather3A_387 = tpu.vector_load_idx %arg27[%get3A_360, %broadcast_in_dim3A_386] : memref<8x16xf32, #tpu.memory_space<vmem>>[vector<16xi32>, vector<16xi32>], vector<16xf32>,
        tpu.vector_store_idx %arg24[%add3A_368, %broadcast_in_dim3A_386], %gather3A_387 : memref<256x16xf32, #tpu.memory_space<vmem>>[vector<16xi32>, vector<16xi32>], vector<16xf32>,
        %broadcast_in_dim3A_388 = arith.constant 7 : i32
        %broadcast_in_dim3A_389 = vector.broadcast %broadcast_in_dim3A_388 : i32 to vector<16xi32>
        %gather3A_390 = tpu.vector_load_idx %arg27[%get3A_360, %broadcast_in_dim3A_389] : memref<8x16xf32, #tpu.memory_space<vmem>>[vector<16xi32>, vector<16xi32>], vector<16xf32>,
        tpu.vector_store_idx %arg24[%add3A_368, %broadcast_in_dim3A_389], %gather3A_390 : memref<256x16xf32, #tpu.memory_space<vmem>>[vector<16xi32>, vector<16xi32>], vector<16xf32>,
        %broadcast_in_dim3A_391 = arith.constant 8 : i32
        %broadcast_in_dim3A_392 = vector.broadcast %broadcast_in_dim3A_391 : i32 to vector<16xi32>
        %gather3A_393 = tpu.vector_load_idx %arg27[%get3A_360, %broadcast_in_dim3A_392] : memref<8x16xf32, #tpu.memory_space<vmem>>[vector<16xi32>, vector<16xi32>], vector<16xf32>,
        tpu.vector_store_idx %arg24[%add3A_368, %broadcast_in_dim3A_392], %gather3A_393 : memref<256x16xf32, #tpu.memory_space<vmem>>[vector<16xi32>, vector<16xi32>], vector<16xf32>,
        %broadcast_in_dim3A_394 = arith.constant 9 : i32
        %broadcast_in_dim3A_395 = vector.broadcast %broadcast_in_dim3A_394 : i32 to vector<16xi32>
        %gather3A_396 = tpu.vector_load_idx %arg27[%get3A_360, %broadcast_in_dim3A_395] : memref<8x16xf32, #tpu.memory_space<vmem>>[vector<16xi32>, vector<16xi32>], vector<16xf32>,
        tpu.vector_store_idx %arg24[%add3A_368, %broadcast_in_dim3A_395], %gather3A_396 : memref<256x16xf32, #tpu.memory_space<vmem>>[vector<16xi32>, vector<16xi32>], vector<16xf32>,
        %broadcast_in_dim3A_397 = arith.constant 10 : i32
        %broadcast_in_dim3A_398 = vector.broadcast %broadcast_in_dim3A_397 : i32 to vector<16xi32>
        %gather3A_399 = tpu.vector_load_idx %arg27[%get3A_360, %broadcast_in_dim3A_398] : memref<8x16xf32, #tpu.memory_space<vmem>>[vector<16xi32>, vector<16xi32>], vector<16xf32>,
        tpu.vector_store_idx %arg24[%add3A_368, %broadcast_in_dim3A_398], %gather3A_399 : memref<256x16xf32, #tpu.memory_space<vmem>>[vector<16xi32>, vector<16xi32>], vector<16xf32>,
        %broadcast_in_dim3A_400 = arith.constant 11 : i32
        %broadcast_in_dim3A_401 = vector.broadcast %broadcast_in_dim3A_400 : i32 to vector<16xi32>
        %gather3A_402 = tpu.vector_load_idx %arg27[%get3A_360, %broadcast_in_dim3A_401] : memref<8x16xf32, #tpu.memory_space<vmem>>[vector<16xi32>, vector<16xi32>], vector<16xf32>,
        tpu.vector_store_idx %arg24[%add3A_368, %broadcast_in_dim3A_401], %gather3A_402 : memref<256x16xf32, #tpu.memory_space<vmem>>[vector<16xi32>, vector<16xi32>], vector<16xf32>,
        %broadcast_in_dim3A_403 = arith.constant 12 : i32
        %broadcast_in_dim3A_404 = vector.broadcast %broadcast_in_dim3A_403 : i32 to vector<16xi32>
        %gather3A_405 = tpu.vector_load_idx %arg27[%get3A_360, %broadcast_in_dim3A_404] : memref<8x16xf32, #tpu.memory_space<vmem>>[vector<16xi32>, vector<16xi32>], vector<16xf32>,
        tpu.vector_store_idx %arg24[%add3A_368, %broadcast_in_dim3A_404], %gather3A_405 : memref<256x16xf32, #tpu.memory_space<vmem>>[vector<16xi32>, vector<16xi32>], vector<16xf32>,
        %broadcast_in_dim3A_406 = arith.constant 13 : i32
        %broadcast_in_dim3A_407 = vector.broadcast %broadcast_in_dim3A_406 : i32 to vector<16xi32>
        %gather3A_408 = tpu.vector_load_idx %arg27[%get3A_360, %broadcast_in_dim3A_407] : memref<8x16xf32, #tpu.memory_space<vmem>>[vector<16xi32>, vector<16xi32>], vector<16xf32>,
        tpu.vector_store_idx %arg24[%add3A_368, %broadcast_in_dim3A_407], %gather3A_408 : memref<256x16xf32, #tpu.memory_space<vmem>>[vector<16xi32>, vector<16xi32>], vector<16xf32>,
        %broadcast_in_dim3A_409 = arith.constant 14 : i32
        %broadcast_in_dim3A_410 = vector.broadcast %broadcast_in_dim3A_409 : i32 to vector<16xi32>
        %gather3A_411 = tpu.vector_load_idx %arg27[%get3A_360, %broadcast_in_dim3A_410] : memref<8x16xf32, #tpu.memory_space<vmem>>[vector<16xi32>, vector<16xi32>], vector<16xf32>,
        tpu.vector_store_idx %arg24[%add3A_368, %broadcast_in_dim3A_410], %gather3A_411 : memref<256x16xf32, #tpu.memory_space<vmem>>[vector<16xi32>, vector<16xi32>], vector<16xf32>,
        %broadcast_in_dim3A_412 = arith.constant 15 : i32
        %broadcast_in_dim3A_413 = vector.broadcast %broadcast_in_dim3A_412 : i32 to vector<16xi32>
        %gather3A_414 = tpu.vector_load_idx %arg27[%get3A_360, %broadcast_in_dim3A_413] : memref<8x16xf32, #tpu.memory_space<vmem>>[vector<16xi32>, vector<16xi32>], vector<16xf32>,
        tpu.vector_store_idx %arg24[%add3A_368, %broadcast_in_dim3A_413], %gather3A_414 : memref<256x16xf32, #tpu.memory_space<vmem>>[vector<16xi32>, vector<16xi32>], vector<16xf32>,
        %broadcast_in_dim3A_415 = arith.constant 0 : i32
        %broadcast_in_dim3A_416 = vector.broadcast %broadcast_in_dim3A_415 : i32 to vector<16xi32>
        %gather3A_417 = tpu.vector_load_idx %arg28[%get3A_364, %broadcast_in_dim3A_416] : memref<512x32xf32, #tpu.memory_space<vmem>>[vector<16xi32>, vector<16xi32>], vector<16xf32>,
        tpu.vector_store_idx %arg25[%add3A_368, %broadcast_in_dim3A_416], %gather3A_417 : memref<256x32xf32, #tpu.memory_space<vmem>>[vector<16xi32>, vector<16xi32>], vector<16xf32>,
        %broadcast_in_dim3A_418 = arith.constant 1 : i32
        %broadcast_in_dim3A_419 = vector.broadcast %broadcast_in_dim3A_418 : i32 to vector<16xi32>
        %gather3A_420 = tpu.vector_load_idx %arg28[%get3A_364, %broadcast_in_dim3A_419] : memref<512x32xf32, #tpu.memory_space<vmem>>[vector<16xi32>, vector<16xi32>], vector<16xf32>,
        tpu.vector_store_idx %arg25[%add3A_368, %broadcast_in_dim3A_419], %gather3A_420 : memref<256x32xf32, #tpu.memory_space<vmem>>[vector<16xi32>, vector<16xi32>], vector<16xf32>,
        %broadcast_in_dim3A_421 = arith.constant 2 : i32
        %broadcast_in_dim3A_422 = vector.broadcast %broadcast_in_dim3A_421 : i32 to vector<16xi32>
        %gather3A_423 = tpu.vector_load_idx %arg28[%get3A_364, %broadcast_in_dim3A_422] : memref<512x32xf32, #tpu.memory_space<vmem>>[vector<16xi32>, vector<16xi32>], vector<16xf32>,
        tpu.vector_store_idx %arg25[%add3A_368, %broadcast_in_dim3A_422], %gather3A_423 : memref<256x32xf32, #tpu.memory_space<vmem>>[vector<16xi32>, vector<16xi32>], vector<16xf32>,
        %broadcast_in_dim3A_424 = arith.constant 3 : i32
        %broadcast_in_dim3A_425 = vector.broadcast %broadcast_in_dim3A_424 : i32 to vector<16xi32>
        %gather3A_426 = tpu.vector_load_idx %arg28[%get3A_364, %broadcast_in_dim3A_425] : memref<512x32xf32, #tpu.memory_space<vmem>>[vector<16xi32>, vector<16xi32>], vector<16xf32>,
        tpu.vector_store_idx %arg25[%add3A_368, %broadcast_in_dim3A_425], %gather3A_426 : memref<256x32xf32, #tpu.memory_space<vmem>>[vector<16xi32>, vector<16xi32>], vector<16xf32>,
        %broadcast_in_dim3A_427 = arith.constant 4 : i32
        %broadcast_in_dim3A_428 = vector.broadcast %broadcast_in_dim3A_427 : i32 to vector<16xi32>
        %gather3A_429 = tpu.vector_load_idx %arg28[%get3A_364, %broadcast_in_dim3A_428] : memref<512x32xf32, #tpu.memory_space<vmem>>[vector<16xi32>, vector<16xi32>], vector<16xf32>,
        tpu.vector_store_idx %arg25[%add3A_368, %broadcast_in_dim3A_428], %gather3A_429 : memref<256x32xf32, #tpu.memory_space<vmem>>[vector<16xi32>, vector<16xi32>], vector<16xf32>,
        %broadcast_in_dim3A_430 = arith.constant 5 : i32
        %broadcast_in_dim3A_431 = vector.broadcast %broadcast_in_dim3A_430 : i32 to vector<16xi32>
        %gather3A_432 = tpu.vector_load_idx %arg28[%get3A_364, %broadcast_in_dim3A_431] : memref<512x32xf32, #tpu.memory_space<vmem>>[vector<16xi32>, vector<16xi32>], vector<16xf32>,
        tpu.vector_store_idx %arg25[%add3A_368, %broadcast_in_dim3A_431], %gather3A_432 : memref<256x32xf32, #tpu.memory_space<vmem>>[vector<16xi32>, vector<16xi32>], vector<16xf32>,
        %broadcast_in_dim3A_433 = arith.constant 6 : i32
        %broadcast_in_dim3A_434 = vector.broadcast %broadcast_in_dim3A_433 : i32 to vector<16xi32>
        %gather3A_435 = tpu.vector_load_idx %arg28[%get3A_364, %broadcast_in_dim3A_434] : memref<512x32xf32, #tpu.memory_space<vmem>>[vector<16xi32>, vector<16xi32>], vector<16xf32>,
        tpu.vector_store_idx %arg25[%add3A_368, %broadcast_in_dim3A_434], %gather3A_435 : memref<256x32xf32, #tpu.memory_space<vmem>>[vector<16xi32>, vector<16xi32>], vector<16xf32>,
        %broadcast_in_dim3A_436 = arith.constant 7 : i32
        %broadcast_in_dim3A_437 = vector.broadcast %broadcast_in_dim3A_436 : i32 to vector<16xi32>
        %gather3A_438 = tpu.vector_load_idx %arg28[%get3A_364, %broadcast_in_dim3A_437] : memref<512x32xf32, #tpu.memory_space<vmem>>[vector<16xi32>, vector<16xi32>], vector<16xf32>,
        tpu.vector_store_idx %arg25[%add3A_368, %broadcast_in_dim3A_437], %gather3A_438 : memref<256x32xf32, #tpu.memory_space<vmem>>[vector<16xi32>, vector<16xi32>], vector<16xf32>,
        %broadcast_in_dim3A_439 = arith.constant 8 : i32
        %broadcast_in_dim3A_440 = vector.broadcast %broadcast_in_dim3A_439 : i32 to vector<16xi32>
        %gather3A_441 = tpu.vector_load_idx %arg28[%get3A_364, %broadcast_in_dim3A_440] : memref<512x32xf32, #tpu.memory_space<vmem>>[vector<16xi32>, vector<16xi32>], vector<16xf32>,
        tpu.vector_store_idx %arg25[%add3A_368, %broadcast_in_dim3A_440], %gather3A_441 : memref<256x32xf32, #tpu.memory_space<vmem>>[vector<16xi32>, vector<16xi32>], vector<16xf32>,
        %broadcast_in_dim3A_442 = arith.constant 9 : i32
        %broadcast_in_dim3A_443 = vector.broadcast %broadcast_in_dim3A_442 : i32 to vector<16xi32>
        %gather3A_444 = tpu.vector_load_idx %arg28[%get3A_364, %broadcast_in_dim3A_443] : memref<512x32xf32, #tpu.memory_space<vmem>>[vector<16xi32>, vector<16xi32>], vector<16xf32>,
        tpu.vector_store_idx %arg25[%add3A_368, %broadcast_in_dim3A_443], %gather3A_444 : memref<256x32xf32, #tpu.memory_space<vmem>>[vector<16xi32>, vector<16xi32>], vector<16xf32>,
        %broadcast_in_dim3A_445 = arith.constant 10 : i32
        %broadcast_in_dim3A_446 = vector.broadcast %broadcast_in_dim3A_445 : i32 to vector<16xi32>
        %gather3A_447 = tpu.vector_load_idx %arg28[%get3A_364, %broadcast_in_dim3A_446] : memref<512x32xf32, #tpu.memory_space<vmem>>[vector<16xi32>, vector<16xi32>], vector<16xf32>,
        tpu.vector_store_idx %arg25[%add3A_368, %broadcast_in_dim3A_446], %gather3A_447 : memref<256x32xf32, #tpu.memory_space<vmem>>[vector<16xi32>, vector<16xi32>], vector<16xf32>,
        %broadcast_in_dim3A_448 = arith.constant 11 : i32
        %broadcast_in_dim3A_449 = vector.broadcast %broadcast_in_dim3A_448 : i32 to vector<16xi32>
        %gather3A_450 = tpu.vector_load_idx %arg28[%get3A_364, %broadcast_in_dim3A_449] : memref<512x32xf32, #tpu.memory_space<vmem>>[vector<16xi32>, vector<16xi32>], vector<16xf32>,
        tpu.vector_store_idx %arg25[%add3A_368, %broadcast_in_dim3A_449], %gather3A_450 : memref<256x32xf32, #tpu.memory_space<vmem>>[vector<16xi32>, vector<16xi32>], vector<16xf32>,
        %broadcast_in_dim3A_451 = arith.constant 12 : i32
        %broadcast_in_dim3A_452 = vector.broadcast %broadcast_in_dim3A_451 : i32 to vector<16xi32>
        %gather3A_453 = tpu.vector_load_idx %arg28[%get3A_364, %broadcast_in_dim3A_452] : memref<512x32xf32, #tpu.memory_space<vmem>>[vector<16xi32>, vector<16xi32>], vector<16xf32>,
        tpu.vector_store_idx %arg25[%add3A_368, %broadcast_in_dim3A_452], %gather3A_453 : memref<256x32xf32, #tpu.memory_space<vmem>>[vector<16xi32>, vector<16xi32>], vector<16xf32>,
        %broadcast_in_dim3A_454 = arith.constant 13 : i32
        %broadcast_in_dim3A_455 = vector.broadcast %broadcast_in_dim3A_454 : i32 to vector<16xi32>
        %gather3A_456 = tpu.vector_load_idx %arg28[%get3A_364, %broadcast_in_dim3A_455] : memref<512x32xf32, #tpu.memory_space<vmem>>[vector<16xi32>, vector<16xi32>], vector<16xf32>,
        tpu.vector_store_idx %arg25[%add3A_368, %broadcast_in_dim3A_455], %gather3A_456 : memref<256x32xf32, #tpu.memory_space<vmem>>[vector<16xi32>, vector<16xi32>], vector<16xf32>,
        %broadcast_in_dim3A_457 = arith.constant 14 : i32
        %broadcast_in_dim3A_458 = vector.broadcast %broadcast_in_dim3A_457 : i32 to vector<16xi32>
        %gather3A_459 = tpu.vector_load_idx %arg28[%get3A_364, %broadcast_in_dim3A_458] : memref<512x32xf32, #tpu.memory_space<vmem>>[vector<16xi32>, vector<16xi32>], vector<16xf32>,
        tpu.vector_store_idx %arg25[%add3A_368, %broadcast_in_dim3A_458], %gather3A_459 : memref<256x32xf32, #tpu.memory_space<vmem>>[vector<16xi32>, vector<16xi32>], vector<16xf32>,
        %broadcast_in_dim3A_460 = arith.constant 15 : i32
        %broadcast_in_dim3A_461 = vector.broadcast %broadcast_in_dim3A_460 : i32 to vector<16xi32>
        %gather3A_462 = tpu.vector_load_idx %arg28[%get3A_364, %broadcast_in_dim3A_461] : memref<512x32xf32, #tpu.memory_space<vmem>>[vector<16xi32>, vector<16xi32>], vector<16xf32>,
        tpu.vector_store_idx %arg25[%add3A_368, %broadcast_in_dim3A_461], %gather3A_462 : memref<256x32xf32, #tpu.memory_space<vmem>>[vector<16xi32>, vector<16xi32>], vector<16xf32>,
        %broadcast_in_dim3A_463 = arith.constant 16 : i32
        %broadcast_in_dim3A_464 = vector.broadcast %broadcast_in_dim3A_463 : i32 to vector<16xi32>
        %gather3A_465 = tpu.vector_load_idx %arg28[%get3A_364, %broadcast_in_dim3A_464] : memref<512x32xf32, #tpu.memory_space<vmem>>[vector<16xi32>, vector<16xi32>], vector<16xf32>,
        tpu.vector_store_idx %arg25[%add3A_368, %broadcast_in_dim3A_464], %gather3A_465 : memref<256x32xf32, #tpu.memory_space<vmem>>[vector<16xi32>, vector<16xi32>], vector<16xf32>,
        %broadcast_in_dim3A_466 = arith.constant 17 : i32
        %broadcast_in_dim3A_467 = vector.broadcast %broadcast_in_dim3A_466 : i32 to vector<16xi32>
        %gather3A_468 = tpu.vector_load_idx %arg28[%get3A_364, %broadcast_in_dim3A_467] : memref<512x32xf32, #tpu.memory_space<vmem>>[vector<16xi32>, vector<16xi32>], vector<16xf32>,
        tpu.vector_store_idx %arg25[%add3A_368, %broadcast_in_dim3A_467], %gather3A_468 : memref<256x32xf32, #tpu.memory_space<vmem>>[vector<16xi32>, vector<16xi32>], vector<16xf32>,
        %broadcast_in_dim3A_469 = arith.constant 18 : i32
        %broadcast_in_dim3A_470 = vector.broadcast %broadcast_in_dim3A_469 : i32 to vector<16xi32>
        %gather3A_471 = tpu.vector_load_idx %arg28[%get3A_364, %broadcast_in_dim3A_470] : memref<512x32xf32, #tpu.memory_space<vmem>>[vector<16xi32>, vector<16xi32>], vector<16xf32>,
        tpu.vector_store_idx %arg25[%add3A_368, %broadcast_in_dim3A_470], %gather3A_471 : memref<256x32xf32, #tpu.memory_space<vmem>>[vector<16xi32>, vector<16xi32>], vector<16xf32>,
        %broadcast_in_dim3A_472 = arith.constant 19 : i32
        %broadcast_in_dim3A_473 = vector.broadcast %broadcast_in_dim3A_472 : i32 to vector<16xi32>
        %gather3A_474 = tpu.vector_load_idx %arg28[%get3A_364, %broadcast_in_dim3A_473] : memref<512x32xf32, #tpu.memory_space<vmem>>[vector<16xi32>, vector<16xi32>], vector<16xf32>,
        tpu.vector_store_idx %arg25[%add3A_368, %broadcast_in_dim3A_473], %gather3A_474 : memref<256x32xf32, #tpu.memory_space<vmem>>[vector<16xi32>, vector<16xi32>], vector<16xf32>,
        %broadcast_in_dim3A_475 = arith.constant 20 : i32
        %broadcast_in_dim3A_476 = vector.broadcast %broadcast_in_dim3A_475 : i32 to vector<16xi32>
        %gather3A_477 = tpu.vector_load_idx %arg28[%get3A_364, %broadcast_in_dim3A_476] : memref<512x32xf32, #tpu.memory_space<vmem>>[vector<16xi32>, vector<16xi32>], vector<16xf32>,
        tpu.vector_store_idx %arg25[%add3A_368, %broadcast_in_dim3A_476], %gather3A_477 : memref<256x32xf32, #tpu.memory_space<vmem>>[vector<16xi32>, vector<16xi32>], vector<16xf32>,
        %broadcast_in_dim3A_478 = arith.constant 21 : i32
        %broadcast_in_dim3A_479 = vector.broadcast %broadcast_in_dim3A_478 : i32 to vector<16xi32>
        %gather3A_480 = tpu.vector_load_idx %arg28[%get3A_364, %broadcast_in_dim3A_479] : memref<512x32xf32, #tpu.memory_space<vmem>>[vector<16xi32>, vector<16xi32>], vector<16xf32>,
        tpu.vector_store_idx %arg25[%add3A_368, %broadcast_in_dim3A_479], %gather3A_480 : memref<256x32xf32, #tpu.memory_space<vmem>>[vector<16xi32>, vector<16xi32>], vector<16xf32>,
        %broadcast_in_dim3A_481 = arith.constant 22 : i32
        %broadcast_in_dim3A_482 = vector.broadcast %broadcast_in_dim3A_481 : i32 to vector<16xi32>
        %gather3A_483 = tpu.vector_load_idx %arg28[%get3A_364, %broadcast_in_dim3A_482] : memref<512x32xf32, #tpu.memory_space<vmem>>[vector<16xi32>, vector<16xi32>], vector<16xf32>,
        tpu.vector_store_idx %arg25[%add3A_368, %broadcast_in_dim3A_482], %gather3A_483 : memref<256x32xf32, #tpu.memory_space<vmem>>[vector<16xi32>, vector<16xi32>], vector<16xf32>,
        %broadcast_in_dim3A_484 = arith.constant 23 : i32
        %broadcast_in_dim3A_485 = vector.broadcast %broadcast_in_dim3A_484 : i32 to vector<16xi32>
        %gather3A_486 = tpu.vector_load_idx %arg28[%get3A_364, %broadcast_in_dim3A_485] : memref<512x32xf32, #tpu.memory_space<vmem>>[vector<16xi32>, vector<16xi32>], vector<16xf32>,
        tpu.vector_store_idx %arg25[%add3A_368, %broadcast_in_dim3A_485], %gather3A_486 : memref<256x32xf32, #tpu.memory_space<vmem>>[vector<16xi32>, vector<16xi32>], vector<16xf32>,
        %broadcast_in_dim3A_487 = arith.constant 24 : i32
        %broadcast_in_dim3A_488 = vector.broadcast %broadcast_in_dim3A_487 : i32 to vector<16xi32>
        %gather3A_489 = tpu.vector_load_idx %arg28[%get3A_364, %broadcast_in_dim3A_488] : memref<512x32xf32, #tpu.memory_space<vmem>>[vector<16xi32>, vector<16xi32>], vector<16xf32>,
        tpu.vector_store_idx %arg25[%add3A_368, %broadcast_in_dim3A_488], %gather3A_489 : memref<256x32xf32, #tpu.memory_space<vmem>>[vector<16xi32>, vector<16xi32>], vector<16xf32>,
        %broadcast_in_dim3A_490 = arith.constant 25 : i32
        %broadcast_in_dim3A_491 = vector.broadcast %broadcast_in_dim3A_490 : i32 to vector<16xi32>
        %gather3A_492 = tpu.vector_load_idx %arg28[%get3A_364, %broadcast_in_dim3A_491] : memref<512x32xf32, #tpu.memory_space<vmem>>[vector<16xi32>, vector<16xi32>], vector<16xf32>,
        tpu.vector_store_idx %arg25[%add3A_368, %broadcast_in_dim3A_491], %gather3A_492 : memref<256x32xf32, #tpu.memory_space<vmem>>[vector<16xi32>, vector<16xi32>], vector<16xf32>,
        %broadcast_in_dim3A_493 = arith.constant 26 : i32
        %broadcast_in_dim3A_494 = vector.broadcast %broadcast_in_dim3A_493 : i32 to vector<16xi32>
        %gather3A_495 = tpu.vector_load_idx %arg28[%get3A_364, %broadcast_in_dim3A_494] : memref<512x32xf32, #tpu.memory_space<vmem>>[vector<16xi32>, vector<16xi32>], vector<16xf32>,
        tpu.vector_store_idx %arg25[%add3A_368, %broadcast_in_dim3A_494], %gather3A_495 : memref<256x32xf32, #tpu.memory_space<vmem>>[vector<16xi32>, vector<16xi32>], vector<16xf32>,
        %broadcast_in_dim3A_496 = arith.constant 27 : i32
        %broadcast_in_dim3A_497 = vector.broadcast %broadcast_in_dim3A_496 : i32 to vector<16xi32>
        %gather3A_498 = tpu.vector_load_idx %arg28[%get3A_364, %broadcast_in_dim3A_497] : memref<512x32xf32, #tpu.memory_space<vmem>>[vector<16xi32>, vector<16xi32>], vector<16xf32>,
        tpu.vector_store_idx %arg25[%add3A_368, %broadcast_in_dim3A_497], %gather3A_498 : memref<256x32xf32, #tpu.memory_space<vmem>>[vector<16xi32>, vector<16xi32>], vector<16xf32>,
        %broadcast_in_dim3A_499 = arith.constant 28 : i32
        %broadcast_in_dim3A_500 = vector.broadcast %broadcast_in_dim3A_499 : i32 to vector<16xi32>
        %gather3A_501 = tpu.vector_load_idx %arg28[%get3A_364, %broadcast_in_dim3A_500] : memref<512x32xf32, #tpu.memory_space<vmem>>[vector<16xi32>, vector<16xi32>], vector<16xf32>,
        tpu.vector_store_idx %arg25[%add3A_368, %broadcast_in_dim3A_500], %gather3A_501 : memref<256x32xf32, #tpu.memory_space<vmem>>[vector<16xi32>, vector<16xi32>], vector<16xf32>,
        %broadcast_in_dim3A_502 = arith.constant 29 : i32
        %broadcast_in_dim3A_503 = vector.broadcast %broadcast_in_dim3A_502 : i32 to vector<16xi32>
        %gather3A_504 = tpu.vector_load_idx %arg28[%get3A_364, %broadcast_in_dim3A_503] : memref<512x32xf32, #tpu.memory_space<vmem>>[vector<16xi32>, vector<16xi32>], vector<16xf32>,
        tpu.vector_store_idx %arg25[%add3A_368, %broadcast_in_dim3A_503], %gather3A_504 : memref<256x32xf32, #tpu.memory_space<vmem>>[vector<16xi32>, vector<16xi32>], vector<16xf32>,
        %broadcast_in_dim3A_505 = arith.constant 30 : i32
        %broadcast_in_dim3A_506 = vector.broadcast %broadcast_in_dim3A_505 : i32 to vector<16xi32>
        %gather3A_507 = tpu.vector_load_idx %arg28[%get3A_364, %broadcast_in_dim3A_506] : memref<512x32xf32, #tpu.memory_space<vmem>>[vector<16xi32>, vector<16xi32>], vector<16xf32>,
        tpu.vector_store_idx %arg25[%add3A_368, %broadcast_in_dim3A_506], %gather3A_507 : memref<256x32xf32, #tpu.memory_space<vmem>>[vector<16xi32>, vector<16xi32>], vector<16xf32>,
        %broadcast_in_dim3A_508 = arith.constant 31 : i32
        %broadcast_in_dim3A_509 = vector.broadcast %broadcast_in_dim3A_508 : i32 to vector<16xi32>
        %gather3A_510 = tpu.vector_load_idx %arg28[%get3A_364, %broadcast_in_dim3A_509] : memref<512x32xf32, #tpu.memory_space<vmem>>[vector<16xi32>, vector<16xi32>], vector<16xf32>,
        tpu.vector_store_idx %arg25[%add3A_368, %broadcast_in_dim3A_509], %gather3A_510 : memref<256x32xf32, #tpu.memory_space<vmem>>[vector<16xi32>, vector<16xi32>], vector<16xf32>,
      }
      %scan3A_289 = arith.constant 8 : i32
      %scan3A_290 = arith.constant 0 : i32
      %scan3A_291 = arith.constant 0 : i32
      %scan3A_292 = arith.constant 8 : i32
      %scan3A_293 = arith.addi %scan3A_291, %scan3A_292 : i32
      %scan3A_294 = arith.constant 1 : i32
      scf.for %scan3A_355 = %scan3A_291 to %scan3A_293 step %scan3A_294  : i32 {
        %mul3A_356 = arith.constant 16 : i32
        %mul3A_357 = arith.muli %scan3A_355, %mul3A_356 : i32
        %get3A = arith.constant 1 : i32
        %get3A_358 = arith.index_cast %get3A : i32 to index
        %get3A_359 = arith.index_cast %mul3A_357 : i32 to index
        %get3A_360 = tpu.vector_load %arg16[%get3A_358, %get3A_359] {strides = array<i32>} : memref<2x128xi32, #tpu.memory_space<vmem>>, vector<16xi32>,
        %get3A_361 = arith.constant 1 : i32
        %get3A_362 = arith.index_cast %get3A_361 : i32 to index
        %get3A_363 = arith.index_cast %mul3A_357 : i32 to index
        %get3A_364 = tpu.vector_load %arg17[%get3A_362, %get3A_363] {strides = array<i32>} : memref<2x128xi32, #tpu.memory_space<vmem>>, vector<16xi32>,
        %add3A_365 = arith.constant 128 : i32
        %add3A_366 = arith.addi %add3A_365, %mul3A_357 : i32
        %add3A_367 = vector.broadcast %add3A_366 : i32 to vector<16xi32>
        %add3A_368 = arith.addi %add3A_367, %iota3A : vector<16xi32>
        %broadcast_in_dim3A = arith.constant 0 : i32
        %broadcast_in_dim3A_369 = vector.broadcast %broadcast_in_dim3A : i32 to vector<16xi32>
        %gather3A = tpu.vector_load_idx %arg27[%get3A_360, %broadcast_in_dim3A_369] : memref<8x16xf32, #tpu.memory_space<vmem>>[vector<16xi32>, vector<16xi32>], vector<16xf32>,
        tpu.vector_store_idx %arg24[%add3A_368, %broadcast_in_dim3A_369], %gather3A : memref<256x16xf32, #tpu.memory_space<vmem>>[vector<16xi32>, vector<16xi32>], vector<16xf32>,
        %broadcast_in_dim3A_370 = arith.constant 1 : i32
        %broadcast_in_dim3A_371 = vector.broadcast %broadcast_in_dim3A_370 : i32 to vector<16xi32>
        %gather3A_372 = tpu.vector_load_idx %arg27[%get3A_360, %broadcast_in_dim3A_371] : memref<8x16xf32, #tpu.memory_space<vmem>>[vector<16xi32>, vector<16xi32>], vector<16xf32>,
        tpu.vector_store_idx %arg24[%add3A_368, %broadcast_in_dim3A_371], %gather3A_372 : memref<256x16xf32, #tpu.memory_space<vmem>>[vector<16xi32>, vector<16xi32>], vector<16xf32>,
        %broadcast_in_dim3A_373 = arith.constant 2 : i32
        %broadcast_in_dim3A_374 = vector.broadcast %broadcast_in_dim3A_373 : i32 to vector<16xi32>
        %gather3A_375 = tpu.vector_load_idx %arg27[%get3A_360, %broadcast_in_dim3A_374] : memref<8x16xf32, #tpu.memory_space<vmem>>[vector<16xi32>, vector<16xi32>], vector<16xf32>,
        tpu.vector_store_idx %arg24[%add3A_368, %broadcast_in_dim3A_374], %gather3A_375 : memref<256x16xf32, #tpu.memory_space<vmem>>[vector<16xi32>, vector<16xi32>], vector<16xf32>,
        %broadcast_in_dim3A_376 = arith.constant 3 : i32
        %broadcast_in_dim3A_377 = vector.broadcast %broadcast_in_dim3A_376 : i32 to vector<16xi32>
        %gather3A_378 = tpu.vector_load_idx %arg27[%get3A_360, %broadcast_in_dim3A_377] : memref<8x16xf32, #tpu.memory_space<vmem>>[vector<16xi32>, vector<16xi32>], vector<16xf32>,
        tpu.vector_store_idx %arg24[%add3A_368, %broadcast_in_dim3A_377], %gather3A_378 : memref<256x16xf32, #tpu.memory_space<vmem>>[vector<16xi32>, vector<16xi32>], vector<16xf32>,
        %broadcast_in_dim3A_379 = arith.constant 4 : i32
        %broadcast_in_dim3A_380 = vector.broadcast %broadcast_in_dim3A_379 : i32 to vector<16xi32>
        %gather3A_381 = tpu.vector_load_idx %arg27[%get3A_360, %broadcast_in_dim3A_380] : memref<8x16xf32, #tpu.memory_space<vmem>>[vector<16xi32>, vector<16xi32>], vector<16xf32>,
        tpu.vector_store_idx %arg24[%add3A_368, %broadcast_in_dim3A_380], %gather3A_381 : memref<256x16xf32, #tpu.memory_space<vmem>>[vector<16xi32>, vector<16xi32>], vector<16xf32>,
        %broadcast_in_dim3A_382 = arith.constant 5 : i32
        %broadcast_in_dim3A_383 = vector.broadcast %broadcast_in_dim3A_382 : i32 to vector<16xi32>
        %gather3A_384 = tpu.vector_load_idx %arg27[%get3A_360, %broadcast_in_dim3A_383] : memref<8x16xf32, #tpu.memory_space<vmem>>[vector<16xi32>, vector<16xi32>], vector<16xf32>,
        tpu.vector_store_idx %arg24[%add3A_368, %broadcast_in_dim3A_383], %gather3A_384 : memref<256x16xf32, #tpu.memory_space<vmem>>[vector<16xi32>, vector<16xi32>], vector<16xf32>,
        %broadcast_in_dim3A_385 = arith.constant 6 : i32
        %broadcast_in_dim3A_386 = vector.broadcast %broadcast_in_dim3A_385 : i32 to vector<16xi32>
        %gather3A_387 = tpu.vector_load_idx %arg27[%get3A_360, %broadcast_in_dim3A_386] : memref<8x16xf32, #tpu.memory_space<vmem>>[vector<16xi32>, vector<16xi32>], vector<16xf32>,
        tpu.vector_store_idx %arg24[%add3A_368, %broadcast_in_dim3A_386], %gather3A_387 : memref<256x16xf32, #tpu.memory_space<vmem>>[vector<16xi32>, vector<16xi32>], vector<16xf32>,
        %broadcast_in_dim3A_388 = arith.constant 7 : i32
        %broadcast_in_dim3A_389 = vector.broadcast %broadcast_in_dim3A_388 : i32 to vector<16xi32>
        %gather3A_390 = tpu.vector_load_idx %arg27[%get3A_360, %broadcast_in_dim3A_389] : memref<8x16xf32, #tpu.memory_space<vmem>>[vector<16xi32>, vector<16xi32>], vector<16xf32>,
        tpu.vector_store_idx %arg24[%add3A_368, %broadcast_in_dim3A_389], %gather3A_390 : memref<256x16xf32, #tpu.memory_space<vmem>>[vector<16xi32>, vector<16xi32>], vector<16xf32>,
        %broadcast_in_dim3A_391 = arith.constant 8 : i32
        %broadcast_in_dim3A_392 = vector.broadcast %broadcast_in_dim3A_391 : i32 to vector<16xi32>
        %gather3A_393 = tpu.vector_load_idx %arg27[%get3A_360, %broadcast_in_dim3A_392] : memref<8x16xf32, #tpu.memory_space<vmem>>[vector<16xi32>, vector<16xi32>], vector<16xf32>,
        tpu.vector_store_idx %arg24[%add3A_368, %broadcast_in_dim3A_392], %gather3A_393 : memref<256x16xf32, #tpu.memory_space<vmem>>[vector<16xi32>, vector<16xi32>], vector<16xf32>,
        %broadcast_in_dim3A_394 = arith.constant 9 : i32
        %broadcast_in_dim3A_395 = vector.broadcast %broadcast_in_dim3A_394 : i32 to vector<16xi32>
        %gather3A_396 = tpu.vector_load_idx %arg27[%get3A_360, %broadcast_in_dim3A_395] : memref<8x16xf32, #tpu.memory_space<vmem>>[vector<16xi32>, vector<16xi32>], vector<16xf32>,
        tpu.vector_store_idx %arg24[%add3A_368, %broadcast_in_dim3A_395], %gather3A_396 : memref<256x16xf32, #tpu.memory_space<vmem>>[vector<16xi32>, vector<16xi32>], vector<16xf32>,
        %broadcast_in_dim3A_397 = arith.constant 10 : i32
        %broadcast_in_dim3A_398 = vector.broadcast %broadcast_in_dim3A_397 : i32 to vector<16xi32>
        %gather3A_399 = tpu.vector_load_idx %arg27[%get3A_360, %broadcast_in_dim3A_398] : memref<8x16xf32, #tpu.memory_space<vmem>>[vector<16xi32>, vector<16xi32>], vector<16xf32>,
        tpu.vector_store_idx %arg24[%add3A_368, %broadcast_in_dim3A_398], %gather3A_399 : memref<256x16xf32, #tpu.memory_space<vmem>>[vector<16xi32>, vector<16xi32>], vector<16xf32>,
        %broadcast_in_dim3A_400 = arith.constant 11 : i32
        %broadcast_in_dim3A_401 = vector.broadcast %broadcast_in_dim3A_400 : i32 to vector<16xi32>
        %gather3A_402 = tpu.vector_load_idx %arg27[%get3A_360, %broadcast_in_dim3A_401] : memref<8x16xf32, #tpu.memory_space<vmem>>[vector<16xi32>, vector<16xi32>], vector<16xf32>,
        tpu.vector_store_idx %arg24[%add3A_368, %broadcast_in_dim3A_401], %gather3A_402 : memref<256x16xf32, #tpu.memory_space<vmem>>[vector<16xi32>, vector<16xi32>], vector<16xf32>,
        %broadcast_in_dim3A_403 = arith.constant 12 : i32
        %broadcast_in_dim3A_404 = vector.broadcast %broadcast_in_dim3A_403 : i32 to vector<16xi32>
        %gather3A_405 = tpu.vector_load_idx %arg27[%get3A_360, %broadcast_in_dim3A_404] : memref<8x16xf32, #tpu.memory_space<vmem>>[vector<16xi32>, vector<16xi32>], vector<16xf32>,
        tpu.vector_store_idx %arg24[%add3A_368, %broadcast_in_dim3A_404], %gather3A_405 : memref<256x16xf32, #tpu.memory_space<vmem>>[vector<16xi32>, vector<16xi32>], vector<16xf32>,
        %broadcast_in_dim3A_406 = arith.constant 13 : i32
        %broadcast_in_dim3A_407 = vector.broadcast %broadcast_in_dim3A_406 : i32 to vector<16xi32>
        %gather3A_408 = tpu.vector_load_idx %arg27[%get3A_360, %broadcast_in_dim3A_407] : memref<8x16xf32, #tpu.memory_space<vmem>>[vector<16xi32>, vector<16xi32>], vector<16xf32>,
        tpu.vector_store_idx %arg24[%add3A_368, %broadcast_in_dim3A_407], %gather3A_408 : memref<256x16xf32, #tpu.memory_space<vmem>>[vector<16xi32>, vector<16xi32>], vector<16xf32>,
        %broadcast_in_dim3A_409 = arith.constant 14 : i32
        %broadcast_in_dim3A_410 = vector.broadcast %broadcast_in_dim3A_409 : i32 to vector<16xi32>
        %gather3A_411 = tpu.vector_load_idx %arg27[%get3A_360, %broadcast_in_dim3A_410] : memref<8x16xf32, #tpu.memory_space<vmem>>[vector<16xi32>, vector<16xi32>], vector<16xf32>,
        tpu.vector_store_idx %arg24[%add3A_368, %broadcast_in_dim3A_410], %gather3A_411 : memref<256x16xf32, #tpu.memory_space<vmem>>[vector<16xi32>, vector<16xi32>], vector<16xf32>,
        %broadcast_in_dim3A_412 = arith.constant 15 : i32
        %broadcast_in_dim3A_413 = vector.broadcast %broadcast_in_dim3A_412 : i32 to vector<16xi32>
        %gather3A_414 = tpu.vector_load_idx %arg27[%get3A_360, %broadcast_in_dim3A_413] : memref<8x16xf32, #tpu.memory_space<vmem>>[vector<16xi32>, vector<16xi32>], vector<16xf32>,
        tpu.vector_store_idx %arg24[%add3A_368, %broadcast_in_dim3A_413], %gather3A_414 : memref<256x16xf32, #tpu.memory_space<vmem>>[vector<16xi32>, vector<16xi32>], vector<16xf32>,
        %broadcast_in_dim3A_415 = arith.constant 0 : i32
        %broadcast_in_dim3A_416 = vector.broadcast %broadcast_in_dim3A_415 : i32 to vector<16xi32>
        %gather3A_417 = tpu.vector_load_idx %arg28[%get3A_364, %broadcast_in_dim3A_416] : memref<512x32xf32, #tpu.memory_space<vmem>>[vector<16xi32>, vector<16xi32>], vector<16xf32>,
        tpu.vector_store_idx %arg25[%add3A_368, %broadcast_in_dim3A_416], %gather3A_417 : memref<256x32xf32, #tpu.memory_space<vmem>>[vector<16xi32>, vector<16xi32>], vector<16xf32>,
        %broadcast_in_dim3A_418 = arith.constant 1 : i32
        %broadcast_in_dim3A_419 = vector.broadcast %broadcast_in_dim3A_418 : i32 to vector<16xi32>
        %gather3A_420 = tpu.vector_load_idx %arg28[%get3A_364, %broadcast_in_dim3A_419] : memref<512x32xf32, #tpu.memory_space<vmem>>[vector<16xi32>, vector<16xi32>], vector<16xf32>,
        tpu.vector_store_idx %arg25[%add3A_368, %broadcast_in_dim3A_419], %gather3A_420 : memref<256x32xf32, #tpu.memory_space<vmem>>[vector<16xi32>, vector<16xi32>], vector<16xf32>,
        %broadcast_in_dim3A_421 = arith.constant 2 : i32
        %broadcast_in_dim3A_422 = vector.broadcast %broadcast_in_dim3A_421 : i32 to vector<16xi32>
        %gather3A_423 = tpu.vector_load_idx %arg28[%get3A_364, %broadcast_in_dim3A_422] : memref<512x32xf32, #tpu.memory_space<vmem>>[vector<16xi32>, vector<16xi32>], vector<16xf32>,
        tpu.vector_store_idx %arg25[%add3A_368, %broadcast_in_dim3A_422], %gather3A_423 : memref<256x32xf32, #tpu.memory_space<vmem>>[vector<16xi32>, vector<16xi32>], vector<16xf32>,
        %broadcast_in_dim3A_424 = arith.constant 3 : i32
        %broadcast_in_dim3A_425 = vector.broadcast %broadcast_in_dim3A_424 : i32 to vector<16xi32>
        %gather3A_426 = tpu.vector_load_idx %arg28[%get3A_364, %broadcast_in_dim3A_425] : memref<512x32xf32, #tpu.memory_space<vmem>>[vector<16xi32>, vector<16xi32>], vector<16xf32>,
        tpu.vector_store_idx %arg25[%add3A_368, %broadcast_in_dim3A_425], %gather3A_426 : memref<256x32xf32, #tpu.memory_space<vmem>>[vector<16xi32>, vector<16xi32>], vector<16xf32>,
        %broadcast_in_dim3A_427 = arith.constant 4 : i32
        %broadcast_in_dim3A_428 = vector.broadcast %broadcast_in_dim3A_427 : i32 to vector<16xi32>
        %gather3A_429 = tpu.vector_load_idx %arg28[%get3A_364, %broadcast_in_dim3A_428] : memref<512x32xf32, #tpu.memory_space<vmem>>[vector<16xi32>, vector<16xi32>], vector<16xf32>,
        tpu.vector_store_idx %arg25[%add3A_368, %broadcast_in_dim3A_428], %gather3A_429 : memref<256x32xf32, #tpu.memory_space<vmem>>[vector<16xi32>, vector<16xi32>], vector<16xf32>,
        %broadcast_in_dim3A_430 = arith.constant 5 : i32
        %broadcast_in_dim3A_431 = vector.broadcast %broadcast_in_dim3A_430 : i32 to vector<16xi32>
        %gather3A_432 = tpu.vector_load_idx %arg28[%get3A_364, %broadcast_in_dim3A_431] : memref<512x32xf32, #tpu.memory_space<vmem>>[vector<16xi32>, vector<16xi32>], vector<16xf32>,
        tpu.vector_store_idx %arg25[%add3A_368, %broadcast_in_dim3A_431], %gather3A_432 : memref<256x32xf32, #tpu.memory_space<vmem>>[vector<16xi32>, vector<16xi32>], vector<16xf32>,
        %broadcast_in_dim3A_433 = arith.constant 6 : i32
        %broadcast_in_dim3A_434 = vector.broadcast %broadcast_in_dim3A_433 : i32 to vector<16xi32>
        %gather3A_435 = tpu.vector_load_idx %arg28[%get3A_364, %broadcast_in_dim3A_434] : memref<512x32xf32, #tpu.memory_space<vmem>>[vector<16xi32>, vector<16xi32>], vector<16xf32>,
        tpu.vector_store_idx %arg25[%add3A_368, %broadcast_in_dim3A_434], %gather3A_435 : memref<256x32xf32, #tpu.memory_space<vmem>>[vector<16xi32>, vector<16xi32>], vector<16xf32>,
        %broadcast_in_dim3A_436 = arith.constant 7 : i32
        %broadcast_in_dim3A_437 = vector.broadcast %broadcast_in_dim3A_436 : i32 to vector<16xi32>
        %gather3A_438 = tpu.vector_load_idx %arg28[%get3A_364, %broadcast_in_dim3A_437] : memref<512x32xf32, #tpu.memory_space<vmem>>[vector<16xi32>, vector<16xi32>], vector<16xf32>,
        tpu.vector_store_idx %arg25[%add3A_368, %broadcast_in_dim3A_437], %gather3A_438 : memref<256x32xf32, #tpu.memory_space<vmem>>[vector<16xi32>, vector<16xi32>], vector<16xf32>,
        %broadcast_in_dim3A_439 = arith.constant 8 : i32
        %broadcast_in_dim3A_440 = vector.broadcast %broadcast_in_dim3A_439 : i32 to vector<16xi32>
        %gather3A_441 = tpu.vector_load_idx %arg28[%get3A_364, %broadcast_in_dim3A_440] : memref<512x32xf32, #tpu.memory_space<vmem>>[vector<16xi32>, vector<16xi32>], vector<16xf32>,
        tpu.vector_store_idx %arg25[%add3A_368, %broadcast_in_dim3A_440], %gather3A_441 : memref<256x32xf32, #tpu.memory_space<vmem>>[vector<16xi32>, vector<16xi32>], vector<16xf32>,
        %broadcast_in_dim3A_442 = arith.constant 9 : i32
        %broadcast_in_dim3A_443 = vector.broadcast %broadcast_in_dim3A_442 : i32 to vector<16xi32>
        %gather3A_444 = tpu.vector_load_idx %arg28[%get3A_364, %broadcast_in_dim3A_443] : memref<512x32xf32, #tpu.memory_space<vmem>>[vector<16xi32>, vector<16xi32>], vector<16xf32>,
        tpu.vector_store_idx %arg25[%add3A_368, %broadcast_in_dim3A_443], %gather3A_444 : memref<256x32xf32, #tpu.memory_space<vmem>>[vector<16xi32>, vector<16xi32>], vector<16xf32>,
        %broadcast_in_dim3A_445 = arith.constant 10 : i32
        %broadcast_in_dim3A_446 = vector.broadcast %broadcast_in_dim3A_445 : i32 to vector<16xi32>
        %gather3A_447 = tpu.vector_load_idx %arg28[%get3A_364, %broadcast_in_dim3A_446] : memref<512x32xf32, #tpu.memory_space<vmem>>[vector<16xi32>, vector<16xi32>], vector<16xf32>,
        tpu.vector_store_idx %arg25[%add3A_368, %broadcast_in_dim3A_446], %gather3A_447 : memref<256x32xf32, #tpu.memory_space<vmem>>[vector<16xi32>, vector<16xi32>], vector<16xf32>,
        %broadcast_in_dim3A_448 = arith.constant 11 : i32
        %broadcast_in_dim3A_449 = vector.broadcast %broadcast_in_dim3A_448 : i32 to vector<16xi32>
        %gather3A_450 = tpu.vector_load_idx %arg28[%get3A_364, %broadcast_in_dim3A_449] : memref<512x32xf32, #tpu.memory_space<vmem>>[vector<16xi32>, vector<16xi32>], vector<16xf32>,
        tpu.vector_store_idx %arg25[%add3A_368, %broadcast_in_dim3A_449], %gather3A_450 : memref<256x32xf32, #tpu.memory_space<vmem>>[vector<16xi32>, vector<16xi32>], vector<16xf32>,
        %broadcast_in_dim3A_451 = arith.constant 12 : i32
        %broadcast_in_dim3A_452 = vector.broadcast %broadcast_in_dim3A_451 : i32 to vector<16xi32>
        %gather3A_453 = tpu.vector_load_idx %arg28[%get3A_364, %broadcast_in_dim3A_452] : memref<512x32xf32, #tpu.memory_space<vmem>>[vector<16xi32>, vector<16xi32>], vector<16xf32>,
        tpu.vector_store_idx %arg25[%add3A_368, %broadcast_in_dim3A_452], %gather3A_453 : memref<256x32xf32, #tpu.memory_space<vmem>>[vector<16xi32>, vector<16xi32>], vector<16xf32>,
        %broadcast_in_dim3A_454 = arith.constant 13 : i32
        %broadcast_in_dim3A_455 = vector.broadcast %broadcast_in_dim3A_454 : i32 to vector<16xi32>
        %gather3A_456 = tpu.vector_load_idx %arg28[%get3A_364, %broadcast_in_dim3A_455] : memref<512x32xf32, #tpu.memory_space<vmem>>[vector<16xi32>, vector<16xi32>], vector<16xf32>,
        tpu.vector_store_idx %arg25[%add3A_368, %broadcast_in_dim3A_455], %gather3A_456 : memref<256x32xf32, #tpu.memory_space<vmem>>[vector<16xi32>, vector<16xi32>], vector<16xf32>,
        %broadcast_in_dim3A_457 = arith.constant 14 : i32
        %broadcast_in_dim3A_458 = vector.broadcast %broadcast_in_dim3A_457 : i32 to vector<16xi32>
        %gather3A_459 = tpu.vector_load_idx %arg28[%get3A_364, %broadcast_in_dim3A_458] : memref<512x32xf32, #tpu.memory_space<vmem>>[vector<16xi32>, vector<16xi32>], vector<16xf32>,
        tpu.vector_store_idx %arg25[%add3A_368, %broadcast_in_dim3A_458], %gather3A_459 : memref<256x32xf32, #tpu.memory_space<vmem>>[vector<16xi32>, vector<16xi32>], vector<16xf32>,
        %broadcast_in_dim3A_460 = arith.constant 15 : i32
        %broadcast_in_dim3A_461 = vector.broadcast %broadcast_in_dim3A_460 : i32 to vector<16xi32>
        %gather3A_462 = tpu.vector_load_idx %arg28[%get3A_364, %broadcast_in_dim3A_461] : memref<512x32xf32, #tpu.memory_space<vmem>>[vector<16xi32>, vector<16xi32>], vector<16xf32>,
        tpu.vector_store_idx %arg25[%add3A_368, %broadcast_in_dim3A_461], %gather3A_462 : memref<256x32xf32, #tpu.memory_space<vmem>>[vector<16xi32>, vector<16xi32>], vector<16xf32>,
        %broadcast_in_dim3A_463 = arith.constant 16 : i32
        %broadcast_in_dim3A_464 = vector.broadcast %broadcast_in_dim3A_463 : i32 to vector<16xi32>
        %gather3A_465 = tpu.vector_load_idx %arg28[%get3A_364, %broadcast_in_dim3A_464] : memref<512x32xf32, #tpu.memory_space<vmem>>[vector<16xi32>, vector<16xi32>], vector<16xf32>,
        tpu.vector_store_idx %arg25[%add3A_368, %broadcast_in_dim3A_464], %gather3A_465 : memref<256x32xf32, #tpu.memory_space<vmem>>[vector<16xi32>, vector<16xi32>], vector<16xf32>,
        %broadcast_in_dim3A_466 = arith.constant 17 : i32
        %broadcast_in_dim3A_467 = vector.broadcast %broadcast_in_dim3A_466 : i32 to vector<16xi32>
        %gather3A_468 = tpu.vector_load_idx %arg28[%get3A_364, %broadcast_in_dim3A_467] : memref<512x32xf32, #tpu.memory_space<vmem>>[vector<16xi32>, vector<16xi32>], vector<16xf32>,
        tpu.vector_store_idx %arg25[%add3A_368, %broadcast_in_dim3A_467], %gather3A_468 : memref<256x32xf32, #tpu.memory_space<vmem>>[vector<16xi32>, vector<16xi32>], vector<16xf32>,
        %broadcast_in_dim3A_469 = arith.constant 18 : i32
        %broadcast_in_dim3A_470 = vector.broadcast %broadcast_in_dim3A_469 : i32 to vector<16xi32>
        %gather3A_471 = tpu.vector_load_idx %arg28[%get3A_364, %broadcast_in_dim3A_470] : memref<512x32xf32, #tpu.memory_space<vmem>>[vector<16xi32>, vector<16xi32>], vector<16xf32>,
        tpu.vector_store_idx %arg25[%add3A_368, %broadcast_in_dim3A_470], %gather3A_471 : memref<256x32xf32, #tpu.memory_space<vmem>>[vector<16xi32>, vector<16xi32>], vector<16xf32>,
        %broadcast_in_dim3A_472 = arith.constant 19 : i32
        %broadcast_in_dim3A_473 = vector.broadcast %broadcast_in_dim3A_472 : i32 to vector<16xi32>
        %gather3A_474 = tpu.vector_load_idx %arg28[%get3A_364, %broadcast_in_dim3A_473] : memref<512x32xf32, #tpu.memory_space<vmem>>[vector<16xi32>, vector<16xi32>], vector<16xf32>,
        tpu.vector_store_idx %arg25[%add3A_368, %broadcast_in_dim3A_473], %gather3A_474 : memref<256x32xf32, #tpu.memory_space<vmem>>[vector<16xi32>, vector<16xi32>], vector<16xf32>,
        %broadcast_in_dim3A_475 = arith.constant 20 : i32
        %broadcast_in_dim3A_476 = vector.broadcast %broadcast_in_dim3A_475 : i32 to vector<16xi32>
        %gather3A_477 = tpu.vector_load_idx %arg28[%get3A_364, %broadcast_in_dim3A_476] : memref<512x32xf32, #tpu.memory_space<vmem>>[vector<16xi32>, vector<16xi32>], vector<16xf32>,
        tpu.vector_store_idx %arg25[%add3A_368, %broadcast_in_dim3A_476], %gather3A_477 : memref<256x32xf32, #tpu.memory_space<vmem>>[vector<16xi32>, vector<16xi32>], vector<16xf32>,
        %broadcast_in_dim3A_478 = arith.constant 21 : i32
        %broadcast_in_dim3A_479 = vector.broadcast %broadcast_in_dim3A_478 : i32 to vector<16xi32>
        %gather3A_480 = tpu.vector_load_idx %arg28[%get3A_364, %broadcast_in_dim3A_479] : memref<512x32xf32, #tpu.memory_space<vmem>>[vector<16xi32>, vector<16xi32>], vector<16xf32>,
        tpu.vector_store_idx %arg25[%add3A_368, %broadcast_in_dim3A_479], %gather3A_480 : memref<256x32xf32, #tpu.memory_space<vmem>>[vector<16xi32>, vector<16xi32>], vector<16xf32>,
        %broadcast_in_dim3A_481 = arith.constant 22 : i32
        %broadcast_in_dim3A_482 = vector.broadcast %broadcast_in_dim3A_481 : i32 to vector<16xi32>
        %gather3A_483 = tpu.vector_load_idx %arg28[%get3A_364, %broadcast_in_dim3A_482] : memref<512x32xf32, #tpu.memory_space<vmem>>[vector<16xi32>, vector<16xi32>], vector<16xf32>,
        tpu.vector_store_idx %arg25[%add3A_368, %broadcast_in_dim3A_482], %gather3A_483 : memref<256x32xf32, #tpu.memory_space<vmem>>[vector<16xi32>, vector<16xi32>], vector<16xf32>,
        %broadcast_in_dim3A_484 = arith.constant 23 : i32
        %broadcast_in_dim3A_485 = vector.broadcast %broadcast_in_dim3A_484 : i32 to vector<16xi32>
        %gather3A_486 = tpu.vector_load_idx %arg28[%get3A_364, %broadcast_in_dim3A_485] : memref<512x32xf32, #tpu.memory_space<vmem>>[vector<16xi32>, vector<16xi32>], vector<16xf32>,
        tpu.vector_store_idx %arg25[%add3A_368, %broadcast_in_dim3A_485], %gather3A_486 : memref<256x32xf32, #tpu.memory_space<vmem>>[vector<16xi32>, vector<16xi32>], vector<16xf32>,
        %broadcast_in_dim3A_487 = arith.constant 24 : i32
        %broadcast_in_dim3A_488 = vector.broadcast %broadcast_in_dim3A_487 : i32 to vector<16xi32>
        %gather3A_489 = tpu.vector_load_idx %arg28[%get3A_364, %broadcast_in_dim3A_488] : memref<512x32xf32, #tpu.memory_space<vmem>>[vector<16xi32>, vector<16xi32>], vector<16xf32>,
        tpu.vector_store_idx %arg25[%add3A_368, %broadcast_in_dim3A_488], %gather3A_489 : memref<256x32xf32, #tpu.memory_space<vmem>>[vector<16xi32>, vector<16xi32>], vector<16xf32>,
        %broadcast_in_dim3A_490 = arith.constant 25 : i32
        %broadcast_in_dim3A_491 = vector.broadcast %broadcast_in_dim3A_490 : i32 to vector<16xi32>
        %gather3A_492 = tpu.vector_load_idx %arg28[%get3A_364, %broadcast_in_dim3A_491] : memref<512x32xf32, #tpu.memory_space<vmem>>[vector<16xi32>, vector<16xi32>], vector<16xf32>,
        tpu.vector_store_idx %arg25[%add3A_368, %broadcast_in_dim3A_491], %gather3A_492 : memref<256x32xf32, #tpu.memory_space<vmem>>[vector<16xi32>, vector<16xi32>], vector<16xf32>,
        %broadcast_in_dim3A_493 = arith.constant 26 : i32
        %broadcast_in_dim3A_494 = vector.broadcast %broadcast_in_dim3A_493 : i32 to vector<16xi32>
        %gather3A_495 = tpu.vector_load_idx %arg28[%get3A_364, %broadcast_in_dim3A_494] : memref<512x32xf32, #tpu.memory_space<vmem>>[vector<16xi32>, vector<16xi32>], vector<16xf32>,
        tpu.vector_store_idx %arg25[%add3A_368, %broadcast_in_dim3A_494], %gather3A_495 : memref<256x32xf32, #tpu.memory_space<vmem>>[vector<16xi32>, vector<16xi32>], vector<16xf32>,
        %broadcast_in_dim3A_496 = arith.constant 27 : i32
        %broadcast_in_dim3A_497 = vector.broadcast %broadcast_in_dim3A_496 : i32 to vector<16xi32>
        %gather3A_498 = tpu.vector_load_idx %arg28[%get3A_364, %broadcast_in_dim3A_497] : memref<512x32xf32, #tpu.memory_space<vmem>>[vector<16xi32>, vector<16xi32>], vector<16xf32>,
        tpu.vector_store_idx %arg25[%add3A_368, %broadcast_in_dim3A_497], %gather3A_498 : memref<256x32xf32, #tpu.memory_space<vmem>>[vector<16xi32>, vector<16xi32>], vector<16xf32>,
        %broadcast_in_dim3A_499 = arith.constant 28 : i32
        %broadcast_in_dim3A_500 = vector.broadcast %broadcast_in_dim3A_499 : i32 to vector<16xi32>
        %gather3A_501 = tpu.vector_load_idx %arg28[%get3A_364, %broadcast_in_dim3A_500] : memref<512x32xf32, #tpu.memory_space<vmem>>[vector<16xi32>, vector<16xi32>], vector<16xf32>,
        tpu.vector_store_idx %arg25[%add3A_368, %broadcast_in_dim3A_500], %gather3A_501 : memref<256x32xf32, #tpu.memory_space<vmem>>[vector<16xi32>, vector<16xi32>], vector<16xf32>,
        %broadcast_in_dim3A_502 = arith.constant 29 : i32
        %broadcast_in_dim3A_503 = vector.broadcast %broadcast_in_dim3A_502 : i32 to vector<16xi32>
        %gather3A_504 = tpu.vector_load_idx %arg28[%get3A_364, %broadcast_in_dim3A_503] : memref<512x32xf32, #tpu.memory_space<vmem>>[vector<16xi32>, vector<16xi32>], vector<16xf32>,
        tpu.vector_store_idx %arg25[%add3A_368, %broadcast_in_dim3A_503], %gather3A_504 : memref<256x32xf32, #tpu.memory_space<vmem>>[vector<16xi32>, vector<16xi32>], vector<16xf32>,
        %broadcast_in_dim3A_505 = arith.constant 30 : i32
        %broadcast_in_dim3A_506 = vector.broadcast %broadcast_in_dim3A_505 : i32 to vector<16xi32>
        %gather3A_507 = tpu.vector_load_idx %arg28[%get3A_364, %broadcast_in_dim3A_506] : memref<512x32xf32, #tpu.memory_space<vmem>>[vector<16xi32>, vector<16xi32>], vector<16xf32>,
        tpu.vector_store_idx %arg25[%add3A_368, %broadcast_in_dim3A_506], %gather3A_507 : memref<256x32xf32, #tpu.memory_space<vmem>>[vector<16xi32>, vector<16xi32>], vector<16xf32>,
        %broadcast_in_dim3A_508 = arith.constant 31 : i32
        %broadcast_in_dim3A_509 = vector.broadcast %broadcast_in_dim3A_508 : i32 to vector<16xi32>
        %gather3A_510 = tpu.vector_load_idx %arg28[%get3A_364, %broadcast_in_dim3A_509] : memref<512x32xf32, #tpu.memory_space<vmem>>[vector<16xi32>, vector<16xi32>], vector<16xf32>,
        tpu.vector_store_idx %arg25[%add3A_368, %broadcast_in_dim3A_509], %gather3A_510 : memref<256x32xf32, #tpu.memory_space<vmem>>[vector<16xi32>, vector<16xi32>], vector<16xf32>,
      }
      %scan3A_295 = arith.constant 8 : i32
      %dma_wait3A_296 = arith.constant 0 : i32
      %dma_wait3A_297 = arith.constant 0 : i32
      %dma_wait3A_298 = arith.constant 0 : i32
      %dma_wait3A_299 = tpu.memref_slice %arg23[%dma_wait3A_297, %dma_wait3A_298] : memref<256x64xf32, #tpu.memory_space<vmem>> -> memref<128x64xf32, #tpu.memory_space<vmem>>
      %dma_wait3A_300 = arith.constant 0 : i32
      %dma_wait3A_301 = tpu.memref_slice %arg15[%dma_wait3A_296, %dma_wait3A_300] : memref<2x128xi32, #tpu.memory_space<vmem>> -> memref<1x128xi32, #tpu.memory_space<vmem>>
      %dma_wait3A_302 = tpu.memref_squeeze %dma_wait3A_301 : memref<1x128xi32, #tpu.memory_space<vmem>> -> memref<128xi32, #tpu.memory_space<vmem>>
      %dma_wait3A_303 = arith.constant 0 : i32
      %dma_wait3A_304 = arith.constant 0 : i32
      %dma_wait3A_305 = tpu.memref_slice %arg6[%dma_wait3A_303, %dma_wait3A_304] : memref<100000x64xf32, #tpu.memory_space<hbm>> -> memref<100000x64xf32, #tpu.memory_space<hbm>>
      tpu.wait_indirect_dma semaphore(%arg32 : memref<!tpu.dma_semaphore, #tpu.memory_space<semaphore_mem>>) src(%dma_wait3A_305 : memref<100000x64xf32, #tpu.memory_space<hbm>>) dst(%dma_wait3A_299 : memref<128x64xf32, #tpu.memory_space<vmem>>)
      %dma_wait3A_306 = arith.constant 0 : i32
      %dma_wait3A_307 = arith.constant 0 : i32
      %dma_wait3A_308 = arith.constant 0 : i32
      %dma_wait3A_309 = tpu.memref_slice %arg26[%dma_wait3A_307, %dma_wait3A_308] : memref<256x64xf32, #tpu.memory_space<vmem>> -> memref<128x64xf32, #tpu.memory_space<vmem>>
      %dma_wait3A_310 = arith.constant 0 : i32
      %dma_wait3A_311 = tpu.memref_slice %arg18[%dma_wait3A_306, %dma_wait3A_310] : memref<2x128xi32, #tpu.memory_space<vmem>> -> memref<1x128xi32, #tpu.memory_space<vmem>>
      %dma_wait3A_312 = tpu.memref_squeeze %dma_wait3A_311 : memref<1x128xi32, #tpu.memory_space<vmem>> -> memref<128xi32, #tpu.memory_space<vmem>>
      %dma_wait3A_313 = arith.constant 0 : i32
      %dma_wait3A_314 = arith.constant 0 : i32
      %dma_wait3A_315 = tpu.memref_slice %arg9[%dma_wait3A_313, %dma_wait3A_314] : memref<1000000x64xf32, #tpu.memory_space<hbm>> -> memref<1000000x64xf32, #tpu.memory_space<hbm>>
      tpu.wait_indirect_dma semaphore(%arg32 : memref<!tpu.dma_semaphore, #tpu.memory_space<semaphore_mem>>) src(%dma_wait3A_315 : memref<1000000x64xf32, #tpu.memory_space<hbm>>) dst(%dma_wait3A_309 : memref<128x64xf32, #tpu.memory_space<vmem>>)
      %dma_wait3A_316 = arith.constant 1 : i32
      %dma_wait3A_317 = arith.constant 128 : i32
      %dma_wait3A_318 = arith.constant 0 : i32
      %dma_wait3A_319 = tpu.memref_slice %arg23[%dma_wait3A_317, %dma_wait3A_318] : memref<256x64xf32, #tpu.memory_space<vmem>> -> memref<128x64xf32, #tpu.memory_space<vmem>>
      %dma_wait3A_320 = arith.constant 0 : i32
      %dma_wait3A_321 = tpu.memref_slice %arg15[%dma_wait3A_316, %dma_wait3A_320] : memref<2x128xi32, #tpu.memory_space<vmem>> -> memref<1x128xi32, #tpu.memory_space<vmem>>
      %dma_wait3A_322 = tpu.memref_squeeze %dma_wait3A_321 : memref<1x128xi32, #tpu.memory_space<vmem>> -> memref<128xi32, #tpu.memory_space<vmem>>
      %dma_wait3A_323 = arith.constant 0 : i32
      %dma_wait3A_324 = arith.constant 0 : i32
      %dma_wait3A_325 = tpu.memref_slice %arg6[%dma_wait3A_323, %dma_wait3A_324] : memref<100000x64xf32, #tpu.memory_space<hbm>> -> memref<100000x64xf32, #tpu.memory_space<hbm>>
      tpu.wait_indirect_dma semaphore(%arg32 : memref<!tpu.dma_semaphore, #tpu.memory_space<semaphore_mem>>) src(%dma_wait3A_325 : memref<100000x64xf32, #tpu.memory_space<hbm>>) dst(%dma_wait3A_319 : memref<128x64xf32, #tpu.memory_space<vmem>>)
      %dma_wait3A_326 = arith.constant 1 : i32
      %dma_wait3A_327 = arith.constant 128 : i32
      %dma_wait3A_328 = arith.constant 0 : i32
      %dma_wait3A_329 = tpu.memref_slice %arg26[%dma_wait3A_327, %dma_wait3A_328] : memref<256x64xf32, #tpu.memory_space<vmem>> -> memref<128x64xf32, #tpu.memory_space<vmem>>
      %dma_wait3A_330 = arith.constant 0 : i32
      %dma_wait3A_331 = tpu.memref_slice %arg18[%dma_wait3A_326, %dma_wait3A_330] : memref<2x128xi32, #tpu.memory_space<vmem>> -> memref<1x128xi32, #tpu.memory_space<vmem>>
      %dma_wait3A_332 = tpu.memref_squeeze %dma_wait3A_331 : memref<1x128xi32, #tpu.memory_space<vmem>> -> memref<128xi32, #tpu.memory_space<vmem>>
      %dma_wait3A_333 = arith.constant 0 : i32
      %dma_wait3A_334 = arith.constant 0 : i32
      %dma_wait3A_335 = tpu.memref_slice %arg9[%dma_wait3A_333, %dma_wait3A_334] : memref<1000000x64xf32, #tpu.memory_space<hbm>> -> memref<1000000x64xf32, #tpu.memory_space<hbm>>
      tpu.wait_indirect_dma semaphore(%arg32 : memref<!tpu.dma_semaphore, #tpu.memory_space<semaphore_mem>>) src(%dma_wait3A_335 : memref<1000000x64xf32, #tpu.memory_space<hbm>>) dst(%dma_wait3A_329 : memref<128x64xf32, #tpu.memory_space<vmem>>)
      %add3A_336 = arith.addi %mul3A_2, %add3A_212 : i32
      %mul3A_337 = arith.constant 256 : i32
      %mul3A_338 = arith.muli %add3A_336, %mul3A_337 : i32
      %dma_start3A_339 = arith.constant 0 : i32
      %dma_start3A_340 = tpu.memref_slice %arg10[%mul3A_338, %dma_start3A_339] : memref<819200x176xf32, #tpu.memory_space<hbm>> -> memref<256x64xf32, #tpu.memory_space<hbm>>
      %dma_start3A_341 = arith.constant 0 : i32
      %dma_start3A_342 = tpu.memref_slice %arg10[%mul3A_338, %dma_start3A_341] : memref<819200x176xf32, #tpu.memory_space<hbm>> -> memref<256x64xf32, #tpu.memory_space<hbm>>
      tpu.enqueue_dma source(%arg23 : memref<256x64xf32, #tpu.memory_space<vmem>>) target(%dma_start3A_342 : memref<256x64xf32, #tpu.memory_space<hbm>>) target_semaphore(%arg34 : memref<!tpu.dma_semaphore, #tpu.memory_space<semaphore_mem>>)
      %dma_start3A_343 = arith.constant 64 : i32
      %dma_start3A_344 = tpu.memref_slice %arg10[%mul3A_338, %dma_start3A_343] : memref<819200x176xf32, #tpu.memory_space<hbm>> -> memref<256x16xf32, #tpu.memory_space<hbm>>
      %dma_start3A_345 = arith.constant 64 : i32
      %dma_start3A_346 = tpu.memref_slice %arg10[%mul3A_338, %dma_start3A_345] : memref<819200x176xf32, #tpu.memory_space<hbm>> -> memref<256x16xf32, #tpu.memory_space<hbm>>
      tpu.enqueue_dma source(%arg24 : memref<256x16xf32, #tpu.memory_space<vmem>>) target(%dma_start3A_346 : memref<256x16xf32, #tpu.memory_space<hbm>>) target_semaphore(%arg34 : memref<!tpu.dma_semaphore, #tpu.memory_space<semaphore_mem>>)
      %dma_start3A_347 = arith.constant 80 : i32
      %dma_start3A_348 = tpu.memref_slice %arg10[%mul3A_338, %dma_start3A_347] : memref<819200x176xf32, #tpu.memory_space<hbm>> -> memref<256x32xf32, #tpu.memory_space<hbm>>
      %dma_start3A_349 = arith.constant 80 : i32
      %dma_start3A_350 = tpu.memref_slice %arg10[%mul3A_338, %dma_start3A_349] : memref<819200x176xf32, #tpu.memory_space<hbm>> -> memref<256x32xf32, #tpu.memory_space<hbm>>
      tpu.enqueue_dma source(%arg25 : memref<256x32xf32, #tpu.memory_space<vmem>>) target(%dma_start3A_350 : memref<256x32xf32, #tpu.memory_space<hbm>>) target_semaphore(%arg34 : memref<!tpu.dma_semaphore, #tpu.memory_space<semaphore_mem>>)
      %dma_start3A_351 = arith.constant 112 : i32
      %dma_start3A_352 = tpu.memref_slice %arg10[%mul3A_338, %dma_start3A_351] : memref<819200x176xf32, #tpu.memory_space<hbm>> -> memref<256x64xf32, #tpu.memory_space<hbm>>
      %dma_start3A_353 = arith.constant 112 : i32
      %dma_start3A_354 = tpu.memref_slice %arg10[%mul3A_338, %dma_start3A_353] : memref<819200x176xf32, #tpu.memory_space<hbm>> -> memref<256x64xf32, #tpu.memory_space<hbm>>
      tpu.enqueue_dma source(%arg26 : memref<256x64xf32, #tpu.memory_space<vmem>>) target(%dma_start3A_354 : memref<256x64xf32, #tpu.memory_space<hbm>>) target_semaphore(%arg34 : memref<!tpu.dma_semaphore, #tpu.memory_space<semaphore_mem>>)
    }
    %scan3A_26 = arith.constant 50 : i32
    %add3A_27 = arith.constant 98 : i32
    %add3A_28 = arith.addi %mul3A_2, %add3A_27 : i32
    %mul3A_29 = arith.constant 256 : i32
    %mul3A_30 = arith.muli %add3A_28, %mul3A_29 : i32
    %dma_wait3A = arith.constant 0 : i32
    %dma_wait3A_31 = tpu.memref_slice %arg10[%mul3A_30, %dma_wait3A] : memref<819200x176xf32, #tpu.memory_space<hbm>> -> memref<256x64xf32, #tpu.memory_space<hbm>>
    %dma_wait3A_32 = arith.constant 0 : i32
    %dma_wait3A_33 = tpu.memref_slice %arg10[%mul3A_30, %dma_wait3A_32] : memref<819200x176xf32, #tpu.memory_space<hbm>> -> memref<256x64xf32, #tpu.memory_space<hbm>>
    tpu.wait_dma2 semaphore(%arg33 : memref<!tpu.dma_semaphore, #tpu.memory_space<semaphore_mem>>) src(%arg19 : memref<256x64xf32, #tpu.memory_space<vmem>>) dst(%dma_wait3A_33 : memref<256x64xf32, #tpu.memory_space<hbm>>)
    %dma_wait3A_34 = arith.constant 64 : i32
    %dma_wait3A_35 = tpu.memref_slice %arg10[%mul3A_30, %dma_wait3A_34] : memref<819200x176xf32, #tpu.memory_space<hbm>> -> memref<256x16xf32, #tpu.memory_space<hbm>>
    %dma_wait3A_36 = arith.constant 64 : i32
    %dma_wait3A_37 = tpu.memref_slice %arg10[%mul3A_30, %dma_wait3A_36] : memref<819200x176xf32, #tpu.memory_space<hbm>> -> memref<256x16xf32, #tpu.memory_space<hbm>>
    tpu.wait_dma2 semaphore(%arg33 : memref<!tpu.dma_semaphore, #tpu.memory_space<semaphore_mem>>) src(%arg20 : memref<256x16xf32, #tpu.memory_space<vmem>>) dst(%dma_wait3A_37 : memref<256x16xf32, #tpu.memory_space<hbm>>)
    %dma_wait3A_38 = arith.constant 80 : i32
    %dma_wait3A_39 = tpu.memref_slice %arg10[%mul3A_30, %dma_wait3A_38] : memref<819200x176xf32, #tpu.memory_space<hbm>> -> memref<256x32xf32, #tpu.memory_space<hbm>>
    %dma_wait3A_40 = arith.constant 80 : i32
    %dma_wait3A_41 = tpu.memref_slice %arg10[%mul3A_30, %dma_wait3A_40] : memref<819200x176xf32, #tpu.memory_space<hbm>> -> memref<256x32xf32, #tpu.memory_space<hbm>>
    tpu.wait_dma2 semaphore(%arg33 : memref<!tpu.dma_semaphore, #tpu.memory_space<semaphore_mem>>) src(%arg21 : memref<256x32xf32, #tpu.memory_space<vmem>>) dst(%dma_wait3A_41 : memref<256x32xf32, #tpu.memory_space<hbm>>)
    %dma_wait3A_42 = arith.constant 112 : i32
    %dma_wait3A_43 = tpu.memref_slice %arg10[%mul3A_30, %dma_wait3A_42] : memref<819200x176xf32, #tpu.memory_space<hbm>> -> memref<256x64xf32, #tpu.memory_space<hbm>>
    %dma_wait3A_44 = arith.constant 112 : i32
    %dma_wait3A_45 = tpu.memref_slice %arg10[%mul3A_30, %dma_wait3A_44] : memref<819200x176xf32, #tpu.memory_space<hbm>> -> memref<256x64xf32, #tpu.memory_space<hbm>>
    tpu.wait_dma2 semaphore(%arg33 : memref<!tpu.dma_semaphore, #tpu.memory_space<semaphore_mem>>) src(%arg22 : memref<256x64xf32, #tpu.memory_space<vmem>>) dst(%dma_wait3A_45 : memref<256x64xf32, #tpu.memory_space<hbm>>)
    %add3A_46 = arith.constant 99 : i32
    %add3A_47 = arith.addi %mul3A_2, %add3A_46 : i32
    %mul3A_48 = arith.constant 256 : i32
    %mul3A_49 = arith.muli %add3A_47, %mul3A_48 : i32
    %dma_wait3A_50 = arith.constant 0 : i32
    %dma_wait3A_51 = tpu.memref_slice %arg10[%mul3A_49, %dma_wait3A_50] : memref<819200x176xf32, #tpu.memory_space<hbm>> -> memref<256x64xf32, #tpu.memory_space<hbm>>
    %dma_wait3A_52 = arith.constant 0 : i32
    %dma_wait3A_53 = tpu.memref_slice %arg10[%mul3A_49, %dma_wait3A_52] : memref<819200x176xf32, #tpu.memory_space<hbm>> -> memref<256x64xf32, #tpu.memory_space<hbm>>
    tpu.wait_dma2 semaphore(%arg34 : memref<!tpu.dma_semaphore, #tpu.memory_space<semaphore_mem>>) src(%arg23 : memref<256x64xf32, #tpu.memory_space<vmem>>) dst(%dma_wait3A_53 : memref<256x64xf32, #tpu.memory_space<hbm>>)
    %dma_wait3A_54 = arith.constant 64 : i32
    %dma_wait3A_55 = tpu.memref_slice %arg10[%mul3A_49, %dma_wait3A_54] : memref<819200x176xf32, #tpu.memory_space<hbm>> -> memref<256x16xf32, #tpu.memory_space<hbm>>
    %dma_wait3A_56 = arith.constant 64 : i32
    %dma_wait3A_57 = tpu.memref_slice %arg10[%mul3A_49, %dma_wait3A_56] : memref<819200x176xf32, #tpu.memory_space<hbm>> -> memref<256x16xf32, #tpu.memory_space<hbm>>
    tpu.wait_dma2 semaphore(%arg34 : memref<!tpu.dma_semaphore, #tpu.memory_space<semaphore_mem>>) src(%arg24 : memref<256x16xf32, #tpu.memory_space<vmem>>) dst(%dma_wait3A_57 : memref<256x16xf32, #tpu.memory_space<hbm>>)
    %dma_wait3A_58 = arith.constant 80 : i32
    %dma_wait3A_59 = tpu.memref_slice %arg10[%mul3A_49, %dma_wait3A_58] : memref<819200x176xf32, #tpu.memory_space<hbm>> -> memref<256x32xf32, #tpu.memory_space<hbm>>
    %dma_wait3A_60 = arith.constant 80 : i32
    %dma_wait3A_61 = tpu.memref_slice %arg10[%mul3A_49, %dma_wait3A_60] : memref<819200x176xf32, #tpu.memory_space<hbm>> -> memref<256x32xf32, #tpu.memory_space<hbm>>
    tpu.wait_dma2 semaphore(%arg34 : memref<!tpu.dma_semaphore, #tpu.memory_space<semaphore_mem>>) src(%arg25 : memref<256x32xf32, #tpu.memory_space<vmem>>) dst(%dma_wait3A_61 : memref<256x32xf32, #tpu.memory_space<hbm>>)
    %dma_wait3A_62 = arith.constant 112 : i32
    %dma_wait3A_63 = tpu.memref_slice %arg10[%mul3A_49, %dma_wait3A_62] : memref<819200x176xf32, #tpu.memory_space<hbm>> -> memref<256x64xf32, #tpu.memory_space<hbm>>
    %dma_wait3A_64 = arith.constant 112 : i32
    %dma_wait3A_65 = tpu.memref_slice %arg10[%mul3A_49, %dma_wait3A_64] : memref<819200x176xf32, #tpu.memory_space<hbm>> -> memref<256x64xf32, #tpu.memory_space<hbm>>
    tpu.wait_dma2 semaphore(%arg34 : memref<!tpu.dma_semaphore, #tpu.memory_space<semaphore_mem>>) src(%arg26 : memref<256x64xf32, #tpu.memory_space<vmem>>) dst(%dma_wait3A_65 : memref<256x64xf32, #tpu.memory_space<hbm>>)
    return
  }
}

</mosaic_0001>

<sc_bundles>
// kernel: kernel.3.cloned.1.call-start
scs
__scs_entry_jumppad:
0x0: {  	(pc) =	sbr.rel $0x88, $3  }
0x1: {  	(tag) =	ssettag $0x0;
	lr =	simm.s32 $0x1  }
0x2: {  	[smem:$0x3F99] =	sst lr;
	_ =	strace $0xD0000000  }
0x3: {  	_ = 	snop  }
0x4: {  	_ = 	snop  }
0x5: {  	_ = 	snop  }
0x6: {  	_ = 	snop  }
0x7: {  	_ = 	snop  }
__scs_overlays_trampoline_lowered:
0x8: {  	[smem:$0x3FA8] =	sst s0  }
0x9: {  	[smem:$0x3FA9] =	sst s1  }
0xa: {  	[smem:$0x3FAA] =	sst s2  }
0xb: {  	[smem:$0x3FAB] =	sst s3  }
0xc: {  	[smem:$0x3FAC] =	sst s4  }
0xd: {  	[smem:$0x3FAD] =	sst s5  }
0xe: {  	[smem:$0x3FAE] =	sst s6  }
0xf: {  	[smem:$0x3FAF] =	sst s7  }
0x10: {  	[smem:$0x3FB0] =	sst s8  }
0x11: {  	[smem:$0x3FB1] =	sst s9;
	s0 =	simm.s32 @!p0 $0x0  }
0x12: {  	s1 =	sld [smem:$0x3F97];
	s0 =	simm.s32 @p0 $0x1  }
0x13: {  	[smem:$0x3FB2] =	sst s0;
	s0 =	simm.s32 @!p1 $0x0  }
0x14: {  	s2 =	sld [smem:$0x3F96];
	s0 =	simm.s32 @p1 $0x1  }
0x15: {  	[smem:$0x3FB3] =	sst s0;
	s0 =	simm.s32 @!p2 $0x0  }
0x16: {  	s3 =	sld [smem:$0x3FDB];
	s0 =	simm.s32 @p2 $0x1  }
0x17: {  	s4 =	simm.s32 $0x1BF5;
	[smem:$0x3FB5] =	sst s0  }
0x18: {  	s0 =	sld [smem:$0x3F98];
	_ =	swait.ge [sflag:s4], $0x0  }
0x19: {  	s7 =	sld [smem:$0x3F99]  }
0x1a: {  	s8 =	sadd.s32 $0xFFFFE003, lr  }
0x1b: {  	s9 =	sadd.s32 $0xFFFFFEF7, lr;
	s5 =	simm.s32 $0xFFFFFFFF;
	p2 =	slt.u32 s8, $0xFFFFF086  }
0x1c: {  	p1 =	slt.u32 s9, $0xF7A;
	s5 =	simm.s32 @!p2 $0x0  }
0x1d: {  	s5 =	simm.s32 @p1 $0x1;
	p0 =	seq.s32 s7, s2  }
0x1e: {  	s7 =	smul.u32 @!p0 $0xF7A, s2;
	p2 =	seq.s32 @!p0 s5, $0x0  }
0x1f: {  	s9 =	smul.u32 $0xF7A, s1;
	s8 =	simm.s32 @!p0 $0x1BF5;
	p2 =	por !p2, p0  }
0x20: {  	[sflag:s8] =	ssyncset.s32 @!p0 $0xFFFFF086;
	s6 =	sadd.s32 @!p0 s3, s7;
	s7 =	simm.s32 @!p0 $0x108  }
0x21: {  	s3 =	sadd.s32 s3, s9;
	s6 =	sadd.s32 @!p0 $0x88, s6;
	s7 =	simm.s32 @p2 $0x1082  }
0x22: {  	[simem:s7], [sflag:s8] =	dma.local @!p0 [hbm:s6], $0xF7A  }
0x23: {  	s9 =	sor.u32 $0xD0000000, s2;
	s6 =	simm.s32 $0x108;
	_ =	swait.ge @!p0 [sflag:s8], $0x0  }
0x24: {  	s3 =	sadd.s32 $0x88, s3;
	s6 =	simm.s32 @!p1 $0x1082;
	[sflag:s4] =	ssyncset.s32 $0xFFFFF086  }
0x25: {  	[simem:s6], [sflag:s4] =	dma.local [hbm:s3], $0xF7A  }
0x26: {  	[smem:$0x3F99] =	sst s1;
	(tag) =	ssettag s2;
	_ =	strace s9  }
0x27: {  	s1 =	sld [smem:$0x3FA9]  }
0x28: {  	s2 =	sld [smem:$0x3FAA]  }
0x29: {  	s4 =	sld [smem:$0x3FAC]  }
0x2a: {  	p0 =	seq.s32 s5, $0x0;
	s5 =	sld [smem:$0x3FAD]  }
0x2b: {  	s6 =	sld [smem:$0x3FAE]  }
0x2c: {  	s7 =	sld [smem:$0x3FAF]  }
0x2d: {  	s3 =	simm.s32 $0x108;
	s8 =	sld [smem:$0x3FB0]  }
0x2e: {  	s3 =	simm.s32 @!p0 $0x1082;
	s9 =	sld [smem:$0x3FB1]  }
0x2f: {  	lr =	sadd.s32 s0, s3;
	s0 =	sld [smem:$0x3FA8]  }
0x30: {  	s3 =	sld [smem:$0x3FAB]  }
0x31: {  	[smem:$0x3FB4] =	sst s10  }
0x32: {  	s10 =	sld [smem:$0x3FB2];
	_ =	sdelay $0x3  }
0x33: {  	p0 =	seq.s32 s10, $0x1;
	s10 =	sld [smem:$0x3FB4];
	_ =	sdelay $0x3  }
0x34: {  	[smem:$0x3FB4] =	sst s10  }
0x35: {  	s10 =	sld [smem:$0x3FB3];
	_ =	sdelay $0x3  }
0x36: {  	p1 =	seq.s32 s10, $0x1;
	s10 =	sld [smem:$0x3FB4];
	_ =	sdelay $0x3  }
0x37: {  	[smem:$0x3FB4] =	sst s10  }
0x38: {  	s10 =	sld [smem:$0x3FB5]  }
0x39: {  	_ = 	snop;
	(pc) =	sbr.ind lr, $3  }
0x3a: {  	_ = 	snop  }
0x3b: {  	_ = 	snop  }
0x3c: {  	p2 =	seq.s32 s10, $0x1;
	s10 =	sld [smem:$0x3FB4]  }
0x3d: {  	_ =	shalt  }
0x3e: {  	_ =	shalt  }
0x3f: {  	_ =	shalt  }
0x40: {  	_ =	shalt  }
0x41: {  	_ =	shalt  }
0x42: {  	_ =	shalt  }
0x43: {  	_ =	shalt  }
0x44: {  	_ =	shalt  }
0x45: {  	_ =	shalt  }
0x46: {  	_ =	shalt  }
0x47: {  	_ =	shalt  }
0x48: {  	_ =	shalt  }
0x49: {  	_ =	shalt  }
0x4a: {  	_ =	shalt  }
0x4b: {  	_ =	shalt  }
0x4c: {  	_ =	shalt  }
0x4d: {  	_ =	shalt  }
0x4e: {  	_ =	shalt  }
0x4f: {  	_ =	shalt  }
0x50: {  	_ =	shalt  }
0x51: {  	_ =	shalt  }
0x52: {  	_ =	shalt  }
0x53: {  	_ =	shalt  }
0x54: {  	_ =	shalt  }
0x55: {  	_ =	shalt  }
0x56: {  	_ =	shalt  }
0x57: {  	_ =	shalt  }
0x58: {  	_ =	shalt  }
0x59: {  	_ =	shalt  }
0x5a: {  	_ =	shalt  }
0x5b: {  	_ =	shalt  }
0x5c: {  	_ =	shalt  }
0x5d: {  	_ =	shalt  }
0x5e: {  	_ =	shalt  }
0x5f: {  	_ =	shalt  }
0x60: {  	_ =	shalt  }
0x61: {  	_ =	shalt  }
0x62: {  	_ =	shalt  }
0x63: {  	_ =	shalt  }
0x64: {  	_ =	shalt  }
0x65: {  	_ =	shalt  }
0x66: {  	_ =	shalt  }
0x67: {  	_ =	shalt  }
0x68: {  	_ =	shalt  }
0x69: {  	_ =	shalt  }
0x6a: {  	_ =	shalt  }
0x6b: {  	_ =	shalt  }
0x6c: {  	_ =	shalt  }
0x6d: {  	_ =	shalt  }
0x6e: {  	_ =	shalt  }
0x6f: {  	_ =	shalt  }
0x70: {  	_ =	shalt  }
0x71: {  	_ =	shalt  }
0x72: {  	_ =	shalt  }
0x73: {  	_ =	shalt  }
0x74: {  	_ =	shalt  }
0x75: {  	_ =	shalt  }
0x76: {  	_ =	shalt  }
0x77: {  	_ =	shalt  }
0x78: {  	_ =	shalt  }
0x79: {  	_ =	shalt  }
0x7a: {  	_ =	shalt  }
0x7b: {  	_ =	shalt  }
0x7c: {  	_ =	shalt  }
0x7d: {  	_ =	shalt  }
0x7e: {  	_ =	shalt  }
0x7f: {  	_ =	shalt  }
0x80: {  	_ =	shalt  }
0x81: {  	_ =	shalt  }
0x82: {  	_ =	shalt  }
0x83: {  	_ =	shalt  }
0x84: {  	_ =	shalt  }
0x85: {  	_ =	shalt  }
0x86: {  	_ =	shalt  }
0x87: {  	_ =	shalt  }
.Lfunc_end0:
.L_simem_size_0:
called_computation.1_lowered:
.L_overlay_start_0:
0x88: {  	s2 =	sld [smem:$0x3FD9]  }
0x89: {  	s3 =	sld [smem:$0x3FFE];
	_ =	sdelay $0x1  }
0x8a: {  	s1 =	srdreg.scid  }
0x8b: {  	s0 =	sand.u32 $0x1, s1  }
0x8c: {  	s17 =	sshll.u32 s0, $0xA;
	s2 =	sadd.s32 s3, s2  }
0x8d: {  	s2 =	sadd.s32 s2, s17  }
0x8e: {  	[smem:$0x3FC0] =	sst s2  }
0x8f: {  	_ = 	snop  }
0x90: {  	s2 =	sld [smem:$0x3FD0];
	(tm) =	ssettm $0x1  }
0x91: {  	s18 =	sld [smem:$0x3FFB];
	_ =	sdelay $0x3  }
0x92: {  	_ =	strace s18  }
0x93: {  	s3 =	sld [smem:$0x3FFC];
	_ =	sdelay $0x3  }
0x94: {  	_ =	strace s3  }
0x95: {  	s3 =	sld [smem:$0x3FFD];
	_ =	sdelay $0x3  }
0x96: {  	_ =	strace s3  }
0x97: {  	_ =	strace $0x8FFFFFFF  }
0x98: {  	s19 =	sld [smem:$0x3FDB];
	_ =	sdelay $0x1  }
0x99: {  	s4 =	simm.s32 $_scs_section_size  }
0x9a: {  	s5 =	simm.s32 $_size__tile_overlayer_lowered;
	s6 =	simm.s32 $_tile_overlayer_lowered  }
0x9b: {  	s22 =	simm.s32 $0x1BFF;
	s21 =	sshll.u32 s6, $0x1;
	s3 =	sadd.s32 s4, s19  }
0x9c: {  	s7 =	simm.s32 $0x0;
	s20 =	sshll.u32 s5, $0x1;
	s5 =	sadd.s32 s21, s3  }
0x9d: {  	[timem:s7], [sflag:s22] =	dma.local [hbm:s5], s20  }
0x9e: {  	_ =	swait.ge [sflag:s22], s20  }
0x9f: {  	s4 =	ssub.s32 $0x0, s20;
	[sflag:s22] =	ssyncset.done $0x0  }
0xa0: {  	[sflag:s22] =	ssyncadd.s32 s4;
	_ =	sdelay $0x1  }
0xa1: {  	s23 =	simm.s32 $0x1B8B  }
0xa2: {  	_ =	swait.ge [sflag:s23], $0x1  }
0xa3: {  	[sflag:s23] =	ssyncset.done $0x0  }
0xa4: {  	s25 =	simm.s32 $0x1B8E;
	s24 =	sld [smem:$0x3FFE];
	[sflag:s23] =	ssyncadd.s32 $0xFFFFFFFF  }
0xa5: {  	s26 =	simm.s32 $execute0_lowered;
	[smem:$0x3FD2] =	sst s25  }
0xa6: {  	s5 =	sshll.u32 s26, $0x1;
	_ =	strace $0x80000046;
	[dreg:$0x1] =	wrdreg $0xFFFFFFFF  }
0xa7: {  	s28 =	simm.s32 $_size_execute0_lowered;
	s3 =	sadd.s32 s3, s5;
	[dreg:$0x0] =	wrdreg $0x0  }
0xa8: {  	s5 =	sshll.u32 s28, $0x1;
	[dreg:$0x2] =	wrdreg s3  }
0xa9: {  	[dreg:$0x3] =	wrdreg s5  }
0xaa: {  	[dreg:$0x4] =	wrdreg $0xC0  }
0xab: {  	_ =	task [dreg:s7], $0x5FFFF  }
0xac: {  	[dreg:$0x1] =	wrdreg $0xFFFFFFFF  }
0xad: {  	[dreg:$0x0] =	wrdreg $0x60  }
0xae: {  	[dreg:$0x2] =	wrdreg s24  }
0xaf: {  	[dreg:$0x3] =	wrdreg s2  }
0xb0: {  	[dreg:$0x4] =	wrdreg $0x9  }
0xb1: {  	_ =	task.clear_ibuf [dreg:s7], $0x5FFFF;
	_ =	strace $0x90000046  }
0xb2: {  	s29 =	simm.s32 $0x9;
	_ =	strace $0x80000048  }
0xb3: {  	_ =	swait.ge [sflag:s29], $0x1  }
0xb4: {  	[sflag:s29] =	ssyncadd.s32 $0xFFFFFFFF  }
0xb5: {  	_ =	strace $0x90000048  }
0xb6: {  	_ =	sfence  }
0xb7: {  	s30 =	sld [smem:$0x0];
	_ =	sdelay $0x2  }
0xb8: {  	s31 =	sshll.u32 s1, $0xD;
	s1 =	sshrl.u32 s1, $0x2  }
0xb9: {  	s3 =	sand.u32 $0x4000, s31;
	s1 =	sadd.s32 s1, s30  }
0xba: {  	s0 =	sor.u32 s3, s0;
	s1 =	sshll.u32 s1, $0x11  }
0xbb: {  	s0 =	sor.u32 s1, s0  }
0xbc: {  	s0 =	sadd.s32 $0x8F2B, s0  }
0xbd: {  	[sflag:s0] =	ssyncadd.remote.s32 $0x1  }
0xbe: {  	_ =	sfence.sel $0xFFFF  }
0xbf: {  	[dreg:$0x0] =	wrdreg $0xFFFFFFFF;
	(pc) =	sbr.abs _section_cstart, $3  }
0xc0: {  	[dreg:$0x1] =	wrdreg $0xFFFFFFFF  }
0xc1: {  	_ =	task.clear_ibuf [dreg:s7], $0x2FFFF;
	_ =	strace $0x9FFFFFFF  }
0xc2: {  	(tm) =	ssettm $0x7FFFFFFF  }
0xc3: {  	_ =	shalt  }
tec
execute0_lowered:
.L_overlay_start_1:
0x0: {  	(tag) =	ssettag $0x1  }
0x1: {  	s0 =	rddreg [dreg:$0x0]  }
0x2: {  	s25 =	rddreg [dreg:$0x1];
	s1 =	simm.s32 $0x0  }
0x3: {  	s19 =	srdreg.scid;
	s2 =	stileid.u32;
	s29 =	simm.s32 $0x1  }
0x4: {  	s30 =	simm.s32 $0x80;
	s15 =	simm.s32 $0x4800;
	s16 =	simm.s32 $0x5800  }
0x5: {  	s28 =	simm.s32 $0xF800;
	[smem:$0x7FF] =	sst s1;
	s4 =	sadd.s32 $0x3400, s0  }
0x6: {  	s5 =	sadd.s32 $0x35400, s0;
	s6 =	sadd.s32 $0x4E400, s0;
	s1 =	sand.u32 $0x1, s19  }
0x7: {  	s2 =	sshll.u32 s2, $0x1;
	s7 =	sadd.s32 $0x1C400, s0;
	s8 =	sadd.s32 $0x67400, s0  }
0x8: {  	s3 =	sadd.s32 $0x2A00, s0;
	s9 =	sadd.s32 $0x2C00, s0;
	s11 =	sadd.s32 $0x12AA00, s0  }
0x9: {  	s17 =	sadd.s32 $0x8, s25;
	s18 =	sadd.s32 $0xA, s25;
	s2 =	sor.u32 s1, s2  }
0xa: {  	_ =	strace $0x80000047;
	[dreg:$0x3] =	wrdreg s3;
	s20 =	smul.u32 $0xC80, s2  }
0xb: {  	s19 =	sadd.s32 $0xE, s25;
	s1 =	ssub.s32 $0x2, s1;
	[dreg:$0x4] =	wrdreg s9  }
0xc: {  	s9 =	simm.s32 $0x0;
	s21 =	sshrl.u32 s1, $0x1;
	s22 =	sadd.s32 s4, s20  }
0xd: {  	s12 =	smul.u32 $0x64, s2;
	s23 =	sadd.s32 s5, s20;
	[dreg:$0x5] =	wrdreg s22  }
0xe: {  	s2 =	simm.s32 $0x40;
	s24 =	sadd.s32 s6, s20;
	[dreg:$0x6] =	wrdreg s23  }
0xf: {  	s0 =	ssub.s32 s1, s21;
	s26 =	sadd.s32 s7, s20;
	[dreg:$0x7] =	wrdreg s24  }
0x10: {  	s21 =	simm.s32 $0x3;
	s31 =	sor.u32 $0x2, s12;
	[dreg:$0x8] =	wrdreg s26  }
0x11: {  	s1 =	simm.s32 $0x10800;
	s0 =	smax.u32 s0, $0x1;
	[dreg:$0x9] =	wrdreg s31  }
0x12: {  	s20 =	simm.s32 $0x4;
	[dreg:$0xa] =	wrdreg s0;
	s22 =	simm.s32 $0x16800  }
0x13: {  	v0 =	vlaneseq.u32;
	s24 =	simm.s32 $0x16880;
	s23 =	simm.s32 $0xB0;
	s26 =	simm.s32 $0x2  }
.LBB2_1:
0x14: {  	[dreg:$0xb] =	wrdreg s9  }
0x15: {  	s0 =	simm.s32 $0x0;
	s3 =	rddreg [dreg:$0x3];
	s13 =	simm.s32 $0x7  }
0x16: {  	[tilespmem:s22], [sflag:$0x7] =	stream.linear.gather [hbm4b:s3+s0], $0x80, $0x38;
	[tilespmem:$0x1A880] =	vst v63  }
0x17: {  	_ =	swait.ge [sflag:s13], $0x80  }
0x18: {  	[sflag:s13] =	ssyncset.done $0x0  }
0x19: {  	s14 =	rddreg [dreg:$0x4];
	[sflag:s13] =	ssyncadd.s32 $0xFFFFFF80  }
0x1a: {  	[tilespmem:s24], [sflag:$0x7] =	stream.linear.gather [hbm4b:s14+s0], $0x4000, $0x38;
	[tilespmem:$0x1A880] =	vst v63  }
0x1b: {  	_ =	swait.ge [sflag:s13], $0x4000  }
0x1c: {  	[sflag:s13] =	ssyncset.done $0x0  }
0x1d: {  	s10 =	rddreg [dreg:$0x5];
	[sflag:s13] =	ssyncadd.s32 $0xFFFFC000  }
0x1e: {  	[tilespmem:s0], [sflag:$0x1] =	stream.linear.gather [hbm4b:s10+s0], $0x100, $0x38;
	[tilespmem:$0x1A880] =	vst v63  }
0x1f: {  	s14 =	simm.s32 $0x100;
	s13 =	rddreg [dreg:$0x6]  }
0x20: {  	[tilespmem:s14], [sflag:$0x1] =	stream.linear.gather [hbm4b:s13+s0], $0x100, $0x38;
	[tilespmem:$0x1A880] =	vst v63  }
0x21: {  	s9 =	rddreg [dreg:$0x7];
	s10 =	simm.s32 $0x200  }
0x22: {  	[tilespmem:s10], [sflag:$0x1] =	stream.linear.gather [hbm4b:s9+s0], $0x100, $0x38;
	[tilespmem:$0x1A880] =	vst v63  }
0x23: {  	s31 =	simm.s32 $0x0;
	s13 =	rddreg [dreg:$0x8];
	s14 =	simm.s32 $0x300  }
0x24: {  	[tilespmem:s14], [sflag:$0x1] =	stream.linear.gather [hbm4b:s13+s0], $0x100, $0x38;
	[tilespmem:$0x1A880] =	vst v63  }
.LBB2_2:
0x25: {  	_ =	swait.ge [sflag:s29], $0x100  }
0x26: {  	[sflag:s29] =	ssyncset.done $0x0  }
0x27: {  	[sflag:s29] =	ssyncadd.s32 $0xFFFFFF00  }
0x28: {  	_ =	swait.ge [sflag:s29], $0x100  }
0x29: {  	[sflag:s29] =	ssyncset.done $0x0  }
0x2a: {  	[sflag:s29] =	ssyncadd.s32 $0xFFFFFF00  }
0x2b: {  	_ =	swait.ge [sflag:s29], $0x100  }
0x2c: {  	[sflag:s29] =	ssyncset.done $0x0  }
0x2d: {  	[sflag:s29] =	ssyncadd.s32 $0xFFFFFF00  }
0x2e: {  	_ =	swait.ge [sflag:s29], $0x100  }
0x2f: {  	p0 =	seq.s32 s31, $0x0;
	[sflag:s29] =	ssyncset.done $0x0  }
0x30: {  	s0 =	simm.s32 @!p0 $0x5;
	[sflag:s29] =	ssyncadd.s32 $0xFFFFFF00  }
0x31: {  	_ =	swait.ge @!p0 [sflag:s0], $0x4000  }
0x32: {  	[sflag:s0] =	ssyncset.done @!p0 $0x0  }
0x33: {  	[sflag:s0] =	ssyncadd.s32 @!p0 $0xFFFFC000  }
0x34: {  	_ =	swait.ge @!p0 [sflag:s0], $0x1000  }
0x35: {  	[sflag:s0] =	ssyncset.done @!p0 $0x0  }
0x36: {  	[sflag:s0] =	ssyncadd.s32 @!p0 $0xFFFFF000  }
0x37: {  	_ =	swait.ge @!p0 [sflag:s0], $0x2000  }
0x38: {  	[sflag:s0] =	ssyncset.done @!p0 $0x0  }
0x39: {  	[sflag:s0] =	ssyncadd.s32 @!p0 $0xFFFFE000  }
0x3a: {  	_ =	swait.ge @!p0 [sflag:s0], $0x4000  }
0x3b: {  	[sflag:s0] =	ssyncset.done @!p0 $0x0  }
0x3c: {  	s3 =	simm.s32 $0x0;
	s9 =	simm.s32 $0x800;
	[sflag:s0] =	ssyncadd.s32 @!p0 $0xFFFFC000  }
0x3d: {  	[tilespmem:s9], [sflag:$0x3] =	stream.indirect.gather [hbm4b:s8+s30], $0x40, s3, s30, $0xb8;
	[tilespmem:$0x1A880] =	vst v63  }
0x3e: {  	s10 =	simm.s32 $0x300;
	s9 =	simm.s32 $0x7800  }
0x3f: {  	[tilespmem:s9], [sflag:$0x3] =	stream.indirect.gather [hbm4b:s11+s30], $0x40, s10, s30, $0xb8;
	[tilespmem:$0x1A880] =	vst v63  }
0x40: {  	s13 =	smov.u32 s25;
	s14 =	simm.s32 $0x2800  }
0x41: {  	[tilespmem:s14], [sflag:$0x3] =	stream.indirect.gather [hbm4b:s8+s30], $0x40, s30, s30, $0xb8;
	[tilespmem:$0x1A880] =	vst v63  }
0x42: {  	s25 =	simm.s32 $0x380;
	s9 =	sshll.u32 s31, $0x1;
	s10 =	simm.s32 $0x9800  }
0x43: {  	[tilespmem:s10], [sflag:$0x3] =	stream.indirect.gather [hbm4b:s11+s30], $0x40, s25, s30, $0xb8;
	[tilespmem:$0x1A880] =	vst v63  }
0x44: {  	s10 =	sadd.s32 s9, s12  }
0x45: {  	s0 =	sadd.s32 $0x1, s10  }
0x46: {  	s14 =	sshll.u32 s0, $0x5  }
0x47: {  	s10 =	sand.u32 $0x1FFFFFE0, s14  }
0x48: {  	s25 =	simm.s32 $0x400;
	s14 =	sadd.s32 s4, s10  }
0x49: {  	[tilespmem:s25], [sflag:$0x2] =	stream.linear.gather [hbm4b:s14+s3], $0x100, $0x38;
	[tilespmem:$0x1A880] =	vst v63  }
0x4a: {  	s14 =	sadd.s32 s5, s10;
	s25 =	simm.s32 $0x500  }
0x4b: {  	[tilespmem:s25], [sflag:$0x2] =	stream.linear.gather [hbm4b:s14+s3], $0x100, $0x38;
	[tilespmem:$0x1A880] =	vst v63  }
0x4c: {  	s14 =	sadd.s32 s6, s10;
	s25 =	simm.s32 $0x600  }
0x4d: {  	[tilespmem:s25], [sflag:$0x2] =	stream.linear.gather [hbm4b:s14+s3], $0x100, $0x38;
	[tilespmem:$0x1A880] =	vst v63  }
0x4e: {  	s10 =	sadd.s32 s7, s10;
	s25 =	simm.s32 $0x700  }
0x4f: {  	[tilespmem:s25], [sflag:$0x2] =	stream.linear.gather [hbm4b:s10+s3], $0x100, $0x38;
	[tilespmem:$0x1A880] =	vst v63  }
0x50: {  	s14 =	sadd.s32 s12, s9;
	s25 =	simm.s32 $0x100;
	s10 =	simm.s32 $0x200  }
.LBB2_3:
0x51: {  	v1 =	vld [tilespmem:s25+$0x0];
	_ =	sdelay $0x4  }
0x52: {  	v1 =	vshll.u32 v1, $0x4;
	_ =	sdelay $0x3  }
0x53: {  	v2 =	vor.u32 s3, v0  }
0x54: {  	v4 =	vshll.u32 v2, $0x4;
	v3 =	vld.idx.msk [tilespmem:v1+s22+$0x0], $0xffff  }
0x55: {  	v5 =	vor.u32 $0x1, v1;
	_ =	sdelay $0x3  }
0x56: {  	v6 =	vld [tilespmem:s10+$0x0];
	[tilespmem:v4+s15+$0x0] =	vst.idx.msk $0xffff, v3  }
0x57: {  	v63 =	vor.u32 $0x1, v4;
	v3 =	vld.idx.msk [tilespmem:v5+s22+$0x0], $0xffff  }
0x58: {  	v7 =	vor.u32 $0x2, v1;
	_ =	sdelay $0x3  }
0x59: {  	[tilespmem:v63+s15+$0x0] =	vst.idx.msk $0xffff, v3  }
0x5a: {  	v9 =	vor.u32 $0x2, v4;
	v3 =	vld.idx.msk [tilespmem:v7+s22+$0x0], $0xffff  }
0x5b: {  	v10 =	vor.u32 $0x3, v1;
	_ =	sdelay $0x3  }
0x5c: {  	[tilespmem:v9+s15+$0x0] =	vst.idx.msk $0xffff, v3  }
0x5d: {  	v11 =	vor.u32 $0x3, v4;
	v3 =	vld.idx.msk [tilespmem:v10+s22+$0x0], $0xffff  }
0x5e: {  	v12 =	vor.u32 $0x4, v1;
	_ =	sdelay $0x3  }
0x5f: {  	[tilespmem:v11+s15+$0x0] =	vst.idx.msk $0xffff, v3  }
0x60: {  	v13 =	vor.u32 $0x4, v4;
	v3 =	vld.idx.msk [tilespmem:v12+s22+$0x0], $0xffff  }
0x61: {  	v14 =	vor.u32 $0x5, v1;
	_ =	sdelay $0x3  }
0x62: {  	[tilespmem:v13+s15+$0x0] =	vst.idx.msk $0xffff, v3  }
0x63: {  	v15 =	vor.u32 $0x5, v4;
	v3 =	vld.idx.msk [tilespmem:v14+s22+$0x0], $0xffff  }
0x64: {  	v16 =	vor.u32 $0x6, v1;
	_ =	sdelay $0x3  }
0x65: {  	[tilespmem:v15+s15+$0x0] =	vst.idx.msk $0xffff, v3  }
0x66: {  	v17 =	vor.u32 $0x6, v4;
	v3 =	vld.idx.msk [tilespmem:v16+s22+$0x0], $0xffff  }
0x67: {  	v18 =	vor.u32 $0x7, v1;
	_ =	sdelay $0x3  }
0x68: {  	[tilespmem:v17+s15+$0x0] =	vst.idx.msk $0xffff, v3  }
0x69: {  	v19 =	vor.u32 $0x7, v4;
	v3 =	vld.idx.msk [tilespmem:v18+s22+$0x0], $0xffff  }
0x6a: {  	v20 =	vor.u32 $0x8, v1;
	_ =	sdelay $0x3  }
0x6b: {  	[tilespmem:v19+s15+$0x0] =	vst.idx.msk $0xffff, v3  }
0x6c: {  	v21 =	vor.u32 $0x8, v4;
	v3 =	vld.idx.msk [tilespmem:v20+s22+$0x0], $0xffff  }
0x6d: {  	v22 =	vor.u32 $0x9, v1;
	_ =	sdelay $0x3  }
0x6e: {  	[tilespmem:v21+s15+$0x0] =	vst.idx.msk $0xffff, v3  }
0x6f: {  	v23 =	vor.u32 $0x9, v4;
	v3 =	vld.idx.msk [tilespmem:v22+s22+$0x0], $0xffff  }
0x70: {  	v24 =	vor.u32 $0xA, v1;
	_ =	sdelay $0x3  }
0x71: {  	[tilespmem:v23+s15+$0x0] =	vst.idx.msk $0xffff, v3  }
0x72: {  	v25 =	vor.u32 $0xA, v4;
	v3 =	vld.idx.msk [tilespmem:v24+s22+$0x0], $0xffff  }
0x73: {  	v26 =	vor.u32 $0xB, v1;
	_ =	sdelay $0x3  }
0x74: {  	[tilespmem:v25+s15+$0x0] =	vst.idx.msk $0xffff, v3  }
0x75: {  	v27 =	vor.u32 $0xB, v4;
	v3 =	vld.idx.msk [tilespmem:v26+s22+$0x0], $0xffff  }
0x76: {  	v28 =	vor.u32 $0xC, v1;
	_ =	sdelay $0x3  }
0x77: {  	[tilespmem:v27+s15+$0x0] =	vst.idx.msk $0xffff, v3  }
0x78: {  	v29 =	vor.u32 $0xC, v4;
	v3 =	vld.idx.msk [tilespmem:v28+s22+$0x0], $0xffff  }
0x79: {  	v30 =	vor.u32 $0xD, v1;
	_ =	sdelay $0x3  }
0x7a: {  	[tilespmem:v29+s15+$0x0] =	vst.idx.msk $0xffff, v3  }
0x7b: {  	v31 =	vor.u32 $0xD, v4;
	v3 =	vld.idx.msk [tilespmem:v30+s22+$0x0], $0xffff  }
0x7c: {  	v32 =	vor.u32 $0xE, v1;
	_ =	sdelay $0x3  }
0x7d: {  	[tilespmem:v31+s15+$0x0] =	vst.idx.msk $0xffff, v3  }
0x7e: {  	v33 =	vor.u32 $0xE, v4;
	v3 =	vld.idx.msk [tilespmem:v32+s22+$0x0], $0xffff  }
0x7f: {  	v1 =	vor.u32 $0xF, v1;
	_ =	sdelay $0x3  }
0x80: {  	[tilespmem:v33+s15+$0x0] =	vst.idx.msk $0xffff, v3  }
0x81: {  	v3 =	vor.u32 $0xF, v4;
	v1 =	vld.idx.msk [tilespmem:v1+s22+$0x0], $0xffff  }
0x82: {  	v34 =	vshll.u32 v6, $0x5;
	_ =	sdelay $0x3  }
0x83: {  	[tilespmem:v3+s15+$0x0] =	vst.idx.msk $0xffff, v1  }
0x84: {  	v2 =	vshll.u32 v2, $0x5;
	v1 =	vld.idx.msk [tilespmem:v34+s24+$0x0], $0xffff  }
0x85: {  	v3 =	vor.u32 $0x1, v34;
	_ =	sdelay $0x3  }
0x86: {  	[tilespmem:v2+s16+$0x0] =	vst.idx.msk $0xffff, v1  }
0x87: {  	v1 =	vld.idx.msk [tilespmem:v3+s24+$0x0], $0xffff;
	v3 =	vor.u32 $0x1, v2  }
0x88: {  	v35 =	vor.u32 $0x2, v34;
	_ =	sdelay $0x3  }
0x89: {  	[tilespmem:v3+s16+$0x0] =	vst.idx.msk $0xffff, v1  }
0x8a: {  	v3 =	vor.u32 $0x2, v2;
	v1 =	vld.idx.msk [tilespmem:v35+s24+$0x0], $0xffff  }
0x8b: {  	v36 =	vor.u32 $0x3, v34;
	_ =	sdelay $0x3  }
0x8c: {  	[tilespmem:v3+s16+$0x0] =	vst.idx.msk $0xffff, v1  }
0x8d: {  	v3 =	vor.u32 $0x3, v2;
	v1 =	vld.idx.msk [tilespmem:v36+s24+$0x0], $0xffff  }
0x8e: {  	v37 =	vor.u32 $0x4, v34;
	_ =	sdelay $0x3  }
0x8f: {  	[tilespmem:v3+s16+$0x0] =	vst.idx.msk $0xffff, v1  }
0x90: {  	v3 =	vor.u32 $0x4, v2;
	v1 =	vld.idx.msk [tilespmem:v37+s24+$0x0], $0xffff  }
0x91: {  	v38 =	vor.u32 $0x5, v34;
	_ =	sdelay $0x3  }
0x92: {  	[tilespmem:v3+s16+$0x0] =	vst.idx.msk $0xffff, v1  }
0x93: {  	v3 =	vor.u32 $0x5, v2;
	v1 =	vld.idx.msk [tilespmem:v38+s24+$0x0], $0xffff  }
0x94: {  	v39 =	vor.u32 $0x6, v34;
	_ =	sdelay $0x3  }
0x95: {  	[tilespmem:v3+s16+$0x0] =	vst.idx.msk $0xffff, v1  }
0x96: {  	v3 =	vor.u32 $0x6, v2;
	v1 =	vld.idx.msk [tilespmem:v39+s24+$0x0], $0xffff  }
0x97: {  	v40 =	vor.u32 $0x7, v34;
	_ =	sdelay $0x3  }
0x98: {  	[tilespmem:v3+s16+$0x0] =	vst.idx.msk $0xffff, v1  }
0x99: {  	v3 =	vor.u32 $0x7, v2;
	v1 =	vld.idx.msk [tilespmem:v40+s24+$0x0], $0xffff  }
0x9a: {  	v41 =	vor.u32 $0x8, v34;
	_ =	sdelay $0x3  }
0x9b: {  	[tilespmem:v3+s16+$0x0] =	vst.idx.msk $0xffff, v1  }
0x9c: {  	v3 =	vor.u32 $0x8, v2;
	v1 =	vld.idx.msk [tilespmem:v41+s24+$0x0], $0xffff  }
0x9d: {  	v42 =	vor.u32 $0x9, v34;
	_ =	sdelay $0x3  }
0x9e: {  	[tilespmem:v3+s16+$0x0] =	vst.idx.msk $0xffff, v1  }
0x9f: {  	v3 =	vor.u32 $0x9, v2;
	v1 =	vld.idx.msk [tilespmem:v42+s24+$0x0], $0xffff  }
0xa0: {  	v43 =	vor.u32 $0xA, v34;
	_ =	sdelay $0x3  }
0xa1: {  	[tilespmem:v3+s16+$0x0] =	vst.idx.msk $0xffff, v1  }
0xa2: {  	v3 =	vor.u32 $0xA, v2;
	v1 =	vld.idx.msk [tilespmem:v43+s24+$0x0], $0xffff  }
0xa3: {  	v44 =	vor.u32 $0xB, v34;
	_ =	sdelay $0x3  }
0xa4: {  	[tilespmem:v3+s16+$0x0] =	vst.idx.msk $0xffff, v1  }
0xa5: {  	v3 =	vor.u32 $0xB, v2;
	v1 =	vld.idx.msk [tilespmem:v44+s24+$0x0], $0xffff  }
0xa6: {  	v45 =	vor.u32 $0xC, v34;
	_ =	sdelay $0x3  }
0xa7: {  	[tilespmem:v3+s16+$0x0] =	vst.idx.msk $0xffff, v1  }
0xa8: {  	v3 =	vor.u32 $0xC, v2;
	v1 =	vld.idx.msk [tilespmem:v45+s24+$0x0], $0xffff  }
0xa9: {  	v46 =	vor.u32 $0xD, v34;
	_ =	sdelay $0x3  }
0xaa: {  	[tilespmem:v3+s16+$0x0] =	vst.idx.msk $0xffff, v1  }
0xab: {  	v3 =	vor.u32 $0xD, v2;
	v1 =	vld.idx.msk [tilespmem:v46+s24+$0x0], $0xffff  }
0xac: {  	v47 =	vor.u32 $0xE, v34;
	_ =	sdelay $0x3  }
0xad: {  	[tilespmem:v3+s16+$0x0] =	vst.idx.msk $0xffff, v1  }
0xae: {  	v3 =	vor.u32 $0xE, v2;
	v1 =	vld.idx.msk [tilespmem:v47+s24+$0x0], $0xffff  }
0xaf: {  	v48 =	vor.u32 $0xF, v34;
	_ =	sdelay $0x3  }
0xb0: {  	[tilespmem:v3+s16+$0x0] =	vst.idx.msk $0xffff, v1  }
0xb1: {  	v3 =	vor.u32 $0xF, v2;
	v1 =	vld.idx.msk [tilespmem:v48+s24+$0x0], $0xffff  }
0xb2: {  	v49 =	vor.u32 $0x10, v34;
	_ =	sdelay $0x3  }
0xb3: {  	[tilespmem:v3+s16+$0x0] =	vst.idx.msk $0xffff, v1  }
0xb4: {  	v3 =	vor.u32 $0x10, v2;
	v1 =	vld.idx.msk [tilespmem:v49+s24+$0x0], $0xffff  }
0xb5: {  	v50 =	vor.u32 $0x11, v34;
	_ =	sdelay $0x3  }
0xb6: {  	[tilespmem:v3+s16+$0x0] =	vst.idx.msk $0xffff, v1  }
0xb7: {  	v3 =	vor.u32 $0x11, v2;
	v1 =	vld.idx.msk [tilespmem:v50+s24+$0x0], $0xffff  }
0xb8: {  	v51 =	vor.u32 $0x12, v34;
	_ =	sdelay $0x3  }
0xb9: {  	[tilespmem:v3+s16+$0x0] =	vst.idx.msk $0xffff, v1  }
0xba: {  	v3 =	vor.u32 $0x12, v2;
	v1 =	vld.idx.msk [tilespmem:v51+s24+$0x0], $0xffff  }
0xbb: {  	v52 =	vor.u32 $0x13, v34;
	_ =	sdelay $0x3  }
0xbc: {  	[tilespmem:v3+s16+$0x0] =	vst.idx.msk $0xffff, v1  }
0xbd: {  	v3 =	vor.u32 $0x13, v2;
	v1 =	vld.idx.msk [tilespmem:v52+s24+$0x0], $0xffff  }
0xbe: {  	v53 =	vor.u32 $0x14, v34;
	_ =	sdelay $0x3  }
0xbf: {  	[tilespmem:v3+s16+$0x0] =	vst.idx.msk $0xffff, v1  }
0xc0: {  	v3 =	vor.u32 $0x14, v2;
	v1 =	vld.idx.msk [tilespmem:v53+s24+$0x0], $0xffff  }
0xc1: {  	v54 =	vor.u32 $0x15, v34;
	_ =	sdelay $0x3  }
0xc2: {  	[tilespmem:v3+s16+$0x0] =	vst.idx.msk $0xffff, v1  }
0xc3: {  	v3 =	vor.u32 $0x15, v2;
	v1 =	vld.idx.msk [tilespmem:v54+s24+$0x0], $0xffff  }
0xc4: {  	v55 =	vor.u32 $0x16, v34;
	_ =	sdelay $0x3  }
0xc5: {  	[tilespmem:v3+s16+$0x0] =	vst.idx.msk $0xffff, v1  }
0xc6: {  	v3 =	vor.u32 $0x16, v2;
	v1 =	vld.idx.msk [tilespmem:v55+s24+$0x0], $0xffff  }
0xc7: {  	v56 =	vor.u32 $0x17, v34;
	_ =	sdelay $0x3  }
0xc8: {  	[tilespmem:v3+s16+$0x0] =	vst.idx.msk $0xffff, v1  }
0xc9: {  	v3 =	vor.u32 $0x17, v2;
	v1 =	vld.idx.msk [tilespmem:v56+s24+$0x0], $0xffff  }
0xca: {  	v57 =	vor.u32 $0x18, v34;
	_ =	sdelay $0x3  }
0xcb: {  	[tilespmem:v3+s16+$0x0] =	vst.idx.msk $0xffff, v1  }
0xcc: {  	v3 =	vor.u32 $0x18, v2;
	v1 =	vld.idx.msk [tilespmem:v57+s24+$0x0], $0xffff  }
0xcd: {  	v58 =	vor.u32 $0x19, v34;
	_ =	sdelay $0x3  }
0xce: {  	[tilespmem:v3+s16+$0x0] =	vst.idx.msk $0xffff, v1  }
0xcf: {  	v3 =	vor.u32 $0x19, v2;
	v1 =	vld.idx.msk [tilespmem:v58+s24+$0x0], $0xffff  }
0xd0: {  	v59 =	vor.u32 $0x1A, v34;
	_ =	sdelay $0x3  }
0xd1: {  	[tilespmem:v3+s16+$0x0] =	vst.idx.msk $0xffff, v1  }
0xd2: {  	v3 =	vor.u32 $0x1A, v2;
	v1 =	vld.idx.msk [tilespmem:v59+s24+$0x0], $0xffff  }
0xd3: {  	v60 =	vor.u32 $0x1B, v34;
	_ =	sdelay $0x3  }
0xd4: {  	[tilespmem:v3+s16+$0x0] =	vst.idx.msk $0xffff, v1  }
0xd5: {  	v3 =	vor.u32 $0x1B, v2;
	v1 =	vld.idx.msk [tilespmem:v60+s24+$0x0], $0xffff  }
0xd6: {  	v61 =	vor.u32 $0x1C, v34;
	_ =	sdelay $0x3  }
0xd7: {  	[tilespmem:v3+s16+$0x0] =	vst.idx.msk $0xffff, v1  }
0xd8: {  	v3 =	vor.u32 $0x1C, v2;
	v1 =	vld.idx.msk [tilespmem:v61+s24+$0x0], $0xffff  }
0xd9: {  	v62 =	vor.u32 $0x1D, v34;
	_ =	sdelay $0x3  }
0xda: {  	[tilespmem:v3+s16+$0x0] =	vst.idx.msk $0xffff, v1  }
0xdb: {  	v3 =	vor.u32 $0x1D, v2;
	v1 =	vld.idx.msk [tilespmem:v62+s24+$0x0], $0xffff  }
0xdc: {  	v63 =	vor.u32 $0x1E, v34;
	_ =	sdelay $0x3  }
0xdd: {  	[tilespmem:v3+s16+$0x0] =	vst.idx.msk $0xffff, v1  }
0xde: {  	v3 =	vor.u32 $0x1E, v2;
	v1 =	vld.idx.msk [tilespmem:v63+s24+$0x0], $0xffff  }
0xdf: {  	v4 =	vor.u32 $0x1F, v34;
	_ =	sdelay $0x3  }
0xe0: {  	[tilespmem:v3+s16+$0x0] =	vst.idx.msk $0xffff, v1  }
0xe1: {  	p1 =	sne.s32 s3, $0x70;
	v2 =	vor.u32 $0x1F, v2;
	v1 =	vld.idx.msk [tilespmem:v4+s24+$0x0], $0xffff  }
.Ltmp0:
0xe2: {  	_ = 	snop;
	(pc) =	sbr.rel @p1 .LBB2_3-.Ltmp0, $2  }
0xe3: {  	_ =	sdelay $0x2  }
0xe4: {  	s25 =	sadd.s32 $0x10, s25;
	s10 =	sadd.s32 $0x10, s10;
	s3 =	sadd.s32 $0x10, s3;
	[tilespmem:v2+s16+$0x0] =	vst.idx.msk $0xffff, v1  }
0xe5: {  	s3 =	simm.s32 $0x80;
	s25 =	simm.s32 $0x180;
	s10 =	simm.s32 $0x280  }
.LBB2_5:
0xe6: {  	v1 =	vld [tilespmem:s25+$0x0];
	_ =	sdelay $0x4  }
0xe7: {  	v1 =	vshll.u32 v1, $0x4;
	_ =	sdelay $0x3  }
0xe8: {  	v2 =	vor.u32 s3, v0  }
0xe9: {  	v4 =	vshll.u32 v2, $0x4;
	v3 =	vld.idx.msk [tilespmem:v1+s22+$0x0], $0xffff  }
0xea: {  	v5 =	vor.u32 $0x1, v1;
	_ =	sdelay $0x3  }
0xeb: {  	v6 =	vld [tilespmem:s10+$0x0];
	[tilespmem:v4+s15+$0x0] =	vst.idx.msk $0xffff, v3  }
0xec: {  	v63 =	vor.u32 $0x1, v4;
	v3 =	vld.idx.msk [tilespmem:v5+s22+$0x0], $0xffff  }
0xed: {  	v7 =	vor.u32 $0x2, v1;
	_ =	sdelay $0x3  }
0xee: {  	[tilespmem:v63+s15+$0x0] =	vst.idx.msk $0xffff, v3  }
0xef: {  	v9 =	vor.u32 $0x2, v4;
	v3 =	vld.idx.msk [tilespmem:v7+s22+$0x0], $0xffff  }
0xf0: {  	v10 =	vor.u32 $0x3, v1;
	_ =	sdelay $0x3  }
0xf1: {  	[tilespmem:v9+s15+$0x0] =	vst.idx.msk $0xffff, v3  }
0xf2: {  	v11 =	vor.u32 $0x3, v4;
	v3 =	vld.idx.msk [tilespmem:v10+s22+$0x0], $0xffff  }
0xf3: {  	v12 =	vor.u32 $0x4, v1;
	_ =	sdelay $0x3  }
0xf4: {  	[tilespmem:v11+s15+$0x0] =	vst.idx.msk $0xffff, v3  }
0xf5: {  	v13 =	vor.u32 $0x4, v4;
	v3 =	vld.idx.msk [tilespmem:v12+s22+$0x0], $0xffff  }
0xf6: {  	v14 =	vor.u32 $0x5, v1;
	_ =	sdelay $0x3  }
0xf7: {  	[tilespmem:v13+s15+$0x0] =	vst.idx.msk $0xffff, v3  }
0xf8: {  	v15 =	vor.u32 $0x5, v4;
	v3 =	vld.idx.msk [tilespmem:v14+s22+$0x0], $0xffff  }
0xf9: {  	v16 =	vor.u32 $0x6, v1;
	_ =	sdelay $0x3  }
0xfa: {  	[tilespmem:v15+s15+$0x0] =	vst.idx.msk $0xffff, v3  }
0xfb: {  	v17 =	vor.u32 $0x6, v4;
	v3 =	vld.idx.msk [tilespmem:v16+s22+$0x0], $0xffff  }
0xfc: {  	v18 =	vor.u32 $0x7, v1;
	_ =	sdelay $0x3  }
0xfd: {  	[tilespmem:v17+s15+$0x0] =	vst.idx.msk $0xffff, v3  }
0xfe: {  	v19 =	vor.u32 $0x7, v4;
	v3 =	vld.idx.msk [tilespmem:v18+s22+$0x0], $0xffff  }
0xff: {  	v20 =	vor.u32 $0x8, v1;
	_ =	sdelay $0x3  }
0x100: {  	[tilespmem:v19+s15+$0x0] =	vst.idx.msk $0xffff, v3  }
0x101: {  	v21 =	vor.u32 $0x8, v4;
	v3 =	vld.idx.msk [tilespmem:v20+s22+$0x0], $0xffff  }
0x102: {  	v22 =	vor.u32 $0x9, v1;
	_ =	sdelay $0x3  }
0x103: {  	[tilespmem:v21+s15+$0x0] =	vst.idx.msk $0xffff, v3  }
0x104: {  	v23 =	vor.u32 $0x9, v4;
	v3 =	vld.idx.msk [tilespmem:v22+s22+$0x0], $0xffff  }
0x105: {  	v24 =	vor.u32 $0xA, v1;
	_ =	sdelay $0x3  }
0x106: {  	[tilespmem:v23+s15+$0x0] =	vst.idx.msk $0xffff, v3  }
0x107: {  	v25 =	vor.u32 $0xA, v4;
	v3 =	vld.idx.msk [tilespmem:v24+s22+$0x0], $0xffff  }
0x108: {  	v26 =	vor.u32 $0xB, v1;
	_ =	sdelay $0x3  }
0x109: {  	[tilespmem:v25+s15+$0x0] =	vst.idx.msk $0xffff, v3  }
0x10a: {  	v27 =	vor.u32 $0xB, v4;
	v3 =	vld.idx.msk [tilespmem:v26+s22+$0x0], $0xffff  }
0x10b: {  	v28 =	vor.u32 $0xC, v1;
	_ =	sdelay $0x3  }
0x10c: {  	[tilespmem:v27+s15+$0x0] =	vst.idx.msk $0xffff, v3  }
0x10d: {  	v29 =	vor.u32 $0xC, v4;
	v3 =	vld.idx.msk [tilespmem:v28+s22+$0x0], $0xffff  }
0x10e: {  	v30 =	vor.u32 $0xD, v1;
	_ =	sdelay $0x3  }
0x10f: {  	[tilespmem:v29+s15+$0x0] =	vst.idx.msk $0xffff, v3  }
0x110: {  	v31 =	vor.u32 $0xD, v4;
	v3 =	vld.idx.msk [tilespmem:v30+s22+$0x0], $0xffff  }
0x111: {  	v32 =	vor.u32 $0xE, v1;
	_ =	sdelay $0x3  }
0x112: {  	[tilespmem:v31+s15+$0x0] =	vst.idx.msk $0xffff, v3  }
0x113: {  	v33 =	vor.u32 $0xE, v4;
	v3 =	vld.idx.msk [tilespmem:v32+s22+$0x0], $0xffff  }
0x114: {  	v1 =	vor.u32 $0xF, v1;
	_ =	sdelay $0x3  }
0x115: {  	[tilespmem:v33+s15+$0x0] =	vst.idx.msk $0xffff, v3  }
0x116: {  	v3 =	vor.u32 $0xF, v4;
	v1 =	vld.idx.msk [tilespmem:v1+s22+$0x0], $0xffff  }
0x117: {  	v34 =	vshll.u32 v6, $0x5;
	_ =	sdelay $0x3  }
0x118: {  	[tilespmem:v3+s15+$0x0] =	vst.idx.msk $0xffff, v1  }
0x119: {  	v2 =	vshll.u32 v2, $0x5;
	v1 =	vld.idx.msk [tilespmem:v34+s24+$0x0], $0xffff  }
0x11a: {  	v3 =	vor.u32 $0x1, v34;
	_ =	sdelay $0x3  }
0x11b: {  	[tilespmem:v2+s16+$0x0] =	vst.idx.msk $0xffff, v1  }
0x11c: {  	v1 =	vld.idx.msk [tilespmem:v3+s24+$0x0], $0xffff;
	v3 =	vor.u32 $0x1, v2  }
0x11d: {  	v35 =	vor.u32 $0x2, v34;
	_ =	sdelay $0x3  }
0x11e: {  	[tilespmem:v3+s16+$0x0] =	vst.idx.msk $0xffff, v1  }
0x11f: {  	v3 =	vor.u32 $0x2, v2;
	v1 =	vld.idx.msk [tilespmem:v35+s24+$0x0], $0xffff  }
0x120: {  	v36 =	vor.u32 $0x3, v34;
	_ =	sdelay $0x3  }
0x121: {  	[tilespmem:v3+s16+$0x0] =	vst.idx.msk $0xffff, v1  }
0x122: {  	v3 =	vor.u32 $0x3, v2;
	v1 =	vld.idx.msk [tilespmem:v36+s24+$0x0], $0xffff  }
0x123: {  	v37 =	vor.u32 $0x4, v34;
	_ =	sdelay $0x3  }
0x124: {  	[tilespmem:v3+s16+$0x0] =	vst.idx.msk $0xffff, v1  }
0x125: {  	v3 =	vor.u32 $0x4, v2;
	v1 =	vld.idx.msk [tilespmem:v37+s24+$0x0], $0xffff  }
0x126: {  	v38 =	vor.u32 $0x5, v34;
	_ =	sdelay $0x3  }
0x127: {  	[tilespmem:v3+s16+$0x0] =	vst.idx.msk $0xffff, v1  }
0x128: {  	v3 =	vor.u32 $0x5, v2;
	v1 =	vld.idx.msk [tilespmem:v38+s24+$0x0], $0xffff  }
0x129: {  	v39 =	vor.u32 $0x6, v34;
	_ =	sdelay $0x3  }
0x12a: {  	[tilespmem:v3+s16+$0x0] =	vst.idx.msk $0xffff, v1  }
0x12b: {  	v3 =	vor.u32 $0x6, v2;
	v1 =	vld.idx.msk [tilespmem:v39+s24+$0x0], $0xffff  }
0x12c: {  	v40 =	vor.u32 $0x7, v34;
	_ =	sdelay $0x3  }
0x12d: {  	[tilespmem:v3+s16+$0x0] =	vst.idx.msk $0xffff, v1  }
0x12e: {  	v3 =	vor.u32 $0x7, v2;
	v1 =	vld.idx.msk [tilespmem:v40+s24+$0x0], $0xffff  }
0x12f: {  	v41 =	vor.u32 $0x8, v34;
	_ =	sdelay $0x3  }
0x130: {  	[tilespmem:v3+s16+$0x0] =	vst.idx.msk $0xffff, v1  }
0x131: {  	v3 =	vor.u32 $0x8, v2;
	v1 =	vld.idx.msk [tilespmem:v41+s24+$0x0], $0xffff  }
0x132: {  	v42 =	vor.u32 $0x9, v34;
	_ =	sdelay $0x3  }
0x133: {  	[tilespmem:v3+s16+$0x0] =	vst.idx.msk $0xffff, v1  }
0x134: {  	v3 =	vor.u32 $0x9, v2;
	v1 =	vld.idx.msk [tilespmem:v42+s24+$0x0], $0xffff  }
0x135: {  	v43 =	vor.u32 $0xA, v34;
	_ =	sdelay $0x3  }
0x136: {  	[tilespmem:v3+s16+$0x0] =	vst.idx.msk $0xffff, v1  }
0x137: {  	v3 =	vor.u32 $0xA, v2;
	v1 =	vld.idx.msk [tilespmem:v43+s24+$0x0], $0xffff  }
0x138: {  	v44 =	vor.u32 $0xB, v34;
	_ =	sdelay $0x3  }
0x139: {  	[tilespmem:v3+s16+$0x0] =	vst.idx.msk $0xffff, v1  }
0x13a: {  	v3 =	vor.u32 $0xB, v2;
	v1 =	vld.idx.msk [tilespmem:v44+s24+$0x0], $0xffff  }
0x13b: {  	v45 =	vor.u32 $0xC, v34;
	_ =	sdelay $0x3  }
0x13c: {  	[tilespmem:v3+s16+$0x0] =	vst.idx.msk $0xffff, v1  }
0x13d: {  	v3 =	vor.u32 $0xC, v2;
	v1 =	vld.idx.msk [tilespmem:v45+s24+$0x0], $0xffff  }
0x13e: {  	v46 =	vor.u32 $0xD, v34;
	_ =	sdelay $0x3  }
0x13f: {  	[tilespmem:v3+s16+$0x0] =	vst.idx.msk $0xffff, v1  }
0x140: {  	v3 =	vor.u32 $0xD, v2;
	v1 =	vld.idx.msk [tilespmem:v46+s24+$0x0], $0xffff  }
0x141: {  	v47 =	vor.u32 $0xE, v34;
	_ =	sdelay $0x3  }
0x142: {  	[tilespmem:v3+s16+$0x0] =	vst.idx.msk $0xffff, v1  }
0x143: {  	v3 =	vor.u32 $0xE, v2;
	v1 =	vld.idx.msk [tilespmem:v47+s24+$0x0], $0xffff  }
0x144: {  	v48 =	vor.u32 $0xF, v34;
	_ =	sdelay $0x3  }
0x145: {  	[tilespmem:v3+s16+$0x0] =	vst.idx.msk $0xffff, v1  }
0x146: {  	v3 =	vor.u32 $0xF, v2;
	v1 =	vld.idx.msk [tilespmem:v48+s24+$0x0], $0xffff  }
0x147: {  	v49 =	vor.u32 $0x10, v34;
	_ =	sdelay $0x3  }
0x148: {  	[tilespmem:v3+s16+$0x0] =	vst.idx.msk $0xffff, v1  }
0x149: {  	v3 =	vor.u32 $0x10, v2;
	v1 =	vld.idx.msk [tilespmem:v49+s24+$0x0], $0xffff  }
0x14a: {  	v50 =	vor.u32 $0x11, v34;
	_ =	sdelay $0x3  }
0x14b: {  	[tilespmem:v3+s16+$0x0] =	vst.idx.msk $0xffff, v1  }
0x14c: {  	v3 =	vor.u32 $0x11, v2;
	v1 =	vld.idx.msk [tilespmem:v50+s24+$0x0], $0xffff  }
0x14d: {  	v51 =	vor.u32 $0x12, v34;
	_ =	sdelay $0x3  }
0x14e: {  	[tilespmem:v3+s16+$0x0] =	vst.idx.msk $0xffff, v1  }
0x14f: {  	v3 =	vor.u32 $0x12, v2;
	v1 =	vld.idx.msk [tilespmem:v51+s24+$0x0], $0xffff  }
0x150: {  	v52 =	vor.u32 $0x13, v34;
	_ =	sdelay $0x3  }
0x151: {  	[tilespmem:v3+s16+$0x0] =	vst.idx.msk $0xffff, v1  }
0x152: {  	v3 =	vor.u32 $0x13, v2;
	v1 =	vld.idx.msk [tilespmem:v52+s24+$0x0], $0xffff  }
0x153: {  	v53 =	vor.u32 $0x14, v34;
	_ =	sdelay $0x3  }
0x154: {  	[tilespmem:v3+s16+$0x0] =	vst.idx.msk $0xffff, v1  }
0x155: {  	v3 =	vor.u32 $0x14, v2;
	v1 =	vld.idx.msk [tilespmem:v53+s24+$0x0], $0xffff  }
0x156: {  	v54 =	vor.u32 $0x15, v34;
	_ =	sdelay $0x3  }
0x157: {  	[tilespmem:v3+s16+$0x0] =	vst.idx.msk $0xffff, v1  }
0x158: {  	v3 =	vor.u32 $0x15, v2;
	v1 =	vld.idx.msk [tilespmem:v54+s24+$0x0], $0xffff  }
0x159: {  	v55 =	vor.u32 $0x16, v34;
	_ =	sdelay $0x3  }
0x15a: {  	[tilespmem:v3+s16+$0x0] =	vst.idx.msk $0xffff, v1  }
0x15b: {  	v3 =	vor.u32 $0x16, v2;
	v1 =	vld.idx.msk [tilespmem:v55+s24+$0x0], $0xffff  }
0x15c: {  	v56 =	vor.u32 $0x17, v34;
	_ =	sdelay $0x3  }
0x15d: {  	[tilespmem:v3+s16+$0x0] =	vst.idx.msk $0xffff, v1  }
0x15e: {  	v3 =	vor.u32 $0x17, v2;
	v1 =	vld.idx.msk [tilespmem:v56+s24+$0x0], $0xffff  }
0x15f: {  	v57 =	vor.u32 $0x18, v34;
	_ =	sdelay $0x3  }
0x160: {  	[tilespmem:v3+s16+$0x0] =	vst.idx.msk $0xffff, v1  }
0x161: {  	v3 =	vor.u32 $0x18, v2;
	v1 =	vld.idx.msk [tilespmem:v57+s24+$0x0], $0xffff  }
0x162: {  	v58 =	vor.u32 $0x19, v34;
	_ =	sdelay $0x3  }
0x163: {  	[tilespmem:v3+s16+$0x0] =	vst.idx.msk $0xffff, v1  }
0x164: {  	v3 =	vor.u32 $0x19, v2;
	v1 =	vld.idx.msk [tilespmem:v58+s24+$0x0], $0xffff  }
0x165: {  	v59 =	vor.u32 $0x1A, v34;
	_ =	sdelay $0x3  }
0x166: {  	[tilespmem:v3+s16+$0x0] =	vst.idx.msk $0xffff, v1  }
0x167: {  	v3 =	vor.u32 $0x1A, v2;
	v1 =	vld.idx.msk [tilespmem:v59+s24+$0x0], $0xffff  }
0x168: {  	v60 =	vor.u32 $0x1B, v34;
	_ =	sdelay $0x3  }
0x169: {  	[tilespmem:v3+s16+$0x0] =	vst.idx.msk $0xffff, v1  }
0x16a: {  	v3 =	vor.u32 $0x1B, v2;
	v1 =	vld.idx.msk [tilespmem:v60+s24+$0x0], $0xffff  }
0x16b: {  	v61 =	vor.u32 $0x1C, v34;
	_ =	sdelay $0x3  }
0x16c: {  	[tilespmem:v3+s16+$0x0] =	vst.idx.msk $0xffff, v1  }
0x16d: {  	v3 =	vor.u32 $0x1C, v2;
	v1 =	vld.idx.msk [tilespmem:v61+s24+$0x0], $0xffff  }
0x16e: {  	v62 =	vor.u32 $0x1D, v34;
	_ =	sdelay $0x3  }
0x16f: {  	[tilespmem:v3+s16+$0x0] =	vst.idx.msk $0xffff, v1  }
0x170: {  	v3 =	vor.u32 $0x1D, v2;
	v1 =	vld.idx.msk [tilespmem:v62+s24+$0x0], $0xffff  }
0x171: {  	v63 =	vor.u32 $0x1E, v34;
	_ =	sdelay $0x3  }
0x172: {  	[tilespmem:v3+s16+$0x0] =	vst.idx.msk $0xffff, v1  }
0x173: {  	v3 =	vor.u32 $0x1E, v2;
	v1 =	vld.idx.msk [tilespmem:v63+s24+$0x0], $0xffff  }
0x174: {  	v4 =	vor.u32 $0x1F, v34;
	_ =	sdelay $0x3  }
0x175: {  	[tilespmem:v3+s16+$0x0] =	vst.idx.msk $0xffff, v1  }
0x176: {  	p1 =	sne.s32 s3, $0xF0;
	v2 =	vor.u32 $0x1F, v2;
	v1 =	vld.idx.msk [tilespmem:v4+s24+$0x0], $0xffff  }
.Ltmp1:
0x177: {  	_ = 	snop;
	(pc) =	sbr.rel @p1 .LBB2_5-.Ltmp1, $2  }
0x178: {  	_ =	sdelay $0x2  }
0x179: {  	s25 =	sadd.s32 $0x10, s25;
	s10 =	sadd.s32 $0x10, s10;
	s3 =	sadd.s32 $0x10, s3;
	[tilespmem:v2+s16+$0x0] =	vst.idx.msk $0xffff, v1  }
0x17a: {  	_ =	swait.ge [sflag:s21], $0x2000  }
0x17b: {  	[sflag:s21] =	ssyncset.done $0x0  }
0x17c: {  	[sflag:s21] =	ssyncadd.s32 $0xFFFFE000  }
0x17d: {  	_ =	swait.ge [sflag:s21], $0x2000  }
0x17e: {  	[sflag:s21] =	ssyncset.done $0x0  }
0x17f: {  	[sflag:s21] =	ssyncadd.s32 $0xFFFFE000  }
0x180: {  	_ =	swait.ge [sflag:s21], $0x2000  }
0x181: {  	[sflag:s21] =	ssyncset.done $0x0  }
0x182: {  	[sflag:s21] =	ssyncadd.s32 $0xFFFFE000  }
0x183: {  	s3 =	smul.u32 $0x1600, s14;
	_ =	swait.ge [sflag:s21], $0x2000  }
0x184: {  	[sflag:s21] =	ssyncset.done $0x0  }
0x185: {  	s14 =	simm.s32 $0x800;
	s10 =	sadd.s32 s13, s3;
	[sflag:s21] =	ssyncadd.s32 $0xFFFFE000  }
0x186: {  	[hbm4b:s10+s2] =	stream.strided.scatter [tilespmem:s14], [sflag:$0x5], $0x4000, s23, s2, $0x38;
	[tilespmem:$0x1A880] =	vst v63  }
0x187: {  	s25 =	smov.u32 s13;
	s13 =	simm.s32 $0x10;
	s14 =	sadd.s32 s3, s17  }
0x188: {  	[hbm4b:s14+s13] =	stream.strided.scatter [tilespmem:s15], [sflag:$0x5], $0x1000, s23, s13, $0x38;
	[tilespmem:$0x1A880] =	vst v63  }
0x189: {  	s10 =	sadd.s32 s3, s18;
	s14 =	simm.s32 $0x20  }
0x18a: {  	[hbm4b:s10+s14] =	stream.strided.scatter [tilespmem:s16], [sflag:$0x5], $0x2000, s23, s14, $0x38;
	[tilespmem:$0x1A880] =	vst v63  }
0x18b: {  	s3 =	sadd.s32 s3, s19;
	s14 =	simm.s32 $0x7800  }
0x18c: {  	[hbm4b:s3+s2] =	stream.strided.scatter [tilespmem:s14], [sflag:$0x5], $0x4000, s23, s2, $0x38;
	[tilespmem:$0x1A880] =	vst v63  }
0x18d: {  	_ =	swait.ge [sflag:s26], $0x100  }
0x18e: {  	[sflag:s26] =	ssyncset.done $0x0  }
0x18f: {  	[sflag:s26] =	ssyncadd.s32 $0xFFFFFF00  }
0x190: {  	_ =	swait.ge [sflag:s26], $0x100  }
0x191: {  	[sflag:s26] =	ssyncset.done $0x0  }
0x192: {  	[sflag:s26] =	ssyncadd.s32 $0xFFFFFF00  }
0x193: {  	_ =	swait.ge [sflag:s26], $0x100  }
0x194: {  	[sflag:s26] =	ssyncset.done $0x0  }
0x195: {  	[sflag:s26] =	ssyncadd.s32 $0xFFFFFF00  }
0x196: {  	_ =	swait.ge [sflag:s26], $0x100  }
0x197: {  	[sflag:s26] =	ssyncset.done $0x0  }
0x198: {  	s3 =	simm.s32 @!p0 $0x6;
	[sflag:s26] =	ssyncadd.s32 $0xFFFFFF00  }
0x199: {  	_ =	swait.ge @!p0 [sflag:s3], $0x4000  }
0x19a: {  	[sflag:s3] =	ssyncset.done @!p0 $0x0  }
0x19b: {  	[sflag:s3] =	ssyncadd.s32 @!p0 $0xFFFFC000  }
0x19c: {  	_ =	swait.ge @!p0 [sflag:s3], $0x1000  }
0x19d: {  	[sflag:s3] =	ssyncset.done @!p0 $0x0  }
0x19e: {  	[sflag:s3] =	ssyncadd.s32 @!p0 $0xFFFFF000  }
0x19f: {  	_ =	swait.ge @!p0 [sflag:s3], $0x2000  }
0x1a0: {  	[sflag:s3] =	ssyncset.done @!p0 $0x0  }
0x1a1: {  	[sflag:s3] =	ssyncadd.s32 @!p0 $0xFFFFE000  }
0x1a2: {  	_ =	swait.ge @!p0 [sflag:s3], $0x4000  }
0x1a3: {  	s10 =	simm.s32 $0x400;
	s14 =	simm.s32 $0xB800;
	[sflag:s3] =	ssyncset.done @!p0 $0x0  }
0x1a4: {  	[sflag:s3] =	ssyncadd.s32 @!p0 $0xFFFFC000;
	p0 =	seq.s32 s31, $0x31;
	s3 =	rddreg [dreg:$0x9]  }
0x1a5: {  	[tilespmem:s14], [sflag:$0x4] =	stream.indirect.gather [hbm4b:s8+s30], $0x40, s10, s30, $0xb8;
	[tilespmem:$0x1A880] =	vst v63  }
0x1a6: {  	s10 =	simm.s32 $0x700;
	s14 =	simm.s32 $0x12800;
	s3 =	sadd.s32 @!p0 s9, s3  }
0x1a7: {  	[tilespmem:s14], [sflag:$0x4] =	stream.indirect.gather [hbm4b:s11+s30], $0x40, s10, s30, $0xb8;
	[tilespmem:$0x1A880] =	vst v63  }
0x1a8: {  	s3 =	sshll.u32 @!p0 s3, $0x5;
	s10 =	simm.s32 $0x480;
	s14 =	simm.s32 $0xD800  }
0x1a9: {  	[tilespmem:s14], [sflag:$0x4] =	stream.indirect.gather [hbm4b:s8+s30], $0x40, s10, s30, $0xb8;
	[tilespmem:$0x1A880] =	vst v63  }
0x1aa: {  	s3 =	sand.u32 @!p0 $0x1FFFFFC0, s3;
	s10 =	simm.s32 $0x780;
	s14 =	simm.s32 $0x14800  }
0x1ab: {  	[tilespmem:s14], [sflag:$0x4] =	stream.indirect.gather [hbm4b:s11+s30], $0x40, s10, s30, $0xb8;
	[tilespmem:$0x1A880] =	vst v63  }
0x1ac: {  	s9 =	sadd.s32 @!p0 s4, s3;
	s10 =	simm.s32 @!p0 $0x0  }
0x1ad: {  	[tilespmem:s10], [sflag:$0x1] =	stream.linear.gather @!p0 [hbm4b:s9+s10], $0x100, $0x38;
	[tilespmem:$0x1A880] =	vst v63  }
0x1ae: {  	s14 =	simm.s32 @!p0 $0x100;
	s9 =	sadd.s32 @!p0 s5, s3  }
0x1af: {  	[tilespmem:s14], [sflag:$0x1] =	stream.linear.gather @!p0 [hbm4b:s9+s10], $0x100, $0x38;
	[tilespmem:$0x1A880] =	vst v63  }
0x1b0: {  	s9 =	sadd.s32 @!p0 s6, s3;
	s14 =	simm.s32 @!p0 $0x200  }
0x1b1: {  	[tilespmem:s14], [sflag:$0x1] =	stream.linear.gather @!p0 [hbm4b:s9+s10], $0x100, $0x38;
	[tilespmem:$0x1A880] =	vst v63  }
0x1b2: {  	s3 =	sadd.s32 @!p0 s7, s3;
	s9 =	simm.s32 @!p0 $0x300  }
0x1b3: {  	[tilespmem:s9], [sflag:$0x1] =	stream.linear.gather @!p0 [hbm4b:s3+s10], $0x100, $0x38;
	[tilespmem:$0x1A880] =	vst v63  }
0x1b4: {  	s3 =	simm.s32 $0x0;
	s9 =	simm.s32 $0x500;
	s10 =	simm.s32 $0x600  }
.LBB2_7:
0x1b5: {  	v1 =	vld [tilespmem:s9+$0x0];
	_ =	sdelay $0x4  }
0x1b6: {  	v1 =	vshll.u32 v1, $0x4;
	_ =	sdelay $0x3  }
0x1b7: {  	v2 =	vor.u32 s3, v0  }
0x1b8: {  	v4 =	vshll.u32 v2, $0x4;
	v3 =	vld.idx.msk [tilespmem:v1+s22+$0x0], $0xffff  }
0x1b9: {  	v5 =	vor.u32 $0x1, v1;
	_ =	sdelay $0x3  }
0x1ba: {  	v6 =	vld [tilespmem:s10+$0x0];
	[tilespmem:v4+s28+$0x0] =	vst.idx.msk $0xffff, v3  }
0x1bb: {  	v63 =	vor.u32 $0x1, v4;
	v3 =	vld.idx.msk [tilespmem:v5+s22+$0x0], $0xffff  }
0x1bc: {  	v7 =	vor.u32 $0x2, v1;
	_ =	sdelay $0x3  }
0x1bd: {  	[tilespmem:v63+s28+$0x0] =	vst.idx.msk $0xffff, v3  }
0x1be: {  	v9 =	vor.u32 $0x2, v4;
	v3 =	vld.idx.msk [tilespmem:v7+s22+$0x0], $0xffff  }
0x1bf: {  	v10 =	vor.u32 $0x3, v1;
	_ =	sdelay $0x3  }
0x1c0: {  	[tilespmem:v9+s28+$0x0] =	vst.idx.msk $0xffff, v3  }
0x1c1: {  	v11 =	vor.u32 $0x3, v4;
	v3 =	vld.idx.msk [tilespmem:v10+s22+$0x0], $0xffff  }
0x1c2: {  	v12 =	vor.u32 $0x4, v1;
	_ =	sdelay $0x3  }
0x1c3: {  	[tilespmem:v11+s28+$0x0] =	vst.idx.msk $0xffff, v3  }
0x1c4: {  	v13 =	vor.u32 $0x4, v4;
	v3 =	vld.idx.msk [tilespmem:v12+s22+$0x0], $0xffff  }
0x1c5: {  	v14 =	vor.u32 $0x5, v1;
	_ =	sdelay $0x3  }
0x1c6: {  	[tilespmem:v13+s28+$0x0] =	vst.idx.msk $0xffff, v3  }
0x1c7: {  	v15 =	vor.u32 $0x5, v4;
	v3 =	vld.idx.msk [tilespmem:v14+s22+$0x0], $0xffff  }
0x1c8: {  	v16 =	vor.u32 $0x6, v1;
	_ =	sdelay $0x3  }
0x1c9: {  	[tilespmem:v15+s28+$0x0] =	vst.idx.msk $0xffff, v3  }
0x1ca: {  	v17 =	vor.u32 $0x6, v4;
	v3 =	vld.idx.msk [tilespmem:v16+s22+$0x0], $0xffff  }
0x1cb: {  	v18 =	vor.u32 $0x7, v1;
	_ =	sdelay $0x3  }
0x1cc: {  	[tilespmem:v17+s28+$0x0] =	vst.idx.msk $0xffff, v3  }
0x1cd: {  	v19 =	vor.u32 $0x7, v4;
	v3 =	vld.idx.msk [tilespmem:v18+s22+$0x0], $0xffff  }
0x1ce: {  	v20 =	vor.u32 $0x8, v1;
	_ =	sdelay $0x3  }
0x1cf: {  	[tilespmem:v19+s28+$0x0] =	vst.idx.msk $0xffff, v3  }
0x1d0: {  	v21 =	vor.u32 $0x8, v4;
	v3 =	vld.idx.msk [tilespmem:v20+s22+$0x0], $0xffff  }
0x1d1: {  	v22 =	vor.u32 $0x9, v1;
	_ =	sdelay $0x3  }
0x1d2: {  	[tilespmem:v21+s28+$0x0] =	vst.idx.msk $0xffff, v3  }
0x1d3: {  	v23 =	vor.u32 $0x9, v4;
	v3 =	vld.idx.msk [tilespmem:v22+s22+$0x0], $0xffff  }
0x1d4: {  	v24 =	vor.u32 $0xA, v1;
	_ =	sdelay $0x3  }
0x1d5: {  	[tilespmem:v23+s28+$0x0] =	vst.idx.msk $0xffff, v3  }
0x1d6: {  	v25 =	vor.u32 $0xA, v4;
	v3 =	vld.idx.msk [tilespmem:v24+s22+$0x0], $0xffff  }
0x1d7: {  	v26 =	vor.u32 $0xB, v1;
	_ =	sdelay $0x3  }
0x1d8: {  	[tilespmem:v25+s28+$0x0] =	vst.idx.msk $0xffff, v3  }
0x1d9: {  	v27 =	vor.u32 $0xB, v4;
	v3 =	vld.idx.msk [tilespmem:v26+s22+$0x0], $0xffff  }
0x1da: {  	v28 =	vor.u32 $0xC, v1;
	_ =	sdelay $0x3  }
0x1db: {  	[tilespmem:v27+s28+$0x0] =	vst.idx.msk $0xffff, v3  }
0x1dc: {  	v29 =	vor.u32 $0xC, v4;
	v3 =	vld.idx.msk [tilespmem:v28+s22+$0x0], $0xffff  }
0x1dd: {  	v30 =	vor.u32 $0xD, v1;
	_ =	sdelay $0x3  }
0x1de: {  	[tilespmem:v29+s28+$0x0] =	vst.idx.msk $0xffff, v3  }
0x1df: {  	v31 =	vor.u32 $0xD, v4;
	v3 =	vld.idx.msk [tilespmem:v30+s22+$0x0], $0xffff  }
0x1e0: {  	v32 =	vor.u32 $0xE, v1;
	_ =	sdelay $0x3  }
0x1e1: {  	[tilespmem:v31+s28+$0x0] =	vst.idx.msk $0xffff, v3  }
0x1e2: {  	v33 =	vor.u32 $0xE, v4;
	v3 =	vld.idx.msk [tilespmem:v32+s22+$0x0], $0xffff  }
0x1e3: {  	v1 =	vor.u32 $0xF, v1;
	_ =	sdelay $0x3  }
0x1e4: {  	[tilespmem:v33+s28+$0x0] =	vst.idx.msk $0xffff, v3  }
0x1e5: {  	v3 =	vor.u32 $0xF, v4;
	v1 =	vld.idx.msk [tilespmem:v1+s22+$0x0], $0xffff  }
0x1e6: {  	v34 =	vshll.u32 v6, $0x5;
	_ =	sdelay $0x3  }
0x1e7: {  	[tilespmem:v3+s28+$0x0] =	vst.idx.msk $0xffff, v1  }
0x1e8: {  	v2 =	vshll.u32 v2, $0x5;
	v1 =	vld.idx.msk [tilespmem:v34+s24+$0x0], $0xffff  }
0x1e9: {  	v3 =	vor.u32 $0x1, v34;
	_ =	sdelay $0x3  }
0x1ea: {  	[tilespmem:v2+s1+$0x0] =	vst.idx.msk $0xffff, v1  }
0x1eb: {  	v1 =	vld.idx.msk [tilespmem:v3+s24+$0x0], $0xffff;
	v3 =	vor.u32 $0x1, v2  }
0x1ec: {  	v35 =	vor.u32 $0x2, v34;
	_ =	sdelay $0x3  }
0x1ed: {  	[tilespmem:v3+s1+$0x0] =	vst.idx.msk $0xffff, v1  }
0x1ee: {  	v3 =	vor.u32 $0x2, v2;
	v1 =	vld.idx.msk [tilespmem:v35+s24+$0x0], $0xffff  }
0x1ef: {  	v36 =	vor.u32 $0x3, v34;
	_ =	sdelay $0x3  }
0x1f0: {  	[tilespmem:v3+s1+$0x0] =	vst.idx.msk $0xffff, v1  }
0x1f1: {  	v3 =	vor.u32 $0x3, v2;
	v1 =	vld.idx.msk [tilespmem:v36+s24+$0x0], $0xffff  }
0x1f2: {  	v37 =	vor.u32 $0x4, v34;
	_ =	sdelay $0x3  }
0x1f3: {  	[tilespmem:v3+s1+$0x0] =	vst.idx.msk $0xffff, v1  }
0x1f4: {  	v3 =	vor.u32 $0x4, v2;
	v1 =	vld.idx.msk [tilespmem:v37+s24+$0x0], $0xffff  }
0x1f5: {  	v38 =	vor.u32 $0x5, v34;
	_ =	sdelay $0x3  }
0x1f6: {  	[tilespmem:v3+s1+$0x0] =	vst.idx.msk $0xffff, v1  }
0x1f7: {  	v3 =	vor.u32 $0x5, v2;
	v1 =	vld.idx.msk [tilespmem:v38+s24+$0x0], $0xffff  }
0x1f8: {  	v39 =	vor.u32 $0x6, v34;
	_ =	sdelay $0x3  }
0x1f9: {  	[tilespmem:v3+s1+$0x0] =	vst.idx.msk $0xffff, v1  }
0x1fa: {  	v3 =	vor.u32 $0x6, v2;
	v1 =	vld.idx.msk [tilespmem:v39+s24+$0x0], $0xffff  }
0x1fb: {  	v40 =	vor.u32 $0x7, v34;
	_ =	sdelay $0x3  }
0x1fc: {  	[tilespmem:v3+s1+$0x0] =	vst.idx.msk $0xffff, v1  }
0x1fd: {  	v3 =	vor.u32 $0x7, v2;
	v1 =	vld.idx.msk [tilespmem:v40+s24+$0x0], $0xffff  }
0x1fe: {  	v41 =	vor.u32 $0x8, v34;
	_ =	sdelay $0x3  }
0x1ff: {  	[tilespmem:v3+s1+$0x0] =	vst.idx.msk $0xffff, v1  }
0x200: {  	v3 =	vor.u32 $0x8, v2;
	v1 =	vld.idx.msk [tilespmem:v41+s24+$0x0], $0xffff  }
0x201: {  	v42 =	vor.u32 $0x9, v34;
	_ =	sdelay $0x3  }
0x202: {  	[tilespmem:v3+s1+$0x0] =	vst.idx.msk $0xffff, v1  }
0x203: {  	v3 =	vor.u32 $0x9, v2;
	v1 =	vld.idx.msk [tilespmem:v42+s24+$0x0], $0xffff  }
0x204: {  	v43 =	vor.u32 $0xA, v34;
	_ =	sdelay $0x3  }
0x205: {  	[tilespmem:v3+s1+$0x0] =	vst.idx.msk $0xffff, v1  }
0x206: {  	v3 =	vor.u32 $0xA, v2;
	v1 =	vld.idx.msk [tilespmem:v43+s24+$0x0], $0xffff  }
0x207: {  	v44 =	vor.u32 $0xB, v34;
	_ =	sdelay $0x3  }
0x208: {  	[tilespmem:v3+s1+$0x0] =	vst.idx.msk $0xffff, v1  }
0x209: {  	v3 =	vor.u32 $0xB, v2;
	v1 =	vld.idx.msk [tilespmem:v44+s24+$0x0], $0xffff  }
0x20a: {  	v45 =	vor.u32 $0xC, v34;
	_ =	sdelay $0x3  }
0x20b: {  	[tilespmem:v3+s1+$0x0] =	vst.idx.msk $0xffff, v1  }
0x20c: {  	v3 =	vor.u32 $0xC, v2;
	v1 =	vld.idx.msk [tilespmem:v45+s24+$0x0], $0xffff  }
0x20d: {  	v46 =	vor.u32 $0xD, v34;
	_ =	sdelay $0x3  }
0x20e: {  	[tilespmem:v3+s1+$0x0] =	vst.idx.msk $0xffff, v1  }
0x20f: {  	v3 =	vor.u32 $0xD, v2;
	v1 =	vld.idx.msk [tilespmem:v46+s24+$0x0], $0xffff  }
0x210: {  	v47 =	vor.u32 $0xE, v34;
	_ =	sdelay $0x3  }
0x211: {  	[tilespmem:v3+s1+$0x0] =	vst.idx.msk $0xffff, v1  }
0x212: {  	v3 =	vor.u32 $0xE, v2;
	v1 =	vld.idx.msk [tilespmem:v47+s24+$0x0], $0xffff  }
0x213: {  	v48 =	vor.u32 $0xF, v34;
	_ =	sdelay $0x3  }
0x214: {  	[tilespmem:v3+s1+$0x0] =	vst.idx.msk $0xffff, v1  }
0x215: {  	v3 =	vor.u32 $0xF, v2;
	v1 =	vld.idx.msk [tilespmem:v48+s24+$0x0], $0xffff  }
0x216: {  	v49 =	vor.u32 $0x10, v34;
	_ =	sdelay $0x3  }
0x217: {  	[tilespmem:v3+s1+$0x0] =	vst.idx.msk $0xffff, v1  }
0x218: {  	v3 =	vor.u32 $0x10, v2;
	v1 =	vld.idx.msk [tilespmem:v49+s24+$0x0], $0xffff  }
0x219: {  	v50 =	vor.u32 $0x11, v34;
	_ =	sdelay $0x3  }
0x21a: {  	[tilespmem:v3+s1+$0x0] =	vst.idx.msk $0xffff, v1  }
0x21b: {  	v3 =	vor.u32 $0x11, v2;
	v1 =	vld.idx.msk [tilespmem:v50+s24+$0x0], $0xffff  }
0x21c: {  	v51 =	vor.u32 $0x12, v34;
	_ =	sdelay $0x3  }
0x21d: {  	[tilespmem:v3+s1+$0x0] =	vst.idx.msk $0xffff, v1  }
0x21e: {  	v3 =	vor.u32 $0x12, v2;
	v1 =	vld.idx.msk [tilespmem:v51+s24+$0x0], $0xffff  }
0x21f: {  	v52 =	vor.u32 $0x13, v34;
	_ =	sdelay $0x3  }
0x220: {  	[tilespmem:v3+s1+$0x0] =	vst.idx.msk $0xffff, v1  }
0x221: {  	v3 =	vor.u32 $0x13, v2;
	v1 =	vld.idx.msk [tilespmem:v52+s24+$0x0], $0xffff  }
0x222: {  	v53 =	vor.u32 $0x14, v34;
	_ =	sdelay $0x3  }
0x223: {  	[tilespmem:v3+s1+$0x0] =	vst.idx.msk $0xffff, v1  }
0x224: {  	v3 =	vor.u32 $0x14, v2;
	v1 =	vld.idx.msk [tilespmem:v53+s24+$0x0], $0xffff  }
0x225: {  	v54 =	vor.u32 $0x15, v34;
	_ =	sdelay $0x3  }
0x226: {  	[tilespmem:v3+s1+$0x0] =	vst.idx.msk $0xffff, v1  }
0x227: {  	v3 =	vor.u32 $0x15, v2;
	v1 =	vld.idx.msk [tilespmem:v54+s24+$0x0], $0xffff  }
0x228: {  	v55 =	vor.u32 $0x16, v34;
	_ =	sdelay $0x3  }
0x229: {  	[tilespmem:v3+s1+$0x0] =	vst.idx.msk $0xffff, v1  }
0x22a: {  	v3 =	vor.u32 $0x16, v2;
	v1 =	vld.idx.msk [tilespmem:v55+s24+$0x0], $0xffff  }
0x22b: {  	v56 =	vor.u32 $0x17, v34;
	_ =	sdelay $0x3  }
0x22c: {  	[tilespmem:v3+s1+$0x0] =	vst.idx.msk $0xffff, v1  }
0x22d: {  	v3 =	vor.u32 $0x17, v2;
	v1 =	vld.idx.msk [tilespmem:v56+s24+$0x0], $0xffff  }
0x22e: {  	v57 =	vor.u32 $0x18, v34;
	_ =	sdelay $0x3  }
0x22f: {  	[tilespmem:v3+s1+$0x0] =	vst.idx.msk $0xffff, v1  }
0x230: {  	v3 =	vor.u32 $0x18, v2;
	v1 =	vld.idx.msk [tilespmem:v57+s24+$0x0], $0xffff  }
0x231: {  	v58 =	vor.u32 $0x19, v34;
	_ =	sdelay $0x3  }
0x232: {  	[tilespmem:v3+s1+$0x0] =	vst.idx.msk $0xffff, v1  }
0x233: {  	v3 =	vor.u32 $0x19, v2;
	v1 =	vld.idx.msk [tilespmem:v58+s24+$0x0], $0xffff  }
0x234: {  	v59 =	vor.u32 $0x1A, v34;
	_ =	sdelay $0x3  }
0x235: {  	[tilespmem:v3+s1+$0x0] =	vst.idx.msk $0xffff, v1  }
0x236: {  	v3 =	vor.u32 $0x1A, v2;
	v1 =	vld.idx.msk [tilespmem:v59+s24+$0x0], $0xffff  }
0x237: {  	v60 =	vor.u32 $0x1B, v34;
	_ =	sdelay $0x3  }
0x238: {  	[tilespmem:v3+s1+$0x0] =	vst.idx.msk $0xffff, v1  }
0x239: {  	v3 =	vor.u32 $0x1B, v2;
	v1 =	vld.idx.msk [tilespmem:v60+s24+$0x0], $0xffff  }
0x23a: {  	v61 =	vor.u32 $0x1C, v34;
	_ =	sdelay $0x3  }
0x23b: {  	[tilespmem:v3+s1+$0x0] =	vst.idx.msk $0xffff, v1  }
0x23c: {  	v3 =	vor.u32 $0x1C, v2;
	v1 =	vld.idx.msk [tilespmem:v61+s24+$0x0], $0xffff  }
0x23d: {  	v62 =	vor.u32 $0x1D, v34;
	_ =	sdelay $0x3  }
0x23e: {  	[tilespmem:v3+s1+$0x0] =	vst.idx.msk $0xffff, v1  }
0x23f: {  	v3 =	vor.u32 $0x1D, v2;
	v1 =	vld.idx.msk [tilespmem:v62+s24+$0x0], $0xffff  }
0x240: {  	v63 =	vor.u32 $0x1E, v34;
	_ =	sdelay $0x3  }
0x241: {  	[tilespmem:v3+s1+$0x0] =	vst.idx.msk $0xffff, v1  }
0x242: {  	v3 =	vor.u32 $0x1E, v2;
	v1 =	vld.idx.msk [tilespmem:v63+s24+$0x0], $0xffff  }
0x243: {  	v4 =	vor.u32 $0x1F, v34;
	_ =	sdelay $0x3  }
0x244: {  	[tilespmem:v3+s1+$0x0] =	vst.idx.msk $0xffff, v1  }
0x245: {  	p0 =	sne.s32 s3, $0x70;
	v2 =	vor.u32 $0x1F, v2;
	v1 =	vld.idx.msk [tilespmem:v4+s24+$0x0], $0xffff  }
.Ltmp2:
0x246: {  	_ = 	snop;
	(pc) =	sbr.rel @p0 .LBB2_7-.Ltmp2, $2  }
0x247: {  	_ =	sdelay $0x2  }
0x248: {  	s9 =	sadd.s32 $0x10, s9;
	s10 =	sadd.s32 $0x10, s10;
	s3 =	sadd.s32 $0x10, s3;
	[tilespmem:v2+s1+$0x0] =	vst.idx.msk $0xffff, v1  }
0x249: {  	s3 =	simm.s32 $0x80;
	s9 =	simm.s32 $0x580;
	s10 =	simm.s32 $0x680  }
.LBB2_9:
0x24a: {  	v1 =	vld [tilespmem:s9+$0x0];
	_ =	sdelay $0x4  }
0x24b: {  	v1 =	vshll.u32 v1, $0x4;
	_ =	sdelay $0x3  }
0x24c: {  	v2 =	vor.u32 s3, v0  }
0x24d: {  	v4 =	vshll.u32 v2, $0x4;
	v3 =	vld.idx.msk [tilespmem:v1+s22+$0x0], $0xffff  }
0x24e: {  	v5 =	vor.u32 $0x1, v1;
	_ =	sdelay $0x3  }
0x24f: {  	v6 =	vld [tilespmem:s10+$0x0];
	[tilespmem:v4+s28+$0x0] =	vst.idx.msk $0xffff, v3  }
0x250: {  	v63 =	vor.u32 $0x1, v4;
	v3 =	vld.idx.msk [tilespmem:v5+s22+$0x0], $0xffff  }
0x251: {  	v7 =	vor.u32 $0x2, v1;
	_ =	sdelay $0x3  }
0x252: {  	[tilespmem:v63+s28+$0x0] =	vst.idx.msk $0xffff, v3  }
0x253: {  	v9 =	vor.u32 $0x2, v4;
	v3 =	vld.idx.msk [tilespmem:v7+s22+$0x0], $0xffff  }
0x254: {  	v10 =	vor.u32 $0x3, v1;
	_ =	sdelay $0x3  }
0x255: {  	[tilespmem:v9+s28+$0x0] =	vst.idx.msk $0xffff, v3  }
0x256: {  	v11 =	vor.u32 $0x3, v4;
	v3 =	vld.idx.msk [tilespmem:v10+s22+$0x0], $0xffff  }
0x257: {  	v12 =	vor.u32 $0x4, v1;
	_ =	sdelay $0x3  }
0x258: {  	[tilespmem:v11+s28+$0x0] =	vst.idx.msk $0xffff, v3  }
0x259: {  	v13 =	vor.u32 $0x4, v4;
	v3 =	vld.idx.msk [tilespmem:v12+s22+$0x0], $0xffff  }
0x25a: {  	v14 =	vor.u32 $0x5, v1;
	_ =	sdelay $0x3  }
0x25b: {  	[tilespmem:v13+s28+$0x0] =	vst.idx.msk $0xffff, v3  }
0x25c: {  	v15 =	vor.u32 $0x5, v4;
	v3 =	vld.idx.msk [tilespmem:v14+s22+$0x0], $0xffff  }
0x25d: {  	v16 =	vor.u32 $0x6, v1;
	_ =	sdelay $0x3  }
0x25e: {  	[tilespmem:v15+s28+$0x0] =	vst.idx.msk $0xffff, v3  }
0x25f: {  	v17 =	vor.u32 $0x6, v4;
	v3 =	vld.idx.msk [tilespmem:v16+s22+$0x0], $0xffff  }
0x260: {  	v18 =	vor.u32 $0x7, v1;
	_ =	sdelay $0x3  }
0x261: {  	[tilespmem:v17+s28+$0x0] =	vst.idx.msk $0xffff, v3  }
0x262: {  	v19 =	vor.u32 $0x7, v4;
	v3 =	vld.idx.msk [tilespmem:v18+s22+$0x0], $0xffff  }
0x263: {  	v20 =	vor.u32 $0x8, v1;
	_ =	sdelay $0x3  }
0x264: {  	[tilespmem:v19+s28+$0x0] =	vst.idx.msk $0xffff, v3  }
0x265: {  	v21 =	vor.u32 $0x8, v4;
	v3 =	vld.idx.msk [tilespmem:v20+s22+$0x0], $0xffff  }
0x266: {  	v22 =	vor.u32 $0x9, v1;
	_ =	sdelay $0x3  }
0x267: {  	[tilespmem:v21+s28+$0x0] =	vst.idx.msk $0xffff, v3  }
0x268: {  	v23 =	vor.u32 $0x9, v4;
	v3 =	vld.idx.msk [tilespmem:v22+s22+$0x0], $0xffff  }
0x269: {  	v24 =	vor.u32 $0xA, v1;
	_ =	sdelay $0x3  }
0x26a: {  	[tilespmem:v23+s28+$0x0] =	vst.idx.msk $0xffff, v3  }
0x26b: {  	v25 =	vor.u32 $0xA, v4;
	v3 =	vld.idx.msk [tilespmem:v24+s22+$0x0], $0xffff  }
0x26c: {  	v26 =	vor.u32 $0xB, v1;
	_ =	sdelay $0x3  }
0x26d: {  	[tilespmem:v25+s28+$0x0] =	vst.idx.msk $0xffff, v3  }
0x26e: {  	v27 =	vor.u32 $0xB, v4;
	v3 =	vld.idx.msk [tilespmem:v26+s22+$0x0], $0xffff  }
0x26f: {  	v28 =	vor.u32 $0xC, v1;
	_ =	sdelay $0x3  }
0x270: {  	[tilespmem:v27+s28+$0x0] =	vst.idx.msk $0xffff, v3  }
0x271: {  	v29 =	vor.u32 $0xC, v4;
	v3 =	vld.idx.msk [tilespmem:v28+s22+$0x0], $0xffff  }
0x272: {  	v30 =	vor.u32 $0xD, v1;
	_ =	sdelay $0x3  }
0x273: {  	[tilespmem:v29+s28+$0x0] =	vst.idx.msk $0xffff, v3  }
0x274: {  	v31 =	vor.u32 $0xD, v4;
	v3 =	vld.idx.msk [tilespmem:v30+s22+$0x0], $0xffff  }
0x275: {  	v32 =	vor.u32 $0xE, v1;
	_ =	sdelay $0x3  }
0x276: {  	[tilespmem:v31+s28+$0x0] =	vst.idx.msk $0xffff, v3  }
0x277: {  	v33 =	vor.u32 $0xE, v4;
	v3 =	vld.idx.msk [tilespmem:v32+s22+$0x0], $0xffff  }
0x278: {  	v1 =	vor.u32 $0xF, v1;
	_ =	sdelay $0x3  }
0x279: {  	[tilespmem:v33+s28+$0x0] =	vst.idx.msk $0xffff, v3  }
0x27a: {  	v3 =	vor.u32 $0xF, v4;
	v1 =	vld.idx.msk [tilespmem:v1+s22+$0x0], $0xffff  }
0x27b: {  	v34 =	vshll.u32 v6, $0x5;
	_ =	sdelay $0x3  }
0x27c: {  	[tilespmem:v3+s28+$0x0] =	vst.idx.msk $0xffff, v1  }
0x27d: {  	v2 =	vshll.u32 v2, $0x5;
	v1 =	vld.idx.msk [tilespmem:v34+s24+$0x0], $0xffff  }
0x27e: {  	v3 =	vor.u32 $0x1, v34;
	_ =	sdelay $0x3  }
0x27f: {  	[tilespmem:v2+s1+$0x0] =	vst.idx.msk $0xffff, v1  }
0x280: {  	v1 =	vld.idx.msk [tilespmem:v3+s24+$0x0], $0xffff;
	v3 =	vor.u32 $0x1, v2  }
0x281: {  	v35 =	vor.u32 $0x2, v34;
	_ =	sdelay $0x3  }
0x282: {  	[tilespmem:v3+s1+$0x0] =	vst.idx.msk $0xffff, v1  }
0x283: {  	v3 =	vor.u32 $0x2, v2;
	v1 =	vld.idx.msk [tilespmem:v35+s24+$0x0], $0xffff  }
0x284: {  	v36 =	vor.u32 $0x3, v34;
	_ =	sdelay $0x3  }
0x285: {  	[tilespmem:v3+s1+$0x0] =	vst.idx.msk $0xffff, v1  }
0x286: {  	v3 =	vor.u32 $0x3, v2;
	v1 =	vld.idx.msk [tilespmem:v36+s24+$0x0], $0xffff  }
0x287: {  	v37 =	vor.u32 $0x4, v34;
	_ =	sdelay $0x3  }
0x288: {  	[tilespmem:v3+s1+$0x0] =	vst.idx.msk $0xffff, v1  }
0x289: {  	v3 =	vor.u32 $0x4, v2;
	v1 =	vld.idx.msk [tilespmem:v37+s24+$0x0], $0xffff  }
0x28a: {  	v38 =	vor.u32 $0x5, v34;
	_ =	sdelay $0x3  }
0x28b: {  	[tilespmem:v3+s1+$0x0] =	vst.idx.msk $0xffff, v1  }
0x28c: {  	v3 =	vor.u32 $0x5, v2;
	v1 =	vld.idx.msk [tilespmem:v38+s24+$0x0], $0xffff  }
0x28d: {  	v39 =	vor.u32 $0x6, v34;
	_ =	sdelay $0x3  }
0x28e: {  	[tilespmem:v3+s1+$0x0] =	vst.idx.msk $0xffff, v1  }
0x28f: {  	v3 =	vor.u32 $0x6, v2;
	v1 =	vld.idx.msk [tilespmem:v39+s24+$0x0], $0xffff  }
0x290: {  	v40 =	vor.u32 $0x7, v34;
	_ =	sdelay $0x3  }
0x291: {  	[tilespmem:v3+s1+$0x0] =	vst.idx.msk $0xffff, v1  }
0x292: {  	v3 =	vor.u32 $0x7, v2;
	v1 =	vld.idx.msk [tilespmem:v40+s24+$0x0], $0xffff  }
0x293: {  	v41 =	vor.u32 $0x8, v34;
	_ =	sdelay $0x3  }
0x294: {  	[tilespmem:v3+s1+$0x0] =	vst.idx.msk $0xffff, v1  }
0x295: {  	v3 =	vor.u32 $0x8, v2;
	v1 =	vld.idx.msk [tilespmem:v41+s24+$0x0], $0xffff  }
0x296: {  	v42 =	vor.u32 $0x9, v34;
	_ =	sdelay $0x3  }
0x297: {  	[tilespmem:v3+s1+$0x0] =	vst.idx.msk $0xffff, v1  }
0x298: {  	v3 =	vor.u32 $0x9, v2;
	v1 =	vld.idx.msk [tilespmem:v42+s24+$0x0], $0xffff  }
0x299: {  	v43 =	vor.u32 $0xA, v34;
	_ =	sdelay $0x3  }
0x29a: {  	[tilespmem:v3+s1+$0x0] =	vst.idx.msk $0xffff, v1  }
0x29b: {  	v3 =	vor.u32 $0xA, v2;
	v1 =	vld.idx.msk [tilespmem:v43+s24+$0x0], $0xffff  }
0x29c: {  	v44 =	vor.u32 $0xB, v34;
	_ =	sdelay $0x3  }
0x29d: {  	[tilespmem:v3+s1+$0x0] =	vst.idx.msk $0xffff, v1  }
0x29e: {  	v3 =	vor.u32 $0xB, v2;
	v1 =	vld.idx.msk [tilespmem:v44+s24+$0x0], $0xffff  }
0x29f: {  	v45 =	vor.u32 $0xC, v34;
	_ =	sdelay $0x3  }
0x2a0: {  	[tilespmem:v3+s1+$0x0] =	vst.idx.msk $0xffff, v1  }
0x2a1: {  	v3 =	vor.u32 $0xC, v2;
	v1 =	vld.idx.msk [tilespmem:v45+s24+$0x0], $0xffff  }
0x2a2: {  	v46 =	vor.u32 $0xD, v34;
	_ =	sdelay $0x3  }
0x2a3: {  	[tilespmem:v3+s1+$0x0] =	vst.idx.msk $0xffff, v1  }
0x2a4: {  	v3 =	vor.u32 $0xD, v2;
	v1 =	vld.idx.msk [tilespmem:v46+s24+$0x0], $0xffff  }
0x2a5: {  	v47 =	vor.u32 $0xE, v34;
	_ =	sdelay $0x3  }
0x2a6: {  	[tilespmem:v3+s1+$0x0] =	vst.idx.msk $0xffff, v1  }
0x2a7: {  	v3 =	vor.u32 $0xE, v2;
	v1 =	vld.idx.msk [tilespmem:v47+s24+$0x0], $0xffff  }
0x2a8: {  	v48 =	vor.u32 $0xF, v34;
	_ =	sdelay $0x3  }
0x2a9: {  	[tilespmem:v3+s1+$0x0] =	vst.idx.msk $0xffff, v1  }
0x2aa: {  	v3 =	vor.u32 $0xF, v2;
	v1 =	vld.idx.msk [tilespmem:v48+s24+$0x0], $0xffff  }
0x2ab: {  	v49 =	vor.u32 $0x10, v34;
	_ =	sdelay $0x3  }
0x2ac: {  	[tilespmem:v3+s1+$0x0] =	vst.idx.msk $0xffff, v1  }
0x2ad: {  	v3 =	vor.u32 $0x10, v2;
	v1 =	vld.idx.msk [tilespmem:v49+s24+$0x0], $0xffff  }
0x2ae: {  	v50 =	vor.u32 $0x11, v34;
	_ =	sdelay $0x3  }
0x2af: {  	[tilespmem:v3+s1+$0x0] =	vst.idx.msk $0xffff, v1  }
0x2b0: {  	v3 =	vor.u32 $0x11, v2;
	v1 =	vld.idx.msk [tilespmem:v50+s24+$0x0], $0xffff  }
0x2b1: {  	v51 =	vor.u32 $0x12, v34;
	_ =	sdelay $0x3  }
0x2b2: {  	[tilespmem:v3+s1+$0x0] =	vst.idx.msk $0xffff, v1  }
0x2b3: {  	v3 =	vor.u32 $0x12, v2;
	v1 =	vld.idx.msk [tilespmem:v51+s24+$0x0], $0xffff  }
0x2b4: {  	v52 =	vor.u32 $0x13, v34;
	_ =	sdelay $0x3  }
0x2b5: {  	[tilespmem:v3+s1+$0x0] =	vst.idx.msk $0xffff, v1  }
0x2b6: {  	v3 =	vor.u32 $0x13, v2;
	v1 =	vld.idx.msk [tilespmem:v52+s24+$0x0], $0xffff  }
0x2b7: {  	v53 =	vor.u32 $0x14, v34;
	_ =	sdelay $0x3  }
0x2b8: {  	[tilespmem:v3+s1+$0x0] =	vst.idx.msk $0xffff, v1  }
0x2b9: {  	v3 =	vor.u32 $0x14, v2;
	v1 =	vld.idx.msk [tilespmem:v53+s24+$0x0], $0xffff  }
0x2ba: {  	v54 =	vor.u32 $0x15, v34;
	_ =	sdelay $0x3  }
0x2bb: {  	[tilespmem:v3+s1+$0x0] =	vst.idx.msk $0xffff, v1  }
0x2bc: {  	v3 =	vor.u32 $0x15, v2;
	v1 =	vld.idx.msk [tilespmem:v54+s24+$0x0], $0xffff  }
0x2bd: {  	v55 =	vor.u32 $0x16, v34;
	_ =	sdelay $0x3  }
0x2be: {  	[tilespmem:v3+s1+$0x0] =	vst.idx.msk $0xffff, v1  }
0x2bf: {  	v3 =	vor.u32 $0x16, v2;
	v1 =	vld.idx.msk [tilespmem:v55+s24+$0x0], $0xffff  }
0x2c0: {  	v56 =	vor.u32 $0x17, v34;
	_ =	sdelay $0x3  }
0x2c1: {  	[tilespmem:v3+s1+$0x0] =	vst.idx.msk $0xffff, v1  }
0x2c2: {  	v3 =	vor.u32 $0x17, v2;
	v1 =	vld.idx.msk [tilespmem:v56+s24+$0x0], $0xffff  }
0x2c3: {  	v57 =	vor.u32 $0x18, v34;
	_ =	sdelay $0x3  }
0x2c4: {  	[tilespmem:v3+s1+$0x0] =	vst.idx.msk $0xffff, v1  }
0x2c5: {  	v3 =	vor.u32 $0x18, v2;
	v1 =	vld.idx.msk [tilespmem:v57+s24+$0x0], $0xffff  }
0x2c6: {  	v58 =	vor.u32 $0x19, v34;
	_ =	sdelay $0x3  }
0x2c7: {  	[tilespmem:v3+s1+$0x0] =	vst.idx.msk $0xffff, v1  }
0x2c8: {  	v3 =	vor.u32 $0x19, v2;
	v1 =	vld.idx.msk [tilespmem:v58+s24+$0x0], $0xffff  }
0x2c9: {  	v59 =	vor.u32 $0x1A, v34;
	_ =	sdelay $0x3  }
0x2ca: {  	[tilespmem:v3+s1+$0x0] =	vst.idx.msk $0xffff, v1  }
0x2cb: {  	v3 =	vor.u32 $0x1A, v2;
	v1 =	vld.idx.msk [tilespmem:v59+s24+$0x0], $0xffff  }
0x2cc: {  	v60 =	vor.u32 $0x1B, v34;
	_ =	sdelay $0x3  }
0x2cd: {  	[tilespmem:v3+s1+$0x0] =	vst.idx.msk $0xffff, v1  }
0x2ce: {  	v3 =	vor.u32 $0x1B, v2;
	v1 =	vld.idx.msk [tilespmem:v60+s24+$0x0], $0xffff  }
0x2cf: {  	v61 =	vor.u32 $0x1C, v34;
	_ =	sdelay $0x3  }
0x2d0: {  	[tilespmem:v3+s1+$0x0] =	vst.idx.msk $0xffff, v1  }
0x2d1: {  	v3 =	vor.u32 $0x1C, v2;
	v1 =	vld.idx.msk [tilespmem:v61+s24+$0x0], $0xffff  }
0x2d2: {  	v62 =	vor.u32 $0x1D, v34;
	_ =	sdelay $0x3  }
0x2d3: {  	[tilespmem:v3+s1+$0x0] =	vst.idx.msk $0xffff, v1  }
0x2d4: {  	v3 =	vor.u32 $0x1D, v2;
	v1 =	vld.idx.msk [tilespmem:v62+s24+$0x0], $0xffff  }
0x2d5: {  	v63 =	vor.u32 $0x1E, v34;
	_ =	sdelay $0x3  }
0x2d6: {  	[tilespmem:v3+s1+$0x0] =	vst.idx.msk $0xffff, v1  }
0x2d7: {  	v3 =	vor.u32 $0x1E, v2;
	v1 =	vld.idx.msk [tilespmem:v63+s24+$0x0], $0xffff  }
0x2d8: {  	v4 =	vor.u32 $0x1F, v34;
	_ =	sdelay $0x3  }
0x2d9: {  	[tilespmem:v3+s1+$0x0] =	vst.idx.msk $0xffff, v1  }
0x2da: {  	p0 =	sne.s32 s3, $0xF0;
	v2 =	vor.u32 $0x1F, v2;
	v1 =	vld.idx.msk [tilespmem:v4+s24+$0x0], $0xffff  }
.Ltmp3:
0x2db: {  	_ = 	snop;
	(pc) =	sbr.rel @p0 .LBB2_9-.Ltmp3, $2  }
0x2dc: {  	_ =	sdelay $0x2  }
0x2dd: {  	s9 =	sadd.s32 $0x10, s9;
	s10 =	sadd.s32 $0x10, s10;
	s3 =	sadd.s32 $0x10, s3;
	[tilespmem:v2+s1+$0x0] =	vst.idx.msk $0xffff, v1  }
0x2de: {  	_ =	swait.ge [sflag:s20], $0x2000  }
0x2df: {  	[sflag:s20] =	ssyncset.done $0x0  }
0x2e0: {  	[sflag:s20] =	ssyncadd.s32 $0xFFFFE000  }
0x2e1: {  	_ =	swait.ge [sflag:s20], $0x2000  }
0x2e2: {  	[sflag:s20] =	ssyncset.done $0x0  }
0x2e3: {  	[sflag:s20] =	ssyncadd.s32 $0xFFFFE000  }
0x2e4: {  	_ =	swait.ge [sflag:s20], $0x2000  }
0x2e5: {  	[sflag:s20] =	ssyncset.done $0x0  }
0x2e6: {  	[sflag:s20] =	ssyncadd.s32 $0xFFFFE000  }
0x2e7: {  	s0 =	smul.u32 $0x1600, s0;
	_ =	swait.ge [sflag:s20], $0x2000  }
0x2e8: {  	s9 =	simm.s32 $0xB800;
	[sflag:s20] =	ssyncset.done $0x0  }
0x2e9: {  	s31 =	sadd.s32 $0x1, s31;
	s3 =	sadd.s32 s25, s0;
	[sflag:s20] =	ssyncadd.s32 $0xFFFFE000  }
0x2ea: {  	[hbm4b:s3+s2] =	stream.strided.scatter [tilespmem:s9], [sflag:$0x6], $0x4000, s23, s2, $0x38;
	[tilespmem:$0x1A880] =	vst v63  }
0x2eb: {  	p0 =	sne.s32 s31, $0x32;
	s9 =	sadd.s32 s0, s17  }
0x2ec: {  	[hbm4b:s9+s13] =	stream.strided.scatter [tilespmem:s28], [sflag:$0x6], $0x1000, s23, s13, $0x38;
	[tilespmem:$0x1A880] =	vst v63  }
.Ltmp4:
0x2ed: {  	_ = 	snop;
	(pc) =	sbr.rel @p0 .LBB2_2-.Ltmp4, $4  }
0x2ee: {  	s10 =	sadd.s32 s0, s18;
	s13 =	simm.s32 $0x20  }
0x2ef: {  	[hbm4b:s10+s13] =	stream.strided.scatter [tilespmem:s1], [sflag:$0x6], $0x2000, s23, s13, $0x38;
	[tilespmem:$0x1A880] =	vst v63  }
0x2f0: {  	s14 =	simm.s32 $0x12800;
	s0 =	sadd.s32 s0, s19  }
0x2f1: {  	[hbm4b:s0+s2] =	stream.strided.scatter [tilespmem:s14], [sflag:$0x6], $0x4000, s23, s2, $0x38;
	[tilespmem:$0x1A880] =	vst v63  }
0x2f2: {  	s0 =	simm.s32 $0x5  }
0x2f3: {  	_ =	swait.ge [sflag:s0], $0x4000  }
0x2f4: {  	[sflag:s0] =	ssyncset.done $0x0  }
0x2f5: {  	[sflag:s0] =	ssyncadd.s32 $0xFFFFC000  }
0x2f6: {  	_ =	swait.ge [sflag:s0], $0x1000  }
0x2f7: {  	[sflag:s0] =	ssyncset.done $0x0  }
0x2f8: {  	[sflag:s0] =	ssyncadd.s32 $0xFFFFF000  }
0x2f9: {  	_ =	swait.ge [sflag:s0], $0x2000  }
0x2fa: {  	[sflag:s0] =	ssyncset.done $0x0  }
0x2fb: {  	[sflag:s0] =	ssyncadd.s32 $0xFFFFE000  }
0x2fc: {  	_ =	swait.ge [sflag:s0], $0x4000  }
0x2fd: {  	[sflag:s0] =	ssyncset.done $0x0  }
0x2fe: {  	s3 =	simm.s32 $0x6;
	[sflag:s0] =	ssyncadd.s32 $0xFFFFC000  }
0x2ff: {  	_ =	swait.ge [sflag:s3], $0x4000  }
0x300: {  	[sflag:s3] =	ssyncset.done $0x0  }
0x301: {  	[sflag:s3] =	ssyncadd.s32 $0xFFFFC000  }
0x302: {  	_ =	swait.ge [sflag:s3], $0x1000  }
0x303: {  	[sflag:s3] =	ssyncset.done $0x0  }
0x304: {  	[sflag:s3] =	ssyncadd.s32 $0xFFFFF000  }
0x305: {  	_ =	swait.ge [sflag:s3], $0x2000  }
0x306: {  	[sflag:s3] =	ssyncset.done $0x0  }
0x307: {  	[sflag:s3] =	ssyncadd.s32 $0xFFFFE000  }
0x308: {  	_ =	swait.ge [sflag:s3], $0x4000  }
0x309: {  	s9 =	rddreg [dreg:$0xb]  }
0x30a: {  	s31 =	rddreg [dreg:$0xa];
	s9 =	sadd.s32 $0x1, s9  }
0x30b: {  	p0 =	sne.s32 s9, s31  }
.Ltmp5:
0x30c: {  	_ = 	snop;
	(pc) =	sbr.rel @p0 .LBB2_1-.Ltmp5, $3  }
0x30d: {  	_ =	sdelay $0x1  }
0x30e: {  	[sflag:s3] =	ssyncset.done $0x0  }
0x30f: {  	[sflag:s3] =	ssyncadd.s32 $0xFFFFC000  }
0x310: {  	_ =	sfence.sel $0x180000  }
0x311: {  	[bflag:$0x0] =	sbarrier.arrive $0xFFFF  }
0x312: {  	_ =	strace $0x90000047  }
0x313: {  	s0 =	stileid.u32;
	[bflag:$0x2] =	sbarrier.arrive $0xFFFF  }
0x314: {  	p0 =	sne.s32 s0, $0x0;
	s0 =	rddreg [dreg:$0x2]  }
0x315: {  	s0 =	sadd.s32 @!p0 $0x100000, s0  }
0x316: {  	[sflag:s0] =	ssyncadd.tile.s32 @!p0 $0x1;
	_ =	shalt  }
.Lfunc_end2:
_tile_overlayer_lowered:
.L_overlay_start_2:
0x317: {  	(tag) =	ssettag $0x2  }
0x318: {  	s0 =	rddreg [dreg:$0x0];
	s2 =	stileid.u32  }
0x319: {  	s1 =	rddreg [dreg:$0x1];
	p0 =	sne.s32 s2, $0x0  }
0x31a: {  	s3 =	rddreg [dreg:$0x2];
	[bflag:$0x3] =	sbarrier.arrive $0xFFFF;
	s2 =	simm.s32 @!p0 $0x1C07  }
0x31b: {  	[timem:s3], [sflag:s2] =	dma.local @!p0 [hbm:s0], s1  }
0x31c: {  	s0 =	simm.s32 @!p0 $0x7  }
0x31d: {  	_ =	swait.ge @!p0 [sflag:s0], s1  }
0x31e: {  	s1 =	ssub.s32 @!p0 $0x0, s1;
	[sflag:s0] =	ssyncset.done @!p0 $0x0  }
0x31f: {  	[sflag:s0] =	ssyncadd.s32 @!p0 s1  }
0x320: {  	[bflag:$0x3] =	sbarrier.arrive $0xFFFF  }
0x321: {  	_ =	shalt  }

// kernel: sparse-core-data-format-call.cloned.1.call-start
scs
called_computation_lowered:
.L_overlay_start_0:
0x0: {  	s2 =	sld [smem:$0x3FD9]  }
0x1: {  	s3 =	sld [smem:$0x3FFE];
	_ =	sdelay $0x1  }
0x2: {  	s1 =	srdreg.scid  }
0x3: {  	s0 =	sand.u32 $0x1, s1  }
0x4: {  	s18 =	sshll.u32 s0, $0xA;
	s2 =	sadd.s32 s3, s2  }
0x5: {  	s2 =	sadd.s32 s2, s18  }
0x6: {  	[smem:$0x3FC0] =	sst s2  }
0x7: {  	_ = 	snop  }
0x8: {  	s2 =	sld [smem:$0x3FD0];
	(tm) =	ssettm $0x1  }
0x9: {  	s19 =	sld [smem:$0x3FFB];
	_ =	sdelay $0x3  }
0xa: {  	_ =	strace s19  }
0xb: {  	s3 =	sld [smem:$0x3FFC];
	_ =	sdelay $0x3  }
0xc: {  	_ =	strace s3  }
0xd: {  	s3 =	sld [smem:$0x3FFD];
	_ =	sdelay $0x3  }
0xe: {  	_ =	strace s3  }
0xf: {  	_ =	strace $0x8FFFFFFF  }
0x10: {  	s20 =	sld [smem:$0x3FDB];
	_ =	sdelay $0x1  }
0x11: {  	s4 =	simm.s32 $_scs_section_size  }
0x12: {  	s5 =	simm.s32 $_size__tile_overlayer_lowered;
	s6 =	simm.s32 $_tile_overlayer_lowered  }
0x13: {  	s23 =	simm.s32 $0x1BFF;
	s22 =	sshll.u32 s6, $0x1;
	s3 =	sadd.s32 s4, s20  }
0x14: {  	s7 =	simm.s32 $0x0;
	s21 =	sshll.u32 s5, $0x1;
	s5 =	sadd.s32 s22, s3  }
0x15: {  	[timem:s7], [sflag:s23] =	dma.local [hbm:s5], s21  }
0x16: {  	_ =	swait.ge [sflag:s23], s21  }
0x17: {  	s4 =	ssub.s32 $0x0, s21;
	[sflag:s23] =	ssyncset.done $0x0  }
0x18: {  	[sflag:s23] =	ssyncadd.s32 s4;
	_ =	sdelay $0x1  }
0x19: {  	s24 =	simm.s32 $0x1B8B  }
0x1a: {  	_ =	swait.ge [sflag:s24], $0x1  }
0x1b: {  	[sflag:s24] =	ssyncset.done $0x0  }
0x1c: {  	s26 =	simm.s32 $0x1B8E;
	s25 =	sld [smem:$0x3FFE];
	[sflag:s24] =	ssyncadd.s32 $0xFFFFFFFF  }
0x1d: {  	s27 =	simm.s32 $execute0_lowered;
	[smem:$0x3FD2] =	sst s26  }
0x1e: {  	s5 =	sshll.u32 s27, $0x1;
	_ =	strace $0x80000049;
	[dreg:$0x1] =	wrdreg $0xFFFFFFFF  }
0x1f: {  	s28 =	simm.s32 $_size_execute0_lowered;
	s3 =	sadd.s32 s3, s5;
	[dreg:$0x0] =	wrdreg $0x0  }
0x20: {  	s5 =	sshll.u32 s28, $0x1;
	[dreg:$0x2] =	wrdreg s3  }
0x21: {  	[dreg:$0x3] =	wrdreg s5  }
0x22: {  	[dreg:$0x4] =	wrdreg $0xC0  }
0x23: {  	_ =	task [dreg:s7], $0x5FFFF  }
0x24: {  	[dreg:$0x1] =	wrdreg $0xFFFFFFFF  }
0x25: {  	[dreg:$0x0] =	wrdreg $0x60  }
0x26: {  	[dreg:$0x2] =	wrdreg s25  }
0x27: {  	[dreg:$0x3] =	wrdreg s2  }
0x28: {  	[dreg:$0x4] =	wrdreg $0x9  }
0x29: {  	_ =	task.clear_ibuf [dreg:s7], $0x5FFFF;
	_ =	strace $0x90000049  }
0x2a: {  	s29 =	simm.s32 $0x9;
	_ =	strace $0x8000004B  }
0x2b: {  	_ =	swait.ge [sflag:s29], $0x1  }
0x2c: {  	[sflag:s29] =	ssyncadd.s32 $0xFFFFFFFF  }
0x2d: {  	_ =	strace $0x9000004B  }
0x2e: {  	_ =	sfence  }
0x2f: {  	s30 =	sld [smem:$0x0];
	_ =	sdelay $0x2  }
0x30: {  	s31 =	sshll.u32 s1, $0xD;
	s1 =	sshrl.u32 s1, $0x2  }
0x31: {  	s3 =	sand.u32 $0x4000, s31;
	s1 =	sadd.s32 s1, s30  }
0x32: {  	s0 =	sor.u32 s3, s0;
	s1 =	sshll.u32 s1, $0x11  }
0x33: {  	s0 =	sor.u32 s1, s0  }
0x34: {  	s0 =	sadd.s32 $0x8F2B, s0  }
0x35: {  	[sflag:s0] =	ssyncadd.remote.s32 $0x1  }
0x36: {  	_ =	sfence.sel $0xFFFF  }
0x37: {  	[dreg:$0x0] =	wrdreg $0xFFFFFFFF;
	(pc) =	sbr.abs _section_cstart, $3  }
0x38: {  	[dreg:$0x1] =	wrdreg $0xFFFFFFFF  }
0x39: {  	_ =	task.clear_ibuf [dreg:s7], $0x2FFFF;
	_ =	strace $0x9FFFFFFF  }
0x3a: {  	(tm) =	ssettm $0x7FFFFFFF  }
0x3b: {  	_ =	shalt  }
tec
execute0_lowered:
.L_overlay_start_1:
0x0: {  	(tag) =	ssettag $0x1  }
0x1: {  	s0 =	srdreg.scid;
	s6 =	rddreg [dreg:$0x0]  }
0x2: {  	s3 =	rddreg [dreg:$0x1];
	s1 =	sshll.u32 s0, $0x4  }
0x3: {  	s5 =	simm.s32 $0x1;
	s0 =	stileid.u32;
	s1 =	sand.u32 $0x10, s1  }
0x4: {  	s31 =	simm.s32 $0x2;
	s16 =	simm.s32 $0x0;
	s1 =	sor.u32 s0, s1  }
0x5: {  	s8 =	simm.s32 $0x8000;
	s18 =	simm.s32 $0x0;
	s2 =	sshll.u32 s1, $0x7  }
0x6: {  	s17 =	simm.s32 $0x0;
	s9 =	simm.s32 $0x0;
	s4 =	ssub.s32 $0x1000, s2  }
0x7: {  	s10 =	simm.s32 $0x0;
	s11 =	simm.s32 $0x0;
	s30 =	sand.u32 $0xF80, s4  }
0x8: {  	s12 =	simm.s32 $0x0;
	s13 =	simm.s32 $0x0;
	p0 =	sne.s32 s30, $0x0  }
.Ltmp0:
0x9: {  	s7 =	sshrl.u32 s4, $0xC;
	s5 =	simm.s32 @!p0 $0x0;
	(pc) =	sbr.rel .LBB1_1-.Ltmp0, $4  }
0xa: {  	s15 =	simm.s32 $0x0;
	s1 =	rddreg [dreg:$0x2];
	s5 =	sadd.s32 s5, s7  }
0xb: {  	_ =	strace $0x8000004A;
	s4 =	simm.s32 $0x1;
	s5 =	smul.u32 $0x190, s5  }
0xc: {  	s6 =	sadd.s32 $0x2A00, s6;
	s14 =	smov.u32 s2;
	[sflag:s4] =	ssyncpa.u1 $0x0  }
0xd: {  	[sflag:s31] =	ssyncpa.u1 $0x0;
	p0 =	por $0x0, $0x0;
	s7 =	sor.u32 $0x1, s5  }
.LBB1_4:
0xe: {  	s23 =	sshra.s32 s23, $0x2;
	s30 =	sshll.u32 s9, $0xC  }
0xf: {  	p1 =	sgt.s32 s10, $0xC7;
	s24 =	smov.u32 s10;
	s25 =	sshra.s32 s10, $0x1F  }
0x10: {  	s26 =	sshll.u32 s11, $0x3;
	s28 =	smov.u32 s11;
	s29 =	sshra.s32 s11, $0x1F  }
0x11: {  	s22 =	sadd.s32 s23, s22;
	s24 =	simm.s32 @!p1 $0xC7;
	s25 =	sand.u32 s25, s10  }
0x12: {  	s23 =	sand.u32 $0xFFFF8000, s30;
	s27 =	sand.u32 $0xFFFFFC00, s26;
	p1 =	sgt.s32 s9, $0x30  }
0x13: {  	s31 =	sand.u32 s29, s11;
	s29 =	sshll.u32 s9, $0x7;
	s30 =	sshra.s32 s9, $0x1F  }
0x14: {  	[tilespmem:s21+$0x2040 ss:$0x81] =	vst.msk $0xffff, v4;
	s24 =	ssub.s32 s24, s25;
	s23 =	sadd.s32 s27, s23;
	s27 =	smov.u32 s9  }
0x15: {  	[tilespmem:s21+$0x2850 ss:$0x81] =	vst.msk $0xffff, v3;
	s29 =	sand.u32 $0x380, s29;
	s25 =	sadd.s32 $0xFFFFFF39, s24;
	s27 =	simm.s32 @!p1 $0x30  }
0x16: {  	v5 =	vld [tilespmem:s20+$0xFFFFFFD0];
	[tilespmem:s21+$0x3060 ss:$0x81] =	vst.msk $0xffff, v2;
	p1 =	sgt.s32 s11, $0xF80;
	s23 =	sshrl.u32 s23, $0xC;
	s24 =	ssub.s32 $0xC8, s24  }
0x17: {  	v58 =	vld [tilespmem:s20+$0xFFFFFFE0];
	[tilespmem:s21+$0x0 ss:$0x81] =	vst.msk $0xffff, v1;
	s28 =	simm.s32 @!p1 $0xF80;
	p1 =	sgt.s32 s25, $0x0;
	s21 =	smulhi.u32 $0x1745D18, s23  }
0x18: {  	v59 =	vld [tilespmem:s20+$0xFFFFFFF0];
	s25 =	ssub.s32 s28, s31;
	s28 =	sand.u32 s30, s9;
	s24 =	simm.s32 @p1 $0x0  }
0x19: {  	v60 =	vld [tilespmem:s20+$0x0];
	s27 =	ssub.s32 s27, s28;
	s31 =	sadd.s32 $0xFFFFF080, s25;
	s25 =	ssub.s32 $0x1000, s25  }
0x1a: {  	v61 =	vld [tilespmem:s20+$0x10];
	[tilespmem:s22+$0x3870 ss:$0x81] =	vst.msk $0xffff, v0;
	s21 =	smul.u32 $0xB0, s21;
	s28 =	sand.u32 $0x7, s11;
	p1 =	sgt.s32 s31, $0x7F  }
0x1b: {  	v62 =	vld [tilespmem:s20+$0x20];
	[tilespmem:s22+$0x810 ss:$0x81] =	vst.msk $0xffff, v5;
	s30 =	sadd.s32 $0xFFFFFFD0, s27;
	s31 =	sand.u32 $0x78, s11;
	s25 =	simm.s32 @p1 $0x0  }
0x1c: {  	v63 =	vld [tilespmem:s20+$0xFFFFFFC0];
	[tilespmem:s22+$0x1020 ss:$0x81] =	vst.msk $0xffff, v58;
	p1 =	sgt.s32 s30, $0x7F;
	s30 =	sand.u32 $0xC00, s26;
	s24 =	smul.u32 s25, s24  }
0x1d: {  	[tilespmem:s22+$0x1830 ss:$0x81] =	vst.msk $0xffff, v59;
	s26 =	ssub.s32 $0xB0, s27;
	s20 =	sor.u32 s31, s30;
	s31 =	smul.u32 $0x16000, s10  }
0x1e: {  	[tilespmem:s22+$0x2040 ss:$0x81] =	vst.msk $0xffff, v60;
	s21 =	ssub.s32 s23, s21;
	s26 =	simm.s32 @p1 $0x0;
	s20 =	sor.u32 s29, s20  }
0x1f: {  	[tilespmem:s22+$0x2850 ss:$0x81] =	vst.msk $0xffff, v61;
	s26 =	smul.u32 s26, s24;
	s20 =	sshrl.u32 s20, $0x3;
	s27 =	sadd.s32 s3, s31  }
0x20: {  	[tilespmem:s22+$0x3060 ss:$0x81] =	vst.msk $0xffff, v62;
	s21 =	sshll.u32 s21, $0x9;
	s29 =	sshll.u32 s28, $0x12;
	s20 =	sadd.s32 s20, s27  }
0x21: {  	[tilespmem:s22+$0x0 ss:$0x81] =	vst.msk $0xffff, v63;
	s31 =	sor.u32 $0x400, s29;
	s30 =	sand.u32 $0x3FFFFFFF, s26;
	s20 =	sadd.s32 s21, s20  }
0x22: {  	[hbm4b:s20+s31] =	stream.strided.scatter [tilespmem:s19], [sflag:$0x2], s30, s8, s31, $0x20;
	[tilespmem:$0x10100] =	vst v63  }
.LBB1_5:
0x23: {  	p1 =	slt.u32 s15, $0x2  }
0x24: {  	p2 =	sgt.s32 @!p1 s18, $0xC7  }
0x25: {  	s19 =	smov.u32 s18;
	s20 =	sshra.s32 @!p1 s18, $0x1F;
	p2 =	por !p2, p1  }
0x26: {  	s18 =	sand.u32 @!p1 s20, s18;
	s19 =	simm.s32 @p2 $0xC7  }
0x27: {  	p3 =	sgt.s32 @!p1 s16, $0x30;
	s18 =	ssub.s32 @!p1 s19, s18  }
0x28: {  	p4 =	sgt.s32 @!p1 s17, $0xF80;
	s21 =	sshra.s32 @!p1 s17, $0x1F;
	s19 =	sadd.s32 @!p1 $0xFFFFFF39, s18  }
0x29: {  	s20 =	smov.u32 s16;
	p2 =	sgt.s32 @!p1 s19, $0x0;
	s19 =	sshra.s32 @!p1 s16, $0x1F  }
0x2a: {  	p4 =	por !p4, p1;
	s16 =	sand.u32 @!p1 s19, s16;
	s19 =	smov.u32 s17  }
0x2b: {  	p3 =	por !p3, p1;
	s17 =	sand.u32 @!p1 s21, s17;
	s19 =	simm.s32 @p4 $0xF80  }
0x2c: {  	s20 =	simm.s32 @p3 $0x30;
	s18 =	ssub.s32 @!p1 $0xC8, s18;
	s17 =	ssub.s32 @!p1 s19, s17  }
0x2d: {  	p2 =	por !p2, p1;
	s16 =	ssub.s32 @!p1 s20, s16;
	s20 =	sadd.s32 @!p1 $0xFFFFF080, s17  }
0x2e: {  	s18 =	simm.s32 @!p2 $0x0;
	p3 =	sgt.s32 @!p1 s20, $0x7F  }
0x2f: {  	s19 =	sadd.s32 @!p1 $0xFFFFFFD0, s16;
	s17 =	ssub.s32 @!p1 $0x1000, s17;
	p3 =	por !p3, p1  }
0x30: {  	p2 =	sgt.s32 @!p1 s19, $0x7F;
	s19 =	sadd.s32 $0x80, s12;
	s17 =	simm.s32 @!p3 $0x0  }
0x31: {  	p3 =	sgt.s32 s19, $0xAF;
	s17 =	smul.u32 @!p1 s17, s18;
	s18 =	simm.s32 $0x1  }
0x32: {  	s16 =	ssub.s32 @!p1 $0xB0, s16;
	p2 =	por !p2, p1;
	s18 =	simm.s32 @!p3 $0x0  }
0x33: {  	s21 =	smov.u32 s14;
	s16 =	simm.s32 @!p2 $0x0;
	s20 =	sadd.s32 s18, s13  }
0x34: {  	s16 =	smul.u32 @!p1 s16, s17;
	s17 =	sadd.s32 $0x1000, s14;
	p2 =	sgt.s32 s20, $0xC7  }
0x35: {  	p0 =	por !p0, !p0;
	s22 =	simm.s32 @!p1 $0x2;
	s21 =	smov.u32 @p2 s17  }
0x36: {  	s19 =	simm.s32 @p3 $0x0;
	s20 =	simm.s32 @p2 $0x0;
	p2 =	sgt.s32 s21, $0xFFF  }
0x37: {  	s18 =	smov.u32 s10;
	s21 =	smov.u32 @p2 s2;
	p2 =	sne.s32 s15, s7  }
.Ltmp1:
0x38: {  	s10 =	smov.u32 s13;
	s16 =	sand.u32 @!p1 $0x3FFFFFFF, s16;
	(pc) =	sbr.rel @!p2 .LBB1_6-.Ltmp1, $4  }
0x39: {  	s17 =	smov.u32 s11;
	s11 =	smov.u32 s14;
	_ =	swait.ge @!p1 [sflag:s22], s16  }
0x3a: {  	s23 =	ssub.s32 @!p1 $0x0, s16;
	s16 =	smov.u32 s9;
	s9 =	smov.u32 s12  }
0x3b: {  	s12 =	smov.u32 s19;
	s13 =	smov.u32 s20;
	[sflag:s22] =	ssyncset.done @!p1 $0x0  }
0x3c: {  	s15 =	sadd.s32 $0x1, s15;
	[sflag:s22] =	ssyncadd.s32 @!p1 s23;
	s14 =	smov.u32 s21  }
.LBB1_1:
0x3d: {  	p1 =	sge.u32 s15, s5  }
0x3e: {  	s19 =	sshll.u32 @!p1 s13, $0x8;
	s20 =	sshll.u32 @!p1 s12, $0x3  }
0x3f: {  	s21 =	sshll.u32 @!p1 s13, $0x7;
	s19 =	sand.u32 @!p1 $0xFFFFF800, s19;
	s20 =	sand.u32 @!p1 $0xFFFFFC00, s20  }
0x40: {  	s19 =	sadd.s32 @!p1 s19, s20;
	s20 =	sand.u32 @!p1 $0x300, s21  }
0x41: {  	s19 =	sor.u32 @!p1 s20, s19  }
0x42: {  	s19 =	sshrl.u32 @!p1 s19, $0x8  }
0x43: {  	s31 =	sadd.s32 $0xFFFFFFFF, s15;
	s20 =	smulhi.u32 @!p1 $0x147AE15, s19  }
0x44: {  	s22 =	sxor.u32 @!p1 $0xFFFFFFFF, s15;
	s23 =	sand.u32 @!p1 $0x78, s12;
	s24 =	smul.u32 @!p1 $0x1900, s14  }
0x45: {  	s22 =	sshll.u32 @!p1 s22, $0xE;
	s21 =	sand.u32 @!p1 $0x80, s21;
	s20 =	smul.u32 @!p1 $0xC8, s20  }
0x46: {  	s22 =	sand.u32 @!p1 $0x4000, s22;
	s21 =	sor.u32 @!p1 s23, s21;
	s23 =	sand.u32 @!p1 $0x7, s12  }
0x47: {  	s19 =	ssub.s32 @!p1 s19, s20;
	s20 =	sshrl.u32 @!p1 s21, $0x3;
	s21 =	sadd.s32 @!p1 s6, s24  }
0x48: {  	s19 =	sshll.u32 @!p1 s19, $0x5;
	s20 =	sadd.s32 @!p1 s20, s21;
	s21 =	sshll.u32 @!p1 s23, $0x12  }
0x49: {  	s19 =	sadd.s32 @!p1 s19, s20;
	s20 =	sor.u32 @!p1 $0x80, s21;
	s21 =	simm.s32 @!p1 $0xC800  }
0x4a: {  	[tilespmem:s22], [sflag:$0x1] =	stream.strided.gather @!p1 [hbm4b:s19+s20], $0x4000, s21, s20, $0x38;
	[tilespmem:$0x10100] =	vst v63  }
0x4b: {  	p1 =	sge.u32 s31, s5  }
.Ltmp2:
0x4c: {  	_ = 	snop;
	(pc) =	sbr.rel @p1 .LBB1_5-.Ltmp2, $1  }
0x4d: {  	_ =	sdelay $0x3  }
0x4e: {  	s19 =	simm.s32 $0x1  }
0x4f: {  	_ =	swait.ge [sflag:s4], $0x4000;
	s19 =	simm.s32 @!p0 $0x0  }
0x50: {  	[sflag:s4] =	ssyncset.done $0x0;
	s20 =	sshll.u32 s19, $0xE  }
0x51: {  	[sflag:s4] =	ssyncadd.s32 $0xFFFFC000;
	s20 =	sor.u32 $0x40, s20  }
0x52: {  	s19 =	smul.u32 $0x10200, s19;
	v0 =	vld [tilespmem:s20+$0x30]  }
0x53: {  	v1 =	vld [tilespmem:s20+$0xFFFFFFD0]  }
0x54: {  	s19 =	sshrl.u32 s19, $0x2;
	v5 =	vld [tilespmem:s20+$0xFFFFFFE0]  }
0x55: {  	v6 =	vld [tilespmem:s20+$0xFFFFFFF0];
	s22 =	sor.u32 $0x8000, s19  }
0x56: {  	s31 =	sand.u32 $0x1, s15;
	v4 =	vld [tilespmem:s20+$0x0];
	s21 =	sadd.s32 $0x0, s22  }
0x57: {  	v3 =	vld [tilespmem:s20+$0x10];
	s19 =	smul.u32 $0x10200, s31;
	[tilespmem:s21+$0x3870 ss:$0x81] =	vst.msk $0xffff, v0  }
0x58: {  	v2 =	vld [tilespmem:s20+$0x20];
	[tilespmem:s21+$0x810 ss:$0x81] =	vst.msk $0xffff, v1  }
0x59: {  	s19 =	sshrl.u32 s19, $0x2;
	v1 =	vld [tilespmem:s20+$0xFFFFFFC0];
	[tilespmem:s21+$0x1020 ss:$0x81] =	vst.msk $0xffff, v5;
	s20 =	sadd.s32 $0x80, s20  }
0x5a: {  	s23 =	simm.s32 $0x4;
	s24 =	simm.s32 $0x8;
	s19 =	sor.u32 $0x8000, s19;
	[tilespmem:s21+$0x1830 ss:$0x81] =	vst.msk $0xffff, v6;
	v0 =	vld [tilespmem:s20+$0x30]  }
.LBB1_3:
0x5b: {  	p1 =	sne.s32 s24, $0x1FC;
	v5 =	vld [tilespmem:s20+$0xFFFFFFD0];
	[tilespmem:s21+$0x2040 ss:$0x81] =	vst.msk $0xffff, v4  }
0x5c: {  	v6 =	vld [tilespmem:s20+$0xFFFFFFE0];
	[tilespmem:s21+$0x2850 ss:$0x81] =	vst.msk $0xffff, v3  }
0x5d: {  	s25 =	sshra.s32 s23, $0x2;
	s23 =	smov.u32 s24;
	v7 =	vld [tilespmem:s20+$0xFFFFFFF0];
	[tilespmem:s21+$0x3060 ss:$0x81] =	vst.msk $0xffff, v2  }
.Ltmp3:
0x5e: {  	v4 =	vld [tilespmem:s20+$0x0];
	[tilespmem:s21+$0x0 ss:$0x81] =	vst.msk $0xffff, v1;
	s21 =	sadd.s32 s25, s22;
	(pc) =	sbr.rel @p1 .LBB1_3-.Ltmp3, $4  }
0x5f: {  	v3 =	vld [tilespmem:s20+$0x10];
	[tilespmem:s21+$0x3870 ss:$0x81] =	vst.msk $0xffff, v0  }
0x60: {  	[tilespmem:s21+$0x810 ss:$0x81] =	vst.msk $0xffff, v5;
	v2 =	vld [tilespmem:s20+$0x20]  }
0x61: {  	v1 =	vld [tilespmem:s20+$0xFFFFFFC0];
	[tilespmem:s21+$0x1020 ss:$0x81] =	vst.msk $0xffff, v6;
	s20 =	sadd.s32 $0x80, s20  }
0x62: {  	s24 =	sadd.s32 $0x4, s24;
	v0 =	vld [tilespmem:s20+$0x30];
	[tilespmem:s21+$0x1830 ss:$0x81] =	vst.msk $0xffff, v7  }
.Ltmp4:
0x63: {  	_ = 	snop;
	(pc) =	sbr.rel .LBB1_4-.Ltmp4, $1  }
0x64: {  	_ =	sdelay $0x3  }
.LBB1_6:
0x65: {  	_ =	sfence.sel $0x180000  }
0x66: {  	s2 =	simm.s32 $0x1;
	[bflag:$0x0] =	sbarrier.arrive $0xFFFF  }
0x67: {  	s31 =	simm.s32 $0x2;
	[sflag:s2] =	ssyncpa.u1 $0x1  }
0x68: {  	[sflag:s31] =	ssyncpa.u1 $0x1  }
0x69: {  	p0 =	sne.s32 s0, $0x0;
	_ =	strace $0x9000004A  }
0x6a: {  	s0 =	sadd.s32 @!p0 $0x100000, s1;
	[bflag:$0x2] =	sbarrier.arrive $0xFFFF  }
0x6b: {  	[sflag:s0] =	ssyncadd.tile.s32 @!p0 $0x1;
	_ =	shalt  }
.Lfunc_end1:
_tile_overlayer_lowered:
.L_overlay_start_2:
0x6c: {  	(tag) =	ssettag $0x2  }
0x6d: {  	s0 =	rddreg [dreg:$0x0];
	s2 =	stileid.u32  }
0x6e: {  	s1 =	rddreg [dreg:$0x1];
	p0 =	sne.s32 s2, $0x0  }
0x6f: {  	s3 =	rddreg [dreg:$0x2];
	[bflag:$0x3] =	sbarrier.arrive $0xFFFF;
	s2 =	simm.s32 @!p0 $0x1C01  }
0x70: {  	[timem:s3], [sflag:s2] =	dma.local @!p0 [hbm:s0], s1  }
0x71: {  	s0 =	simm.s32 @!p0 $0x1  }
0x72: {  	_ =	swait.ge @!p0 [sflag:s0], s1  }
0x73: {  	s1 =	ssub.s32 @!p0 $0x0, s1;
	[sflag:s0] =	ssyncset.done @!p0 $0x0  }
0x74: {  	[sflag:s0] =	ssyncadd.s32 @!p0 s1  }
0x75: {  	[bflag:$0x3] =	sbarrier.arrive $0xFFFF  }
0x76: {  	_ =	shalt  }

</sc_bundles>
